<compile_context>
chip_gen: v7x
topology: tpu7x:2x2x1
jax: 0.10.2.dev20260603
libtpu: 0.0.44.dev20260713+nightly
codegen_flags: <defaults>
</compile_context>

<pallas_src>
import functools

import jax
import jax.numpy as jnp
import numpy as np
from jax import lax
from jax.experimental import pallas as pl
from jax.experimental.pallas import tpu as pltpu
from jax.experimental.pallas import tpu_sc as plsc

_NW = 32
_NS = 16
_IG = 80
_CH = 400
_BE = 4000


def _xp_body(x_ref, w_ref, b_ref, o_ref):
    o_ref[...] = (
        jnp.dot(x_ref[...], w_ref[...], preferred_element_type=jnp.float32)
        + b_ref[...]
    )


_SIN_C = (6.2831853038906830, -41.341700855561710, 81.605154770549160,
          -76.703453496313200, 42.029598184164820, -14.913903738035478,
          3.2581807863802723)
_COS_C = (0.9999999999193134, -19.739208758202310, 64.939390113122070,
          -85.456685376067140, 60.242464650163825, -26.406760761349420,
          7.8066075815342780, -1.4609469951322853)


def _poly(q, coeffs):
    acc = jnp.float32(coeffs[-1])
    for c in coeffs[-2::-1]:
        acc = acc * q + jnp.float32(c)
    return acc


def _edge_body(t_ref, xpg_ref, f_ref, ws_ref, wc_ref, a_ref, wh_ref, wv_ref):
    t = t_ref[...]
    u = t * f_ref[...]
    r = u - jnp.round(u)
    q = r * r
    sinv = r * _poly(q, _SIN_C)
    cosv = _poly(q, _COS_C)
    zs = jnp.dot(sinv, ws_ref[...], preferred_element_type=jnp.float32)
    zc = jnp.dot(cosv, wc_ref[...], preferred_element_type=jnp.float32)
    h = jnp.tanh(xpg_ref[...] + zs + zc)
    attn = a_ref[...]
    shift = jnp.sum(jnp.abs(attn))
    s = jnp.sum(h * attn, axis=1, keepdims=True)
    w = jnp.exp(s - shift)
    wh_ref[...] = h * w
    wv_ref[...] = w


def _fin_body(acc0_ref, acc1_ref, den0_ref, den1_ref, o_ref):
    a = acc0_ref[0] + acc1_ref[0]
    den = (jnp.sum(den0_ref[...], axis=1, keepdims=True)
           + jnp.sum(den1_ref[...], axis=1, keepdims=True))
    o_ref[...] = jnp.where(den > 0.0, a / den, 0.0)


def _make_gather(n_nodes, n_edges, d, dtype, ig, ch):
    epw = n_edges // _NW
    nch = epw // ch
    nsub = ch // ig
    irows = epw // ig
    mesh = plsc.VectorSubcoreMesh(core_axis_name="c", subcore_axis_name="s")

    @functools.partial(
        pl.kernel,
        out_type=jax.ShapeDtypeStruct((n_edges, d), dtype),
        mesh=mesh,
        scratch_types=[
            pltpu.VMEM((irows, ig), jnp.int32),
            pltpu.VMEM((2, ch, d), dtype),
            pltpu.SemaphoreType.DMA,
            pltpu.SemaphoreType.DMA,
        ],
    )
    def gather(xp_hbm, src_hbm, out_hbm, idx_v, rows_v, gsem, wsem):
        wid = lax.axis_index("s") * 2 + lax.axis_index("c")
        base = wid * epw
        pltpu.sync_copy(src_hbm.at[wid], idx_v)

        def fire_g(j, bb):
            for t in range(nsub):
                pltpu.async_copy(
                    xp_hbm.at[idx_v.at[j * nsub + t]],
                    rows_v.at[bb, pl.ds(t * ig, ig)],
                    gsem,
                )

        def drain_g(bb):
            for t in range(nsub):
                pltpu.make_async_copy(
                    xp_hbm.at[idx_v.at[t]],
                    rows_v.at[bb, pl.ds(t * ig, ig)],
                    gsem,
                ).wait()

        def drain_w(bb):
            pltpu.make_async_copy(
                rows_v.at[bb], out_hbm.at[pl.ds(base, ch)], wsem
            ).wait()

        fire_g(0, 0)

        @pl.loop(0, nch)
        def _chunk(j):
            bb = j % 2
            drain_g(bb)

            @pl.when(j < nch - 1)
            def _():
                @pl.when(j >= 1)
                def _():
                    drain_w(1 - bb)

                fire_g(j + 1, 1 - bb)

            pltpu.async_copy(
                rows_v.at[bb], out_hbm.at[pl.ds(base + j * ch, ch)], wsem
            )

        drain_w(0)
        drain_w(1)

    return gather


def _make_scatter(n_pad, n_edges, d):
    half = n_pad // 2
    accr = half + 256
    rpt = accr // _NS
    zr = 48
    epw = n_edges // _NS
    chs = _IG
    nch = epw // chs
    mesh = plsc.VectorSubcoreMesh(core_axis_name="c", subcore_axis_name="s")

    @functools.partial(
        pl.kernel,
        out_type=(
            jax.ShapeDtypeStruct((2, accr, d), jnp.float32),
            jax.ShapeDtypeStruct((_NW, n_pad), jnp.float32),
        ),
        mesh=mesh,
        scratch_types=[
            pltpu.VMEM((4, _IG), jnp.int32),
            pltpu.VMEM((4, _IG), jnp.int32),
            pltpu.VMEM((4, chs, d), jnp.float32),
            pltpu.VMEM((4, chs), jnp.float32),
            pltpu.VMEM((zr, d), jnp.float32),
            pltpu.VMEM((n_pad,), jnp.float32),
            pltpu.VMEM_SHARED((accr, d), jnp.float32),
            pltpu.SemaphoreType.DMA,
            pltpu.SemaphoreType.DMA,
        ],
        compiler_params=pltpu.CompilerParams(needs_layout_passes=False),
    )
    def scatter(rows_hbm, wv_hbm, dst_hbm, acc_hbm, den_hbm,
                idx_v, idx_s, rows_v, wv_v, zb_v, den_v, acc_sh, lsem, ssem):
        cid = lax.axis_index("c")
        sid = lax.axis_index("s")
        lo = cid * half

        @pl.loop(0, zr)
        def _zrow(r):
            @pl.loop(0, d // 16)
            def _zcol(q):
                zb_v[r, pl.ds(q * 16, 16)] = jnp.zeros((16,), jnp.float32)

        @pl.loop(0, rpt // zr)
        def _zstripe(i):
            pltpu.sync_copy(zb_v, acc_sh.at[pl.ds(sid * rpt + i * zr, zr)])

        @pl.loop(0, n_pad // 16)
        def _zden(i):
            den_v[pl.ds(i * 16, 16)] = jnp.zeros((16,), jnp.float32)

        plsc.subcore_barrier()

        base = sid * epw

        def fire(j, b):
            pltpu.async_copy(dst_hbm.at[sid, j], idx_v.at[b], lsem)
            pltpu.async_copy(
                rows_hbm.at[pl.ds(base + j * chs, chs)], rows_v.at[b], lsem
            )
            pltpu.async_copy(
                wv_hbm.at[pl.ds(base + j * chs, chs)], wv_v.at[b], lsem
            )

        def drain(b):
            pltpu.make_async_copy(dst_hbm.at[sid, 0], idx_v.at[b], lsem).wait()
            pltpu.make_async_copy(
                rows_hbm.at[pl.ds(base, chs)], rows_v.at[b], lsem
            ).wait()
            pltpu.make_async_copy(
                wv_hbm.at[pl.ds(base, chs)], wv_v.at[b], lsem
            ).wait()

        fire(0, 0)

        @pl.loop(0, nch)
        def _chunk(j):
            b = j % 4
            drain(b)

            @pl.when(j < nch - 1)
            def _():
                fire(j + 1, (j + 1) % 4)

            for g in range(chs // 16):
                idx16 = idx_v[b, pl.ds(g * 16, 16)]
                loc = idx16 - lo
                valid = (loc >= 0) & (loc < half)
                idx_s[b, pl.ds(g * 16, 16)] = jnp.where(valid, loc, half)
                w16 = wv_v[b, pl.ds(g * 16, 16)]
                plsc.addupdate_scatter(
                    den_v, [idx16], jnp.where(valid, w16, 0.0)
                )
            pltpu.sync_copy(rows_v.at[b], acc_sh.at[idx_s.at[b]], add=True)

        plsc.subcore_barrier()

        @pl.loop(0, rpt // zr)
        def _out(i):
            pltpu.sync_copy(acc_sh.at[pl.ds(sid * rpt + i * zr, zr)], zb_v)
            pltpu.sync_copy(
                zb_v, acc_hbm.at[cid, pl.ds(sid * rpt + i * zr, zr)]
            )

        wid = sid * 2 + cid

        @pl.loop(0, n_pad // 2048)
        def _dout(k):
            pltpu.sync_copy(
                den_v.at[pl.ds(k * 2048, 2048)],
                den_hbm.at[wid, pl.ds(k * 2048, 2048)],
            )

    return scatter


def kernel(x, edge_index, edge_t, W, b, attn, freqs):
    n, d_in = x.shape
    e = edge_t.shape[0]
    d_out = W.shape[0]
    half_t = freqs.shape[0]

    src = edge_index[0].astype(jnp.int32)
    dst = edge_index[1].astype(jnp.int32)
    wxt = W[:, :d_in].T
    wst = W[:, d_in:d_in + half_t].T
    wct = W[:, d_in + half_t:].T
    b2 = b.reshape(1, d_out)
    f2 = freqs.reshape(1, half_t)
    t2 = edge_t.reshape(e, 1)
    gig = 40
    src3 = src.reshape(2, _NW, (e // 2) // (_NW * gig), gig)

    nb = 5
    xp = pl.pallas_call(
        _xp_body,
        grid=(nb,),
        in_specs=[
            pl.BlockSpec((n // nb, d_in), lambda i: (i, 0)),
            pl.BlockSpec((d_in, d_out), lambda i: (0, 0)),
            pl.BlockSpec((1, d_out), lambda i: (0, 0)),
        ],
        out_specs=pl.BlockSpec((n // nb, d_out), lambda i: (i, 0)),
        out_shape=jax.ShapeDtypeStruct((n, d_out), jnp.float32),
    )(x, wxt, b2)

    n_pad = ((n + 2047) // 2048) * 2048
    e2 = e // 2
    geb = e2 // _BE
    dst3 = dst.reshape(2, _NS, e2 // (_NS * _IG), _IG)
    gather_call = _make_gather(n, e2, d_out, jnp.float32, gig, 200)
    scatter_call = _make_scatter(n_pad, e2, d_out)
    xpgs = [gather_call(xp, src3[hh]) for hh in range(2)]
    accs, denss = [], []
    for hh in range(2):
        rows_h, wv_h = pl.pallas_call(
            _edge_body,
            grid=(geb,),
            in_specs=[
                pl.BlockSpec((_BE, 1), lambda i, hh=hh: (i + hh * geb, 0)),
                pl.BlockSpec((_BE, d_out), lambda i: (i, 0)),
                pl.BlockSpec((1, half_t), lambda i: (0, 0)),
                pl.BlockSpec((half_t, d_out), lambda i: (0, 0)),
                pl.BlockSpec((half_t, d_out), lambda i: (0, 0)),
                pl.BlockSpec((1, d_out), lambda i: (0, 0)),
            ],
            out_specs=[
                pl.BlockSpec((_BE, d_out), lambda i: (i, 0)),
                pl.BlockSpec((_BE, 1), lambda i: (i, 0)),
            ],
            out_shape=[
                jax.ShapeDtypeStruct((e2, d_out), jnp.float32),
                jax.ShapeDtypeStruct((e2, 1), jnp.float32),
            ],
        )(t2, xpgs[hh], f2, wst, wct, attn)
        acc_h, dens_h = scatter_call(rows_h, wv_h.reshape(e2), dst3[hh])
        accs.append(acc_h)
        denss.append(dens_h)

    fr = 640
    fb = n_pad // fr
    bpc = (n_pad // 2) // fr
    out = pl.pallas_call(
        _fin_body,
        grid=(fb,),
        in_specs=[
            pl.BlockSpec((1, fr, d_out), lambda i: (i // bpc, i % bpc, 0)),
            pl.BlockSpec((1, fr, d_out), lambda i: (i // bpc, i % bpc, 0)),
            pl.BlockSpec((fr, _NW), lambda i: (i, 0)),
            pl.BlockSpec((fr, _NW), lambda i: (i, 0)),
        ],
        out_specs=pl.BlockSpec((fr, d_out), lambda i: (i, 0)),
        out_shape=jax.ShapeDtypeStruct((n, d_out), jnp.float32),
    )(accs[0], accs[1], denss[0].T, denss[1].T)
    return out

# --- scband reference (transcript-rebuilt; emitter-appended) ---
"""Pipeline reference for scband-tgatencoder-33586644255097 (READ-ONLY COPY).

The authoritative reference and input builder live on the scoring server;
editing this copy changes nothing except your own understanding.
"""

import jax, jax.numpy as jnp
import numpy as np

N_NODES = 10000
N_EDGES = 320000
D_IN = 128
D_OUT = 128
T_DIM = 128


def setup_inputs(seed: int = 0) -> dict:
    key = jax.random.key(seed)
    ks = jax.random.split(key, 7)
    x = jax.random.normal(ks[0], (N_NODES, D_IN), dtype=jnp.float32)
    edge_index = jax.random.randint(ks[1], (2, N_EDGES), 0, N_NODES)
    edge_t = jax.random.uniform(ks[2], (N_EDGES,), dtype=jnp.float32)
    # Learned params
    fan_in = D_IN + T_DIM
    W = jax.random.normal(ks[3], (D_OUT, fan_in), dtype=jnp.float32) * (1.0 / np.sqrt(fan_in))
    b = jnp.zeros((D_OUT,), dtype=jnp.float32)
    attn = jax.random.normal(ks[4], (1, D_OUT), dtype=jnp.float32) * np.sqrt(2.0 / (1 + D_OUT))
    freqs = jax.random.normal(ks[5], (T_DIM // 2,), dtype=jnp.float32)  # non-trainable buffer
    return {"x": x, "edge_index": edge_index, "edge_t": edge_t, "W": W, "b": b, "attn": attn, "freqs": freqs}


def _segment_softmax(scores, index, num_segments):
    smax = jax.ops.segment_max(scores, index, num_segments=num_segments)
    smax = jnp.where(jnp.isfinite(smax), smax, 0.0)
    e = jnp.exp(scores - smax[index])
    denom = jax.ops.segment_sum(e, index, num_segments=num_segments)
    return e / (denom[index] + 1e-16)


def reference(x, edge_index, edge_t, W, b, attn, freqs):
    n = x.shape[0]
    # TimeEncode
    t = edge_t[:, None] * freqs * (2.0 * jnp.pi)
    edge_attr = jnp.concatenate([jnp.sin(t), jnp.cos(t)], axis=-1)
    src = edge_index[0]
    dst = edge_index[1]
    x_j = jnp.take(x, src, axis=0)
    msg = jnp.concatenate([x_j, edge_attr], axis=-1)
    h = jnp.tanh(msg @ W.T + b)
    score = jnp.sum(h * attn, axis=-1)
    alpha = _segment_softmax(score, dst, n)
    out = jax.ops.segment_sum(h * alpha[:, None], dst, num_segments=n)
    return out

if __name__ == "__main__":
    import jax
    _d = setup_inputs()
    print(jax.jit(kernel)(*tuple(_d.values())))

</pallas_src>

<mosaic_0001>
#map = affine_map<(d0, d1) -> (0, 0)>
#map1 = affine_map<(d0, d1) -> (0, 0, 0)>
module attributes {stable_mosaic.version = 14 : i64} {
  func.func @gather(%arg0: i32, %arg1: i32, %arg2: memref<10000x128xf32, #tpu.memory_space<hbm>>, %arg3: memref<32x125x40xi32, #tpu.memory_space<hbm>>, %arg4: memref<160000x128xf32, #tpu.memory_space<hbm>>, %arg5: memref<125x40xi32, #tpu.memory_space<vmem>>, %arg6: memref<2x200x128xf32, #tpu.memory_space<vmem>>, %arg7: memref<!tpu.dma_semaphore, #tpu.memory_space<semaphore_mem>>, %arg8: memref<!tpu.dma_semaphore, #tpu.memory_space<semaphore_mem>>) attributes {dimension_semantics = [#tpu.dimension_semantics<core_parallel>, #tpu.dimension_semantics<subcore_parallel>], iteration_bounds = array<i64: 2, 16>, scalar_prefetch = 0 : i64, scratch_operands = 4 : i64, tpu.core_type = #tpu.core_type<sc_vector_subcore>, window_params = [{transform_indices = #map}, {transform_indices = #map1}, {transform_indices = #map}]} {
    %mul3A = arith.constant 2 : i32
    %mul3A_0 = arith.muli %arg1, %mul3A : i32
    %add3A = arith.addi %mul3A_0, %arg0 : i32
    %mul3A_1 = arith.constant 5000 : i32
    %mul3A_2 = arith.muli %add3A, %mul3A_1 : i32
    "tpu.region"() ({
      %run_scoped3A = tpu.sem_alloc : memref<!tpu.dma_semaphore, #tpu.memory_space<semaphore_mem>>
      %dma_start3A_91 = arith.constant 0 : i32
      %dma_start3A_92 = arith.constant 0 : i32
      %dma_start3A_93 = tpu.memref_slice %arg3[%add3A, %dma_start3A_91, %dma_start3A_92] : memref<32x125x40xi32, #tpu.memory_space<hbm>> -> memref<1x125x40xi32, #tpu.memory_space<hbm>>
      %dma_start3A_94 = tpu.memref_squeeze %dma_start3A_93 : memref<1x125x40xi32, #tpu.memory_space<hbm>> -> memref<125x40xi32, #tpu.memory_space<hbm>>
      %dma_start3A_95 = arith.constant 0 : i32
      %dma_start3A_96 = arith.constant 0 : i32
      %dma_start3A_97 = tpu.memref_slice %arg3[%add3A, %dma_start3A_95, %dma_start3A_96] : memref<32x125x40xi32, #tpu.memory_space<hbm>> -> memref<1x125x40xi32, #tpu.memory_space<hbm>>
      %dma_start3A_98 = tpu.memref_squeeze %dma_start3A_97 : memref<1x125x40xi32, #tpu.memory_space<hbm>> -> memref<125x40xi32, #tpu.memory_space<hbm>>
      tpu.enqueue_dma source(%dma_start3A_98 : memref<125x40xi32, #tpu.memory_space<hbm>>) target(%arg5 : memref<125x40xi32, #tpu.memory_space<vmem>>) target_semaphore(%run_scoped3A : memref<!tpu.dma_semaphore, #tpu.memory_space<semaphore_mem>>)
      %dma_wait3A_99 = arith.constant 0 : i32
      %dma_wait3A_100 = arith.constant 0 : i32
      %dma_wait3A_101 = tpu.memref_slice %arg3[%add3A, %dma_wait3A_99, %dma_wait3A_100] : memref<32x125x40xi32, #tpu.memory_space<hbm>> -> memref<1x125x40xi32, #tpu.memory_space<hbm>>
      %dma_wait3A_102 = tpu.memref_squeeze %dma_wait3A_101 : memref<1x125x40xi32, #tpu.memory_space<hbm>> -> memref<125x40xi32, #tpu.memory_space<hbm>>
      %dma_wait3A_103 = arith.constant 0 : i32
      %dma_wait3A_104 = arith.constant 0 : i32
      %dma_wait3A_105 = tpu.memref_slice %arg3[%add3A, %dma_wait3A_103, %dma_wait3A_104] : memref<32x125x40xi32, #tpu.memory_space<hbm>> -> memref<1x125x40xi32, #tpu.memory_space<hbm>>
      %dma_wait3A_106 = tpu.memref_squeeze %dma_wait3A_105 : memref<1x125x40xi32, #tpu.memory_space<hbm>> -> memref<125x40xi32, #tpu.memory_space<hbm>>
      tpu.wait_dma2 semaphore(%run_scoped3A : memref<!tpu.dma_semaphore, #tpu.memory_space<semaphore_mem>>) src(%dma_wait3A_106 : memref<125x40xi32, #tpu.memory_space<hbm>>) dst(%arg5 : memref<125x40xi32, #tpu.memory_space<vmem>>)
      tpu.yield
    }) : () -> ()
    %dma_start3A = arith.constant 0 : i32
    %dma_start3A_3 = arith.constant 0 : i32
    %dma_start3A_4 = arith.constant 0 : i32
    %dma_start3A_5 = arith.constant 0 : i32
    %dma_start3A_6 = tpu.memref_slice %arg6[%dma_start3A_3, %dma_start3A_4, %dma_start3A_5] : memref<2x200x128xf32, #tpu.memory_space<vmem>> -> memref<1x40x128xf32, #tpu.memory_space<vmem>>
    %dma_start3A_7 = tpu.memref_squeeze %dma_start3A_6 : memref<1x40x128xf32, #tpu.memory_space<vmem>> -> memref<40x128xf32, #tpu.memory_space<vmem>>
    %dma_start3A_8 = arith.constant 0 : i32
    %dma_start3A_9 = tpu.memref_slice %arg5[%dma_start3A, %dma_start3A_8] : memref<125x40xi32, #tpu.memory_space<vmem>> -> memref<1x40xi32, #tpu.memory_space<vmem>>
    %dma_start3A_10 = tpu.memref_squeeze %dma_start3A_9 : memref<1x40xi32, #tpu.memory_space<vmem>> -> memref<40xi32, #tpu.memory_space<vmem>>
    %dma_start3A_11 = arith.constant 0 : i32
    %dma_start3A_12 = arith.constant 0 : i32
    %dma_start3A_13 = tpu.memref_slice %arg2[%dma_start3A_11, %dma_start3A_12] : memref<10000x128xf32, #tpu.memory_space<hbm>> -> memref<10000x128xf32, #tpu.memory_space<hbm>>
    tpu.enqueue_indirect_dma source(%dma_start3A_13 : memref<10000x128xf32, #tpu.memory_space<hbm>>) target(%dma_start3A_7 : memref<40x128xf32, #tpu.memory_space<vmem>>) offsets(%dma_start3A_10 : memref<40xi32, #tpu.memory_space<vmem>>) semaphore(%arg7 : memref<!tpu.dma_semaphore, #tpu.memory_space<semaphore_mem>>)
    %dma_start3A_14 = arith.constant 1 : i32
    %dma_start3A_15 = arith.constant 0 : i32
    %dma_start3A_16 = arith.constant 40 : i32
    %dma_start3A_17 = arith.constant 0 : i32
    %dma_start3A_18 = tpu.memref_slice %arg6[%dma_start3A_15, %dma_start3A_16, %dma_start3A_17] : memref<2x200x128xf32, #tpu.memory_space<vmem>> -> memref<1x40x128xf32, #tpu.memory_space<vmem>>
    %dma_start3A_19 = tpu.memref_squeeze %dma_start3A_18 : memref<1x40x128xf32, #tpu.memory_space<vmem>> -> memref<40x128xf32, #tpu.memory_space<vmem>>
    %dma_start3A_20 = arith.constant 0 : i32
    %dma_start3A_21 = tpu.memref_slice %arg5[%dma_start3A_14, %dma_start3A_20] : memref<125x40xi32, #tpu.memory_space<vmem>> -> memref<1x40xi32, #tpu.memory_space<vmem>>
    %dma_start3A_22 = tpu.memref_squeeze %dma_start3A_21 : memref<1x40xi32, #tpu.memory_space<vmem>> -> memref<40xi32, #tpu.memory_space<vmem>>
    %dma_start3A_23 = arith.constant 0 : i32
    %dma_start3A_24 = arith.constant 0 : i32
    %dma_start3A_25 = tpu.memref_slice %arg2[%dma_start3A_23, %dma_start3A_24] : memref<10000x128xf32, #tpu.memory_space<hbm>> -> memref<10000x128xf32, #tpu.memory_space<hbm>>
    tpu.enqueue_indirect_dma source(%dma_start3A_25 : memref<10000x128xf32, #tpu.memory_space<hbm>>) target(%dma_start3A_19 : memref<40x128xf32, #tpu.memory_space<vmem>>) offsets(%dma_start3A_22 : memref<40xi32, #tpu.memory_space<vmem>>) semaphore(%arg7 : memref<!tpu.dma_semaphore, #tpu.memory_space<semaphore_mem>>)
    %dma_start3A_26 = arith.constant 2 : i32
    %dma_start3A_27 = arith.constant 0 : i32
    %dma_start3A_28 = arith.constant 80 : i32
    %dma_start3A_29 = arith.constant 0 : i32
    %dma_start3A_30 = tpu.memref_slice %arg6[%dma_start3A_27, %dma_start3A_28, %dma_start3A_29] : memref<2x200x128xf32, #tpu.memory_space<vmem>> -> memref<1x40x128xf32, #tpu.memory_space<vmem>>
    %dma_start3A_31 = tpu.memref_squeeze %dma_start3A_30 : memref<1x40x128xf32, #tpu.memory_space<vmem>> -> memref<40x128xf32, #tpu.memory_space<vmem>>
    %dma_start3A_32 = arith.constant 0 : i32
    %dma_start3A_33 = tpu.memref_slice %arg5[%dma_start3A_26, %dma_start3A_32] : memref<125x40xi32, #tpu.memory_space<vmem>> -> memref<1x40xi32, #tpu.memory_space<vmem>>
    %dma_start3A_34 = tpu.memref_squeeze %dma_start3A_33 : memref<1x40xi32, #tpu.memory_space<vmem>> -> memref<40xi32, #tpu.memory_space<vmem>>
    %dma_start3A_35 = arith.constant 0 : i32
    %dma_start3A_36 = arith.constant 0 : i32
    %dma_start3A_37 = tpu.memref_slice %arg2[%dma_start3A_35, %dma_start3A_36] : memref<10000x128xf32, #tpu.memory_space<hbm>> -> memref<10000x128xf32, #tpu.memory_space<hbm>>
    tpu.enqueue_indirect_dma source(%dma_start3A_37 : memref<10000x128xf32, #tpu.memory_space<hbm>>) target(%dma_start3A_31 : memref<40x128xf32, #tpu.memory_space<vmem>>) offsets(%dma_start3A_34 : memref<40xi32, #tpu.memory_space<vmem>>) semaphore(%arg7 : memref<!tpu.dma_semaphore, #tpu.memory_space<semaphore_mem>>)
    %dma_start3A_38 = arith.constant 3 : i32
    %dma_start3A_39 = arith.constant 0 : i32
    %dma_start3A_40 = arith.constant 120 : i32
    %dma_start3A_41 = arith.constant 0 : i32
    %dma_start3A_42 = tpu.memref_slice %arg6[%dma_start3A_39, %dma_start3A_40, %dma_start3A_41] : memref<2x200x128xf32, #tpu.memory_space<vmem>> -> memref<1x40x128xf32, #tpu.memory_space<vmem>>
    %dma_start3A_43 = tpu.memref_squeeze %dma_start3A_42 : memref<1x40x128xf32, #tpu.memory_space<vmem>> -> memref<40x128xf32, #tpu.memory_space<vmem>>
    %dma_start3A_44 = arith.constant 0 : i32
    %dma_start3A_45 = tpu.memref_slice %arg5[%dma_start3A_38, %dma_start3A_44] : memref<125x40xi32, #tpu.memory_space<vmem>> -> memref<1x40xi32, #tpu.memory_space<vmem>>
    %dma_start3A_46 = tpu.memref_squeeze %dma_start3A_45 : memref<1x40xi32, #tpu.memory_space<vmem>> -> memref<40xi32, #tpu.memory_space<vmem>>
    %dma_start3A_47 = arith.constant 0 : i32
    %dma_start3A_48 = arith.constant 0 : i32
    %dma_start3A_49 = tpu.memref_slice %arg2[%dma_start3A_47, %dma_start3A_48] : memref<10000x128xf32, #tpu.memory_space<hbm>> -> memref<10000x128xf32, #tpu.memory_space<hbm>>
    tpu.enqueue_indirect_dma source(%dma_start3A_49 : memref<10000x128xf32, #tpu.memory_space<hbm>>) target(%dma_start3A_43 : memref<40x128xf32, #tpu.memory_space<vmem>>) offsets(%dma_start3A_46 : memref<40xi32, #tpu.memory_space<vmem>>) semaphore(%arg7 : memref<!tpu.dma_semaphore, #tpu.memory_space<semaphore_mem>>)
    %dma_start3A_50 = arith.constant 4 : i32
    %dma_start3A_51 = arith.constant 0 : i32
    %dma_start3A_52 = arith.constant 160 : i32
    %dma_start3A_53 = arith.constant 0 : i32
    %dma_start3A_54 = tpu.memref_slice %arg6[%dma_start3A_51, %dma_start3A_52, %dma_start3A_53] : memref<2x200x128xf32, #tpu.memory_space<vmem>> -> memref<1x40x128xf32, #tpu.memory_space<vmem>>
    %dma_start3A_55 = tpu.memref_squeeze %dma_start3A_54 : memref<1x40x128xf32, #tpu.memory_space<vmem>> -> memref<40x128xf32, #tpu.memory_space<vmem>>
    %dma_start3A_56 = arith.constant 0 : i32
    %dma_start3A_57 = tpu.memref_slice %arg5[%dma_start3A_50, %dma_start3A_56] : memref<125x40xi32, #tpu.memory_space<vmem>> -> memref<1x40xi32, #tpu.memory_space<vmem>>
    %dma_start3A_58 = tpu.memref_squeeze %dma_start3A_57 : memref<1x40xi32, #tpu.memory_space<vmem>> -> memref<40xi32, #tpu.memory_space<vmem>>
    %dma_start3A_59 = arith.constant 0 : i32
    %dma_start3A_60 = arith.constant 0 : i32
    %dma_start3A_61 = tpu.memref_slice %arg2[%dma_start3A_59, %dma_start3A_60] : memref<10000x128xf32, #tpu.memory_space<hbm>> -> memref<10000x128xf32, #tpu.memory_space<hbm>>
    tpu.enqueue_indirect_dma source(%dma_start3A_61 : memref<10000x128xf32, #tpu.memory_space<hbm>>) target(%dma_start3A_55 : memref<40x128xf32, #tpu.memory_space<vmem>>) offsets(%dma_start3A_58 : memref<40xi32, #tpu.memory_space<vmem>>) semaphore(%arg7 : memref<!tpu.dma_semaphore, #tpu.memory_space<semaphore_mem>>)
    %scan3A = arith.constant 0 : i32
    %scan3A_62 = arith.constant 25 : i32
    %scan3A_63 = arith.addi %scan3A, %scan3A_62 : i32
    %scan3A_64 = arith.constant 1 : i32
    scf.for %scan3A_91 = %scan3A to %scan3A_63 step %scan3A_64  : i32 {
      %mul3A_92 = arith.constant 1 : i32
      %mul3A_93 = arith.muli %scan3A_91, %mul3A_92 : i32
      %add3A_94 = arith.constant 0 : i32
      %add3A_95 = arith.addi %add3A_94, %mul3A_93 : i32
      %jit3A = arith.constant 2 : i32
      %eq3A = arith.constant 0 : i32
      %eq3A_96 = arith.cmpi eq, %jit3A, %eq3A : i32
      %jit3A_97 = arith.constant 1 : i32
      %select_n3A = arith.select %eq3A_96, %jit3A_97, %jit3A : i32
      %rem3A = arith.remsi %add3A_95, %select_n3A : i32
      %ne3A = arith.constant 0 : i32
      %ne3A_98 = arith.cmpi ne, %rem3A, %ne3A : i32
      %lt3A = arith.constant 0 : i32
      %lt3A_99 = arith.cmpi slt, %rem3A, %lt3A : i32
      %lt3A_100 = arith.constant 0 : i32
      %lt3A_101 = arith.cmpi slt, %select_n3A, %lt3A_100 : i32
      %ne3A_102 = arith.xori %lt3A_99, %lt3A_101 : i1
      %and3A = arith.andi %ne3A_102, %ne3A_98 : i1
      %add3A_103 = arith.addi %rem3A, %select_n3A : i32
      %select_n3A_104 = arith.select %and3A, %add3A_103, %rem3A : i32
      %dma_wait3A_105 = arith.constant 0 : i32
      %dma_wait3A_106 = arith.constant 0 : i32
      %dma_wait3A_107 = arith.constant 0 : i32
      %dma_wait3A_108 = tpu.memref_slice %arg6[%select_n3A_104, %dma_wait3A_106, %dma_wait3A_107] : memref<2x200x128xf32, #tpu.memory_space<vmem>> -> memref<1x40x128xf32, #tpu.memory_space<vmem>>
      %dma_wait3A_109 = tpu.memref_squeeze %dma_wait3A_108 : memref<1x40x128xf32, #tpu.memory_space<vmem>> -> memref<40x128xf32, #tpu.memory_space<vmem>>
      %dma_wait3A_110 = arith.constant 0 : i32
      %dma_wait3A_111 = tpu.memref_slice %arg5[%dma_wait3A_105, %dma_wait3A_110] : memref<125x40xi32, #tpu.memory_space<vmem>> -> memref<1x40xi32, #tpu.memory_space<vmem>>
      %dma_wait3A_112 = tpu.memref_squeeze %dma_wait3A_111 : memref<1x40xi32, #tpu.memory_space<vmem>> -> memref<40xi32, #tpu.memory_space<vmem>>
      %dma_wait3A_113 = arith.constant 0 : i32
      %dma_wait3A_114 = arith.constant 0 : i32
      %dma_wait3A_115 = tpu.memref_slice %arg2[%dma_wait3A_113, %dma_wait3A_114] : memref<10000x128xf32, #tpu.memory_space<hbm>> -> memref<10000x128xf32, #tpu.memory_space<hbm>>
      tpu.wait_indirect_dma semaphore(%arg7 : memref<!tpu.dma_semaphore, #tpu.memory_space<semaphore_mem>>) src(%dma_wait3A_115 : memref<10000x128xf32, #tpu.memory_space<hbm>>) dst(%dma_wait3A_109 : memref<40x128xf32, #tpu.memory_space<vmem>>)
      %dma_wait3A_116 = arith.constant 1 : i32
      %dma_wait3A_117 = arith.constant 40 : i32
      %dma_wait3A_118 = arith.constant 0 : i32
      %dma_wait3A_119 = tpu.memref_slice %arg6[%select_n3A_104, %dma_wait3A_117, %dma_wait3A_118] : memref<2x200x128xf32, #tpu.memory_space<vmem>> -> memref<1x40x128xf32, #tpu.memory_space<vmem>>
      %dma_wait3A_120 = tpu.memref_squeeze %dma_wait3A_119 : memref<1x40x128xf32, #tpu.memory_space<vmem>> -> memref<40x128xf32, #tpu.memory_space<vmem>>
      %dma_wait3A_121 = arith.constant 0 : i32
      %dma_wait3A_122 = tpu.memref_slice %arg5[%dma_wait3A_116, %dma_wait3A_121] : memref<125x40xi32, #tpu.memory_space<vmem>> -> memref<1x40xi32, #tpu.memory_space<vmem>>
      %dma_wait3A_123 = tpu.memref_squeeze %dma_wait3A_122 : memref<1x40xi32, #tpu.memory_space<vmem>> -> memref<40xi32, #tpu.memory_space<vmem>>
      %dma_wait3A_124 = arith.constant 0 : i32
      %dma_wait3A_125 = arith.constant 0 : i32
      %dma_wait3A_126 = tpu.memref_slice %arg2[%dma_wait3A_124, %dma_wait3A_125] : memref<10000x128xf32, #tpu.memory_space<hbm>> -> memref<10000x128xf32, #tpu.memory_space<hbm>>
      tpu.wait_indirect_dma semaphore(%arg7 : memref<!tpu.dma_semaphore, #tpu.memory_space<semaphore_mem>>) src(%dma_wait3A_126 : memref<10000x128xf32, #tpu.memory_space<hbm>>) dst(%dma_wait3A_120 : memref<40x128xf32, #tpu.memory_space<vmem>>)
      %dma_wait3A_127 = arith.constant 2 : i32
      %dma_wait3A_128 = arith.constant 80 : i32
      %dma_wait3A_129 = arith.constant 0 : i32
      %dma_wait3A_130 = tpu.memref_slice %arg6[%select_n3A_104, %dma_wait3A_128, %dma_wait3A_129] : memref<2x200x128xf32, #tpu.memory_space<vmem>> -> memref<1x40x128xf32, #tpu.memory_space<vmem>>
      %dma_wait3A_131 = tpu.memref_squeeze %dma_wait3A_130 : memref<1x40x128xf32, #tpu.memory_space<vmem>> -> memref<40x128xf32, #tpu.memory_space<vmem>>
      %dma_wait3A_132 = arith.constant 0 : i32
      %dma_wait3A_133 = tpu.memref_slice %arg5[%dma_wait3A_127, %dma_wait3A_132] : memref<125x40xi32, #tpu.memory_space<vmem>> -> memref<1x40xi32, #tpu.memory_space<vmem>>
      %dma_wait3A_134 = tpu.memref_squeeze %dma_wait3A_133 : memref<1x40xi32, #tpu.memory_space<vmem>> -> memref<40xi32, #tpu.memory_space<vmem>>
      %dma_wait3A_135 = arith.constant 0 : i32
      %dma_wait3A_136 = arith.constant 0 : i32
      %dma_wait3A_137 = tpu.memref_slice %arg2[%dma_wait3A_135, %dma_wait3A_136] : memref<10000x128xf32, #tpu.memory_space<hbm>> -> memref<10000x128xf32, #tpu.memory_space<hbm>>
      tpu.wait_indirect_dma semaphore(%arg7 : memref<!tpu.dma_semaphore, #tpu.memory_space<semaphore_mem>>) src(%dma_wait3A_137 : memref<10000x128xf32, #tpu.memory_space<hbm>>) dst(%dma_wait3A_131 : memref<40x128xf32, #tpu.memory_space<vmem>>)
      %dma_wait3A_138 = arith.constant 3 : i32
      %dma_wait3A_139 = arith.constant 120 : i32
      %dma_wait3A_140 = arith.constant 0 : i32
      %dma_wait3A_141 = tpu.memref_slice %arg6[%select_n3A_104, %dma_wait3A_139, %dma_wait3A_140] : memref<2x200x128xf32, #tpu.memory_space<vmem>> -> memref<1x40x128xf32, #tpu.memory_space<vmem>>
      %dma_wait3A_142 = tpu.memref_squeeze %dma_wait3A_141 : memref<1x40x128xf32, #tpu.memory_space<vmem>> -> memref<40x128xf32, #tpu.memory_space<vmem>>
      %dma_wait3A_143 = arith.constant 0 : i32
      %dma_wait3A_144 = tpu.memref_slice %arg5[%dma_wait3A_138, %dma_wait3A_143] : memref<125x40xi32, #tpu.memory_space<vmem>> -> memref<1x40xi32, #tpu.memory_space<vmem>>
      %dma_wait3A_145 = tpu.memref_squeeze %dma_wait3A_144 : memref<1x40xi32, #tpu.memory_space<vmem>> -> memref<40xi32, #tpu.memory_space<vmem>>
      %dma_wait3A_146 = arith.constant 0 : i32
      %dma_wait3A_147 = arith.constant 0 : i32
      %dma_wait3A_148 = tpu.memref_slice %arg2[%dma_wait3A_146, %dma_wait3A_147] : memref<10000x128xf32, #tpu.memory_space<hbm>> -> memref<10000x128xf32, #tpu.memory_space<hbm>>
      tpu.wait_indirect_dma semaphore(%arg7 : memref<!tpu.dma_semaphore, #tpu.memory_space<semaphore_mem>>) src(%dma_wait3A_148 : memref<10000x128xf32, #tpu.memory_space<hbm>>) dst(%dma_wait3A_142 : memref<40x128xf32, #tpu.memory_space<vmem>>)
      %dma_wait3A_149 = arith.constant 4 : i32
      %dma_wait3A_150 = arith.constant 160 : i32
      %dma_wait3A_151 = arith.constant 0 : i32
      %dma_wait3A_152 = tpu.memref_slice %arg6[%select_n3A_104, %dma_wait3A_150, %dma_wait3A_151] : memref<2x200x128xf32, #tpu.memory_space<vmem>> -> memref<1x40x128xf32, #tpu.memory_space<vmem>>
      %dma_wait3A_153 = tpu.memref_squeeze %dma_wait3A_152 : memref<1x40x128xf32, #tpu.memory_space<vmem>> -> memref<40x128xf32, #tpu.memory_space<vmem>>
      %dma_wait3A_154 = arith.constant 0 : i32
      %dma_wait3A_155 = tpu.memref_slice %arg5[%dma_wait3A_149, %dma_wait3A_154] : memref<125x40xi32, #tpu.memory_space<vmem>> -> memref<1x40xi32, #tpu.memory_space<vmem>>
      %dma_wait3A_156 = tpu.memref_squeeze %dma_wait3A_155 : memref<1x40xi32, #tpu.memory_space<vmem>> -> memref<40xi32, #tpu.memory_space<vmem>>
      %dma_wait3A_157 = arith.constant 0 : i32
      %dma_wait3A_158 = arith.constant 0 : i32
      %dma_wait3A_159 = tpu.memref_slice %arg2[%dma_wait3A_157, %dma_wait3A_158] : memref<10000x128xf32, #tpu.memory_space<hbm>> -> memref<10000x128xf32, #tpu.memory_space<hbm>>
      tpu.wait_indirect_dma semaphore(%arg7 : memref<!tpu.dma_semaphore, #tpu.memory_space<semaphore_mem>>) src(%dma_wait3A_159 : memref<10000x128xf32, #tpu.memory_space<hbm>>) dst(%dma_wait3A_153 : memref<40x128xf32, #tpu.memory_space<vmem>>)
      %lt3A_160 = arith.constant 24 : i32
      %lt3A_161 = arith.cmpi slt, %add3A_95, %lt3A_160 : i32
      %convert_element_type3A = arith.extui %lt3A_161 : i1 to i32
      %cond3A = arith.constant 0 : i32
      %cond3A_162 = arith.cmpi ne, %convert_element_type3A, %cond3A : i32
      scf.if %cond3A_162 {
        %ge3A = arith.constant 1 : i32
        %ge3A_178 = arith.cmpi sge, %add3A_95, %ge3A : i32
        %convert_element_type3A_179 = arith.extui %ge3A_178 : i1 to i32
        %cond3A_180 = arith.constant 0 : i32
        %cond3A_181 = arith.cmpi ne, %convert_element_type3A_179, %cond3A_180 : i32
        scf.if %cond3A_181 {
          %sub3A_255 = arith.constant 1 : i32
          %sub3A_256 = arith.subi %sub3A_255, %select_n3A_104 : i32
          %dma_wait3A_257 = arith.constant 0 : i32
          %dma_wait3A_258 = arith.constant 0 : i32
          %dma_wait3A_259 = tpu.memref_slice %arg6[%sub3A_256, %dma_wait3A_257, %dma_wait3A_258] : memref<2x200x128xf32, #tpu.memory_space<vmem>> -> memref<1x200x128xf32, #tpu.memory_space<vmem>>
          %dma_wait3A_260 = tpu.memref_squeeze %dma_wait3A_259 : memref<1x200x128xf32, #tpu.memory_space<vmem>> -> memref<200x128xf32, #tpu.memory_space<vmem>>
          %dma_wait3A_261 = arith.constant 0 : i32
          %dma_wait3A_262 = tpu.memref_slice %arg4[%mul3A_2, %dma_wait3A_261] : memref<160000x128xf32, #tpu.memory_space<hbm>> -> memref<200x128xf32, #tpu.memory_space<hbm>>
          %dma_wait3A_263 = arith.constant 0 : i32
          %dma_wait3A_264 = tpu.memref_slice %arg4[%mul3A_2, %dma_wait3A_263] : memref<160000x128xf32, #tpu.memory_space<hbm>> -> memref<200x128xf32, #tpu.memory_space<hbm>>
          %dma_wait3A_265 = arith.constant 0 : i32
          %dma_wait3A_266 = arith.constant 0 : i32
          %dma_wait3A_267 = tpu.memref_slice %arg6[%sub3A_256, %dma_wait3A_265, %dma_wait3A_266] : memref<2x200x128xf32, #tpu.memory_space<vmem>> -> memref<1x200x128xf32, #tpu.memory_space<vmem>>
          %dma_wait3A_268 = tpu.memref_squeeze %dma_wait3A_267 : memref<1x200x128xf32, #tpu.memory_space<vmem>> -> memref<200x128xf32, #tpu.memory_space<vmem>>
          tpu.wait_dma2 semaphore(%arg8 : memref<!tpu.dma_semaphore, #tpu.memory_space<semaphore_mem>>) src(%dma_wait3A_268 : memref<200x128xf32, #tpu.memory_space<vmem>>) dst(%dma_wait3A_264 : memref<200x128xf32, #tpu.memory_space<hbm>>)
        } else {
        }
        %add3A_182 = arith.constant 1 : i32
        %add3A_183 = arith.addi %add3A_95, %add3A_182 : i32
        %sub3A = arith.constant 1 : i32
        %sub3A_184 = arith.subi %sub3A, %select_n3A_104 : i32
        %mul3A_185 = arith.constant 5 : i32
        %mul3A_186 = arith.muli %add3A_183, %mul3A_185 : i32
        %add3A_187 = arith.constant 0 : i32
        %add3A_188 = arith.addi %mul3A_186, %add3A_187 : i32
        %dma_start3A_189 = arith.constant 0 : i32
        %dma_start3A_190 = arith.constant 0 : i32
        %dma_start3A_191 = tpu.memref_slice %arg6[%sub3A_184, %dma_start3A_189, %dma_start3A_190] : memref<2x200x128xf32, #tpu.memory_space<vmem>> -> memref<1x40x128xf32, #tpu.memory_space<vmem>>
        %dma_start3A_192 = tpu.memref_squeeze %dma_start3A_191 : memref<1x40x128xf32, #tpu.memory_space<vmem>> -> memref<40x128xf32, #tpu.memory_space<vmem>>
        %dma_start3A_193 = arith.constant 0 : i32
        %dma_start3A_194 = tpu.memref_slice %arg5[%add3A_188, %dma_start3A_193] : memref<125x40xi32, #tpu.memory_space<vmem>> -> memref<1x40xi32, #tpu.memory_space<vmem>>
        %dma_start3A_195 = tpu.memref_squeeze %dma_start3A_194 : memref<1x40xi32, #tpu.memory_space<vmem>> -> memref<40xi32, #tpu.memory_space<vmem>>
        %dma_start3A_196 = arith.constant 0 : i32
        %dma_start3A_197 = arith.constant 0 : i32
        %dma_start3A_198 = tpu.memref_slice %arg2[%dma_start3A_196, %dma_start3A_197] : memref<10000x128xf32, #tpu.memory_space<hbm>> -> memref<10000x128xf32, #tpu.memory_space<hbm>>
        tpu.enqueue_indirect_dma source(%dma_start3A_198 : memref<10000x128xf32, #tpu.memory_space<hbm>>) target(%dma_start3A_192 : memref<40x128xf32, #tpu.memory_space<vmem>>) offsets(%dma_start3A_195 : memref<40xi32, #tpu.memory_space<vmem>>) semaphore(%arg7 : memref<!tpu.dma_semaphore, #tpu.memory_space<semaphore_mem>>)
        %mul3A_199 = arith.constant 5 : i32
        %mul3A_200 = arith.muli %add3A_183, %mul3A_199 : i32
        %add3A_201 = arith.constant 1 : i32
        %add3A_202 = arith.addi %mul3A_200, %add3A_201 : i32
        %dma_start3A_203 = arith.constant 40 : i32
        %dma_start3A_204 = arith.constant 0 : i32
        %dma_start3A_205 = tpu.memref_slice %arg6[%sub3A_184, %dma_start3A_203, %dma_start3A_204] : memref<2x200x128xf32, #tpu.memory_space<vmem>> -> memref<1x40x128xf32, #tpu.memory_space<vmem>>
        %dma_start3A_206 = tpu.memref_squeeze %dma_start3A_205 : memref<1x40x128xf32, #tpu.memory_space<vmem>> -> memref<40x128xf32, #tpu.memory_space<vmem>>
        %dma_start3A_207 = arith.constant 0 : i32
        %dma_start3A_208 = tpu.memref_slice %arg5[%add3A_202, %dma_start3A_207] : memref<125x40xi32, #tpu.memory_space<vmem>> -> memref<1x40xi32, #tpu.memory_space<vmem>>
        %dma_start3A_209 = tpu.memref_squeeze %dma_start3A_208 : memref<1x40xi32, #tpu.memory_space<vmem>> -> memref<40xi32, #tpu.memory_space<vmem>>
        %dma_start3A_210 = arith.constant 0 : i32
        %dma_start3A_211 = arith.constant 0 : i32
        %dma_start3A_212 = tpu.memref_slice %arg2[%dma_start3A_210, %dma_start3A_211] : memref<10000x128xf32, #tpu.memory_space<hbm>> -> memref<10000x128xf32, #tpu.memory_space<hbm>>
        tpu.enqueue_indirect_dma source(%dma_start3A_212 : memref<10000x128xf32, #tpu.memory_space<hbm>>) target(%dma_start3A_206 : memref<40x128xf32, #tpu.memory_space<vmem>>) offsets(%dma_start3A_209 : memref<40xi32, #tpu.memory_space<vmem>>) semaphore(%arg7 : memref<!tpu.dma_semaphore, #tpu.memory_space<semaphore_mem>>)
        %mul3A_213 = arith.constant 5 : i32
        %mul3A_214 = arith.muli %add3A_183, %mul3A_213 : i32
        %add3A_215 = arith.constant 2 : i32
        %add3A_216 = arith.addi %mul3A_214, %add3A_215 : i32
        %dma_start3A_217 = arith.constant 80 : i32
        %dma_start3A_218 = arith.constant 0 : i32
        %dma_start3A_219 = tpu.memref_slice %arg6[%sub3A_184, %dma_start3A_217, %dma_start3A_218] : memref<2x200x128xf32, #tpu.memory_space<vmem>> -> memref<1x40x128xf32, #tpu.memory_space<vmem>>
        %dma_start3A_220 = tpu.memref_squeeze %dma_start3A_219 : memref<1x40x128xf32, #tpu.memory_space<vmem>> -> memref<40x128xf32, #tpu.memory_space<vmem>>
        %dma_start3A_221 = arith.constant 0 : i32
        %dma_start3A_222 = tpu.memref_slice %arg5[%add3A_216, %dma_start3A_221] : memref<125x40xi32, #tpu.memory_space<vmem>> -> memref<1x40xi32, #tpu.memory_space<vmem>>
        %dma_start3A_223 = tpu.memref_squeeze %dma_start3A_222 : memref<1x40xi32, #tpu.memory_space<vmem>> -> memref<40xi32, #tpu.memory_space<vmem>>
        %dma_start3A_224 = arith.constant 0 : i32
        %dma_start3A_225 = arith.constant 0 : i32
        %dma_start3A_226 = tpu.memref_slice %arg2[%dma_start3A_224, %dma_start3A_225] : memref<10000x128xf32, #tpu.memory_space<hbm>> -> memref<10000x128xf32, #tpu.memory_space<hbm>>
        tpu.enqueue_indirect_dma source(%dma_start3A_226 : memref<10000x128xf32, #tpu.memory_space<hbm>>) target(%dma_start3A_220 : memref<40x128xf32, #tpu.memory_space<vmem>>) offsets(%dma_start3A_223 : memref<40xi32, #tpu.memory_space<vmem>>) semaphore(%arg7 : memref<!tpu.dma_semaphore, #tpu.memory_space<semaphore_mem>>)
        %mul3A_227 = arith.constant 5 : i32
        %mul3A_228 = arith.muli %add3A_183, %mul3A_227 : i32
        %add3A_229 = arith.constant 3 : i32
        %add3A_230 = arith.addi %mul3A_228, %add3A_229 : i32
        %dma_start3A_231 = arith.constant 120 : i32
        %dma_start3A_232 = arith.constant 0 : i32
        %dma_start3A_233 = tpu.memref_slice %arg6[%sub3A_184, %dma_start3A_231, %dma_start3A_232] : memref<2x200x128xf32, #tpu.memory_space<vmem>> -> memref<1x40x128xf32, #tpu.memory_space<vmem>>
        %dma_start3A_234 = tpu.memref_squeeze %dma_start3A_233 : memref<1x40x128xf32, #tpu.memory_space<vmem>> -> memref<40x128xf32, #tpu.memory_space<vmem>>
        %dma_start3A_235 = arith.constant 0 : i32
        %dma_start3A_236 = tpu.memref_slice %arg5[%add3A_230, %dma_start3A_235] : memref<125x40xi32, #tpu.memory_space<vmem>> -> memref<1x40xi32, #tpu.memory_space<vmem>>
        %dma_start3A_237 = tpu.memref_squeeze %dma_start3A_236 : memref<1x40xi32, #tpu.memory_space<vmem>> -> memref<40xi32, #tpu.memory_space<vmem>>
        %dma_start3A_238 = arith.constant 0 : i32
        %dma_start3A_239 = arith.constant 0 : i32
        %dma_start3A_240 = tpu.memref_slice %arg2[%dma_start3A_238, %dma_start3A_239] : memref<10000x128xf32, #tpu.memory_space<hbm>> -> memref<10000x128xf32, #tpu.memory_space<hbm>>
        tpu.enqueue_indirect_dma source(%dma_start3A_240 : memref<10000x128xf32, #tpu.memory_space<hbm>>) target(%dma_start3A_234 : memref<40x128xf32, #tpu.memory_space<vmem>>) offsets(%dma_start3A_237 : memref<40xi32, #tpu.memory_space<vmem>>) semaphore(%arg7 : memref<!tpu.dma_semaphore, #tpu.memory_space<semaphore_mem>>)
        %mul3A_241 = arith.constant 5 : i32
        %mul3A_242 = arith.muli %add3A_183, %mul3A_241 : i32
        %add3A_243 = arith.constant 4 : i32
        %add3A_244 = arith.addi %mul3A_242, %add3A_243 : i32
        %dma_start3A_245 = arith.constant 160 : i32
        %dma_start3A_246 = arith.constant 0 : i32
        %dma_start3A_247 = tpu.memref_slice %arg6[%sub3A_184, %dma_start3A_245, %dma_start3A_246] : memref<2x200x128xf32, #tpu.memory_space<vmem>> -> memref<1x40x128xf32, #tpu.memory_space<vmem>>
        %dma_start3A_248 = tpu.memref_squeeze %dma_start3A_247 : memref<1x40x128xf32, #tpu.memory_space<vmem>> -> memref<40x128xf32, #tpu.memory_space<vmem>>
        %dma_start3A_249 = arith.constant 0 : i32
        %dma_start3A_250 = tpu.memref_slice %arg5[%add3A_244, %dma_start3A_249] : memref<125x40xi32, #tpu.memory_space<vmem>> -> memref<1x40xi32, #tpu.memory_space<vmem>>
        %dma_start3A_251 = tpu.memref_squeeze %dma_start3A_250 : memref<1x40xi32, #tpu.memory_space<vmem>> -> memref<40xi32, #tpu.memory_space<vmem>>
        %dma_start3A_252 = arith.constant 0 : i32
        %dma_start3A_253 = arith.constant 0 : i32
        %dma_start3A_254 = tpu.memref_slice %arg2[%dma_start3A_252, %dma_start3A_253] : memref<10000x128xf32, #tpu.memory_space<hbm>> -> memref<10000x128xf32, #tpu.memory_space<hbm>>
        tpu.enqueue_indirect_dma source(%dma_start3A_254 : memref<10000x128xf32, #tpu.memory_space<hbm>>) target(%dma_start3A_248 : memref<40x128xf32, #tpu.memory_space<vmem>>) offsets(%dma_start3A_251 : memref<40xi32, #tpu.memory_space<vmem>>) semaphore(%arg7 : memref<!tpu.dma_semaphore, #tpu.memory_space<semaphore_mem>>)
      } else {
      }
      %mul3A_163 = arith.constant 200 : i32
      %mul3A_164 = arith.muli %add3A_95, %mul3A_163 : i32
      %add3A_165 = arith.addi %mul3A_2, %mul3A_164 : i32
      %dma_start3A_166 = arith.constant 0 : i32
      %dma_start3A_167 = arith.constant 0 : i32
      %dma_start3A_168 = tpu.memref_slice %arg6[%select_n3A_104, %dma_start3A_166, %dma_start3A_167] : memref<2x200x128xf32, #tpu.memory_space<vmem>> -> memref<1x200x128xf32, #tpu.memory_space<vmem>>
      %dma_start3A_169 = tpu.memref_squeeze %dma_start3A_168 : memref<1x200x128xf32, #tpu.memory_space<vmem>> -> memref<200x128xf32, #tpu.memory_space<vmem>>
      %dma_start3A_170 = arith.constant 0 : i32
      %dma_start3A_171 = tpu.memref_slice %arg4[%add3A_165, %dma_start3A_170] : memref<160000x128xf32, #tpu.memory_space<hbm>> -> memref<200x128xf32, #tpu.memory_space<hbm>>
      %dma_start3A_172 = arith.constant 0 : i32
      %dma_start3A_173 = tpu.memref_slice %arg4[%add3A_165, %dma_start3A_172] : memref<160000x128xf32, #tpu.memory_space<hbm>> -> memref<200x128xf32, #tpu.memory_space<hbm>>
      %dma_start3A_174 = arith.constant 0 : i32
      %dma_start3A_175 = arith.constant 0 : i32
      %dma_start3A_176 = tpu.memref_slice %arg6[%select_n3A_104, %dma_start3A_174, %dma_start3A_175] : memref<2x200x128xf32, #tpu.memory_space<vmem>> -> memref<1x200x128xf32, #tpu.memory_space<vmem>>
      %dma_start3A_177 = tpu.memref_squeeze %dma_start3A_176 : memref<1x200x128xf32, #tpu.memory_space<vmem>> -> memref<200x128xf32, #tpu.memory_space<vmem>>
      tpu.enqueue_dma source(%dma_start3A_177 : memref<200x128xf32, #tpu.memory_space<vmem>>) target(%dma_start3A_173 : memref<200x128xf32, #tpu.memory_space<hbm>>) target_semaphore(%arg8 : memref<!tpu.dma_semaphore, #tpu.memory_space<semaphore_mem>>)
    }
    %scan3A_65 = arith.constant 25 : i32
    %dma_wait3A = arith.constant 0 : i32
    %dma_wait3A_66 = arith.constant 0 : i32
    %dma_wait3A_67 = arith.constant 0 : i32
    %dma_wait3A_68 = tpu.memref_slice %arg6[%dma_wait3A, %dma_wait3A_66, %dma_wait3A_67] : memref<2x200x128xf32, #tpu.memory_space<vmem>> -> memref<1x200x128xf32, #tpu.memory_space<vmem>>
    %dma_wait3A_69 = tpu.memref_squeeze %dma_wait3A_68 : memref<1x200x128xf32, #tpu.memory_space<vmem>> -> memref<200x128xf32, #tpu.memory_space<vmem>>
    %dma_wait3A_70 = arith.constant 0 : i32
    %dma_wait3A_71 = tpu.memref_slice %arg4[%mul3A_2, %dma_wait3A_70] : memref<160000x128xf32, #tpu.memory_space<hbm>> -> memref<200x128xf32, #tpu.memory_space<hbm>>
    %dma_wait3A_72 = arith.constant 0 : i32
    %dma_wait3A_73 = tpu.memref_slice %arg4[%mul3A_2, %dma_wait3A_72] : memref<160000x128xf32, #tpu.memory_space<hbm>> -> memref<200x128xf32, #tpu.memory_space<hbm>>
    %dma_wait3A_74 = arith.constant 0 : i32
    %dma_wait3A_75 = arith.constant 0 : i32
    %dma_wait3A_76 = tpu.memref_slice %arg6[%dma_wait3A, %dma_wait3A_74, %dma_wait3A_75] : memref<2x200x128xf32, #tpu.memory_space<vmem>> -> memref<1x200x128xf32, #tpu.memory_space<vmem>>
    %dma_wait3A_77 = tpu.memref_squeeze %dma_wait3A_76 : memref<1x200x128xf32, #tpu.memory_space<vmem>> -> memref<200x128xf32, #tpu.memory_space<vmem>>
    tpu.wait_dma2 semaphore(%arg8 : memref<!tpu.dma_semaphore, #tpu.memory_space<semaphore_mem>>) src(%dma_wait3A_77 : memref<200x128xf32, #tpu.memory_space<vmem>>) dst(%dma_wait3A_73 : memref<200x128xf32, #tpu.memory_space<hbm>>)
    %dma_wait3A_78 = arith.constant 1 : i32
    %dma_wait3A_79 = arith.constant 0 : i32
    %dma_wait3A_80 = arith.constant 0 : i32
    %dma_wait3A_81 = tpu.memref_slice %arg6[%dma_wait3A_78, %dma_wait3A_79, %dma_wait3A_80] : memref<2x200x128xf32, #tpu.memory_space<vmem>> -> memref<1x200x128xf32, #tpu.memory_space<vmem>>
    %dma_wait3A_82 = tpu.memref_squeeze %dma_wait3A_81 : memref<1x200x128xf32, #tpu.memory_space<vmem>> -> memref<200x128xf32, #tpu.memory_space<vmem>>
    %dma_wait3A_83 = arith.constant 0 : i32
    %dma_wait3A_84 = tpu.memref_slice %arg4[%mul3A_2, %dma_wait3A_83] : memref<160000x128xf32, #tpu.memory_space<hbm>> -> memref<200x128xf32, #tpu.memory_space<hbm>>
    %dma_wait3A_85 = arith.constant 0 : i32
    %dma_wait3A_86 = tpu.memref_slice %arg4[%mul3A_2, %dma_wait3A_85] : memref<160000x128xf32, #tpu.memory_space<hbm>> -> memref<200x128xf32, #tpu.memory_space<hbm>>
    %dma_wait3A_87 = arith.constant 0 : i32
    %dma_wait3A_88 = arith.constant 0 : i32
    %dma_wait3A_89 = tpu.memref_slice %arg6[%dma_wait3A_78, %dma_wait3A_87, %dma_wait3A_88] : memref<2x200x128xf32, #tpu.memory_space<vmem>> -> memref<1x200x128xf32, #tpu.memory_space<vmem>>
    %dma_wait3A_90 = tpu.memref_squeeze %dma_wait3A_89 : memref<1x200x128xf32, #tpu.memory_space<vmem>> -> memref<200x128xf32, #tpu.memory_space<vmem>>
    tpu.wait_dma2 semaphore(%arg8 : memref<!tpu.dma_semaphore, #tpu.memory_space<semaphore_mem>>) src(%dma_wait3A_90 : memref<200x128xf32, #tpu.memory_space<vmem>>) dst(%dma_wait3A_86 : memref<200x128xf32, #tpu.memory_space<hbm>>)
    return
  }
}

#map = affine_map<(d0, d1) -> (0, 0)>
#map1 = affine_map<(d0, d1) -> (0, 0, 0)>
module attributes {stable_mosaic.version = 14 : i64} {
  func.func @gather(%arg0: i32, %arg1: i32, %arg2: memref<10000x128xf32, #tpu.memory_space<hbm>>, %arg3: memref<32x125x40xi32, #tpu.memory_space<hbm>>, %arg4: memref<160000x128xf32, #tpu.memory_space<hbm>>, %arg5: memref<125x40xi32, #tpu.memory_space<vmem>>, %arg6: memref<2x200x128xf32, #tpu.memory_space<vmem>>, %arg7: memref<!tpu.dma_semaphore, #tpu.memory_space<semaphore_mem>>, %arg8: memref<!tpu.dma_semaphore, #tpu.memory_space<semaphore_mem>>) attributes {dimension_semantics = [#tpu.dimension_semantics<core_parallel>, #tpu.dimension_semantics<subcore_parallel>], iteration_bounds = array<i64: 2, 16>, scalar_prefetch = 0 : i64, scratch_operands = 4 : i64, tpu.core_type = #tpu.core_type<sc_vector_subcore>, window_params = [{transform_indices = #map}, {transform_indices = #map1}, {transform_indices = #map}]} {
    %mul3A = arith.constant 2 : i32
    %mul3A_0 = arith.muli %arg1, %mul3A : i32
    %add3A = arith.addi %mul3A_0, %arg0 : i32
    %mul3A_1 = arith.constant 5000 : i32
    %mul3A_2 = arith.muli %add3A, %mul3A_1 : i32
    "tpu.region"() ({
      %run_scoped3A = tpu.sem_alloc : memref<!tpu.dma_semaphore, #tpu.memory_space<semaphore_mem>>
      %dma_start3A_91 = arith.constant 0 : i32
      %dma_start3A_92 = arith.constant 0 : i32
      %dma_start3A_93 = tpu.memref_slice %arg3[%add3A, %dma_start3A_91, %dma_start3A_92] : memref<32x125x40xi32, #tpu.memory_space<hbm>> -> memref<1x125x40xi32, #tpu.memory_space<hbm>>
      %dma_start3A_94 = tpu.memref_squeeze %dma_start3A_93 : memref<1x125x40xi32, #tpu.memory_space<hbm>> -> memref<125x40xi32, #tpu.memory_space<hbm>>
      %dma_start3A_95 = arith.constant 0 : i32
      %dma_start3A_96 = arith.constant 0 : i32
      %dma_start3A_97 = tpu.memref_slice %arg3[%add3A, %dma_start3A_95, %dma_start3A_96] : memref<32x125x40xi32, #tpu.memory_space<hbm>> -> memref<1x125x40xi32, #tpu.memory_space<hbm>>
      %dma_start3A_98 = tpu.memref_squeeze %dma_start3A_97 : memref<1x125x40xi32, #tpu.memory_space<hbm>> -> memref<125x40xi32, #tpu.memory_space<hbm>>
      tpu.enqueue_dma source(%dma_start3A_98 : memref<125x40xi32, #tpu.memory_space<hbm>>) target(%arg5 : memref<125x40xi32, #tpu.memory_space<vmem>>) target_semaphore(%run_scoped3A : memref<!tpu.dma_semaphore, #tpu.memory_space<semaphore_mem>>)
      %dma_wait3A_99 = arith.constant 0 : i32
      %dma_wait3A_100 = arith.constant 0 : i32
      %dma_wait3A_101 = tpu.memref_slice %arg3[%add3A, %dma_wait3A_99, %dma_wait3A_100] : memref<32x125x40xi32, #tpu.memory_space<hbm>> -> memref<1x125x40xi32, #tpu.memory_space<hbm>>
      %dma_wait3A_102 = tpu.memref_squeeze %dma_wait3A_101 : memref<1x125x40xi32, #tpu.memory_space<hbm>> -> memref<125x40xi32, #tpu.memory_space<hbm>>
      %dma_wait3A_103 = arith.constant 0 : i32
      %dma_wait3A_104 = arith.constant 0 : i32
      %dma_wait3A_105 = tpu.memref_slice %arg3[%add3A, %dma_wait3A_103, %dma_wait3A_104] : memref<32x125x40xi32, #tpu.memory_space<hbm>> -> memref<1x125x40xi32, #tpu.memory_space<hbm>>
      %dma_wait3A_106 = tpu.memref_squeeze %dma_wait3A_105 : memref<1x125x40xi32, #tpu.memory_space<hbm>> -> memref<125x40xi32, #tpu.memory_space<hbm>>
      tpu.wait_dma2 semaphore(%run_scoped3A : memref<!tpu.dma_semaphore, #tpu.memory_space<semaphore_mem>>) src(%dma_wait3A_106 : memref<125x40xi32, #tpu.memory_space<hbm>>) dst(%arg5 : memref<125x40xi32, #tpu.memory_space<vmem>>)
      tpu.yield
    }) : () -> ()
    %dma_start3A = arith.constant 0 : i32
    %dma_start3A_3 = arith.constant 0 : i32
    %dma_start3A_4 = arith.constant 0 : i32
    %dma_start3A_5 = arith.constant 0 : i32
    %dma_start3A_6 = tpu.memref_slice %arg6[%dma_start3A_3, %dma_start3A_4, %dma_start3A_5] : memref<2x200x128xf32, #tpu.memory_space<vmem>> -> memref<1x40x128xf32, #tpu.memory_space<vmem>>
    %dma_start3A_7 = tpu.memref_squeeze %dma_start3A_6 : memref<1x40x128xf32, #tpu.memory_space<vmem>> -> memref<40x128xf32, #tpu.memory_space<vmem>>
    %dma_start3A_8 = arith.constant 0 : i32
    %dma_start3A_9 = tpu.memref_slice %arg5[%dma_start3A, %dma_start3A_8] : memref<125x40xi32, #tpu.memory_space<vmem>> -> memref<1x40xi32, #tpu.memory_space<vmem>>
    %dma_start3A_10 = tpu.memref_squeeze %dma_start3A_9 : memref<1x40xi32, #tpu.memory_space<vmem>> -> memref<40xi32, #tpu.memory_space<vmem>>
    %dma_start3A_11 = arith.constant 0 : i32
    %dma_start3A_12 = arith.constant 0 : i32
    %dma_start3A_13 = tpu.memref_slice %arg2[%dma_start3A_11, %dma_start3A_12] : memref<10000x128xf32, #tpu.memory_space<hbm>> -> memref<10000x128xf32, #tpu.memory_space<hbm>>
    tpu.enqueue_indirect_dma source(%dma_start3A_13 : memref<10000x128xf32, #tpu.memory_space<hbm>>) target(%dma_start3A_7 : memref<40x128xf32, #tpu.memory_space<vmem>>) offsets(%dma_start3A_10 : memref<40xi32, #tpu.memory_space<vmem>>) semaphore(%arg7 : memref<!tpu.dma_semaphore, #tpu.memory_space<semaphore_mem>>)
    %dma_start3A_14 = arith.constant 1 : i32
    %dma_start3A_15 = arith.constant 0 : i32
    %dma_start3A_16 = arith.constant 40 : i32
    %dma_start3A_17 = arith.constant 0 : i32
    %dma_start3A_18 = tpu.memref_slice %arg6[%dma_start3A_15, %dma_start3A_16, %dma_start3A_17] : memref<2x200x128xf32, #tpu.memory_space<vmem>> -> memref<1x40x128xf32, #tpu.memory_space<vmem>>
    %dma_start3A_19 = tpu.memref_squeeze %dma_start3A_18 : memref<1x40x128xf32, #tpu.memory_space<vmem>> -> memref<40x128xf32, #tpu.memory_space<vmem>>
    %dma_start3A_20 = arith.constant 0 : i32
    %dma_start3A_21 = tpu.memref_slice %arg5[%dma_start3A_14, %dma_start3A_20] : memref<125x40xi32, #tpu.memory_space<vmem>> -> memref<1x40xi32, #tpu.memory_space<vmem>>
    %dma_start3A_22 = tpu.memref_squeeze %dma_start3A_21 : memref<1x40xi32, #tpu.memory_space<vmem>> -> memref<40xi32, #tpu.memory_space<vmem>>
    %dma_start3A_23 = arith.constant 0 : i32
    %dma_start3A_24 = arith.constant 0 : i32
    %dma_start3A_25 = tpu.memref_slice %arg2[%dma_start3A_23, %dma_start3A_24] : memref<10000x128xf32, #tpu.memory_space<hbm>> -> memref<10000x128xf32, #tpu.memory_space<hbm>>
    tpu.enqueue_indirect_dma source(%dma_start3A_25 : memref<10000x128xf32, #tpu.memory_space<hbm>>) target(%dma_start3A_19 : memref<40x128xf32, #tpu.memory_space<vmem>>) offsets(%dma_start3A_22 : memref<40xi32, #tpu.memory_space<vmem>>) semaphore(%arg7 : memref<!tpu.dma_semaphore, #tpu.memory_space<semaphore_mem>>)
    %dma_start3A_26 = arith.constant 2 : i32
    %dma_start3A_27 = arith.constant 0 : i32
    %dma_start3A_28 = arith.constant 80 : i32
    %dma_start3A_29 = arith.constant 0 : i32
    %dma_start3A_30 = tpu.memref_slice %arg6[%dma_start3A_27, %dma_start3A_28, %dma_start3A_29] : memref<2x200x128xf32, #tpu.memory_space<vmem>> -> memref<1x40x128xf32, #tpu.memory_space<vmem>>
    %dma_start3A_31 = tpu.memref_squeeze %dma_start3A_30 : memref<1x40x128xf32, #tpu.memory_space<vmem>> -> memref<40x128xf32, #tpu.memory_space<vmem>>
    %dma_start3A_32 = arith.constant 0 : i32
    %dma_start3A_33 = tpu.memref_slice %arg5[%dma_start3A_26, %dma_start3A_32] : memref<125x40xi32, #tpu.memory_space<vmem>> -> memref<1x40xi32, #tpu.memory_space<vmem>>
    %dma_start3A_34 = tpu.memref_squeeze %dma_start3A_33 : memref<1x40xi32, #tpu.memory_space<vmem>> -> memref<40xi32, #tpu.memory_space<vmem>>
    %dma_start3A_35 = arith.constant 0 : i32
    %dma_start3A_36 = arith.constant 0 : i32
    %dma_start3A_37 = tpu.memref_slice %arg2[%dma_start3A_35, %dma_start3A_36] : memref<10000x128xf32, #tpu.memory_space<hbm>> -> memref<10000x128xf32, #tpu.memory_space<hbm>>
    tpu.enqueue_indirect_dma source(%dma_start3A_37 : memref<10000x128xf32, #tpu.memory_space<hbm>>) target(%dma_start3A_31 : memref<40x128xf32, #tpu.memory_space<vmem>>) offsets(%dma_start3A_34 : memref<40xi32, #tpu.memory_space<vmem>>) semaphore(%arg7 : memref<!tpu.dma_semaphore, #tpu.memory_space<semaphore_mem>>)
    %dma_start3A_38 = arith.constant 3 : i32
    %dma_start3A_39 = arith.constant 0 : i32
    %dma_start3A_40 = arith.constant 120 : i32
    %dma_start3A_41 = arith.constant 0 : i32
    %dma_start3A_42 = tpu.memref_slice %arg6[%dma_start3A_39, %dma_start3A_40, %dma_start3A_41] : memref<2x200x128xf32, #tpu.memory_space<vmem>> -> memref<1x40x128xf32, #tpu.memory_space<vmem>>
    %dma_start3A_43 = tpu.memref_squeeze %dma_start3A_42 : memref<1x40x128xf32, #tpu.memory_space<vmem>> -> memref<40x128xf32, #tpu.memory_space<vmem>>
    %dma_start3A_44 = arith.constant 0 : i32
    %dma_start3A_45 = tpu.memref_slice %arg5[%dma_start3A_38, %dma_start3A_44] : memref<125x40xi32, #tpu.memory_space<vmem>> -> memref<1x40xi32, #tpu.memory_space<vmem>>
    %dma_start3A_46 = tpu.memref_squeeze %dma_start3A_45 : memref<1x40xi32, #tpu.memory_space<vmem>> -> memref<40xi32, #tpu.memory_space<vmem>>
    %dma_start3A_47 = arith.constant 0 : i32
    %dma_start3A_48 = arith.constant 0 : i32
    %dma_start3A_49 = tpu.memref_slice %arg2[%dma_start3A_47, %dma_start3A_48] : memref<10000x128xf32, #tpu.memory_space<hbm>> -> memref<10000x128xf32, #tpu.memory_space<hbm>>
    tpu.enqueue_indirect_dma source(%dma_start3A_49 : memref<10000x128xf32, #tpu.memory_space<hbm>>) target(%dma_start3A_43 : memref<40x128xf32, #tpu.memory_space<vmem>>) offsets(%dma_start3A_46 : memref<40xi32, #tpu.memory_space<vmem>>) semaphore(%arg7 : memref<!tpu.dma_semaphore, #tpu.memory_space<semaphore_mem>>)
    %dma_start3A_50 = arith.constant 4 : i32
    %dma_start3A_51 = arith.constant 0 : i32
    %dma_start3A_52 = arith.constant 160 : i32
    %dma_start3A_53 = arith.constant 0 : i32
    %dma_start3A_54 = tpu.memref_slice %arg6[%dma_start3A_51, %dma_start3A_52, %dma_start3A_53] : memref<2x200x128xf32, #tpu.memory_space<vmem>> -> memref<1x40x128xf32, #tpu.memory_space<vmem>>
    %dma_start3A_55 = tpu.memref_squeeze %dma_start3A_54 : memref<1x40x128xf32, #tpu.memory_space<vmem>> -> memref<40x128xf32, #tpu.memory_space<vmem>>
    %dma_start3A_56 = arith.constant 0 : i32
    %dma_start3A_57 = tpu.memref_slice %arg5[%dma_start3A_50, %dma_start3A_56] : memref<125x40xi32, #tpu.memory_space<vmem>> -> memref<1x40xi32, #tpu.memory_space<vmem>>
    %dma_start3A_58 = tpu.memref_squeeze %dma_start3A_57 : memref<1x40xi32, #tpu.memory_space<vmem>> -> memref<40xi32, #tpu.memory_space<vmem>>
    %dma_start3A_59 = arith.constant 0 : i32
    %dma_start3A_60 = arith.constant 0 : i32
    %dma_start3A_61 = tpu.memref_slice %arg2[%dma_start3A_59, %dma_start3A_60] : memref<10000x128xf32, #tpu.memory_space<hbm>> -> memref<10000x128xf32, #tpu.memory_space<hbm>>
    tpu.enqueue_indirect_dma source(%dma_start3A_61 : memref<10000x128xf32, #tpu.memory_space<hbm>>) target(%dma_start3A_55 : memref<40x128xf32, #tpu.memory_space<vmem>>) offsets(%dma_start3A_58 : memref<40xi32, #tpu.memory_space<vmem>>) semaphore(%arg7 : memref<!tpu.dma_semaphore, #tpu.memory_space<semaphore_mem>>)
    %scan3A = arith.constant 0 : i32
    %scan3A_62 = arith.constant 25 : i32
    %scan3A_63 = arith.addi %scan3A, %scan3A_62 : i32
    %scan3A_64 = arith.constant 1 : i32
    scf.for %scan3A_91 = %scan3A to %scan3A_63 step %scan3A_64  : i32 {
      %mul3A_92 = arith.constant 1 : i32
      %mul3A_93 = arith.muli %scan3A_91, %mul3A_92 : i32
      %add3A_94 = arith.constant 0 : i32
      %add3A_95 = arith.addi %add3A_94, %mul3A_93 : i32
      %jit3A = arith.constant 2 : i32
      %eq3A = arith.constant 0 : i32
      %eq3A_96 = arith.cmpi eq, %jit3A, %eq3A : i32
      %jit3A_97 = arith.constant 1 : i32
      %select_n3A = arith.select %eq3A_96, %jit3A_97, %jit3A : i32
      %rem3A = arith.remsi %add3A_95, %select_n3A : i32
      %ne3A = arith.constant 0 : i32
      %ne3A_98 = arith.cmpi ne, %rem3A, %ne3A : i32
      %lt3A = arith.constant 0 : i32
      %lt3A_99 = arith.cmpi slt, %rem3A, %lt3A : i32
      %lt3A_100 = arith.constant 0 : i32
      %lt3A_101 = arith.cmpi slt, %select_n3A, %lt3A_100 : i32
      %ne3A_102 = arith.xori %lt3A_99, %lt3A_101 : i1
      %and3A = arith.andi %ne3A_102, %ne3A_98 : i1
      %add3A_103 = arith.addi %rem3A, %select_n3A : i32
      %select_n3A_104 = arith.select %and3A, %add3A_103, %rem3A : i32
      %dma_wait3A_105 = arith.constant 0 : i32
      %dma_wait3A_106 = arith.constant 0 : i32
      %dma_wait3A_107 = arith.constant 0 : i32
      %dma_wait3A_108 = tpu.memref_slice %arg6[%select_n3A_104, %dma_wait3A_106, %dma_wait3A_107] : memref<2x200x128xf32, #tpu.memory_space<vmem>> -> memref<1x40x128xf32, #tpu.memory_space<vmem>>
      %dma_wait3A_109 = tpu.memref_squeeze %dma_wait3A_108 : memref<1x40x128xf32, #tpu.memory_space<vmem>> -> memref<40x128xf32, #tpu.memory_space<vmem>>
      %dma_wait3A_110 = arith.constant 0 : i32
      %dma_wait3A_111 = tpu.memref_slice %arg5[%dma_wait3A_105, %dma_wait3A_110] : memref<125x40xi32, #tpu.memory_space<vmem>> -> memref<1x40xi32, #tpu.memory_space<vmem>>
      %dma_wait3A_112 = tpu.memref_squeeze %dma_wait3A_111 : memref<1x40xi32, #tpu.memory_space<vmem>> -> memref<40xi32, #tpu.memory_space<vmem>>
      %dma_wait3A_113 = arith.constant 0 : i32
      %dma_wait3A_114 = arith.constant 0 : i32
      %dma_wait3A_115 = tpu.memref_slice %arg2[%dma_wait3A_113, %dma_wait3A_114] : memref<10000x128xf32, #tpu.memory_space<hbm>> -> memref<10000x128xf32, #tpu.memory_space<hbm>>
      tpu.wait_indirect_dma semaphore(%arg7 : memref<!tpu.dma_semaphore, #tpu.memory_space<semaphore_mem>>) src(%dma_wait3A_115 : memref<10000x128xf32, #tpu.memory_space<hbm>>) dst(%dma_wait3A_109 : memref<40x128xf32, #tpu.memory_space<vmem>>)
      %dma_wait3A_116 = arith.constant 1 : i32
      %dma_wait3A_117 = arith.constant 40 : i32
      %dma_wait3A_118 = arith.constant 0 : i32
      %dma_wait3A_119 = tpu.memref_slice %arg6[%select_n3A_104, %dma_wait3A_117, %dma_wait3A_118] : memref<2x200x128xf32, #tpu.memory_space<vmem>> -> memref<1x40x128xf32, #tpu.memory_space<vmem>>
      %dma_wait3A_120 = tpu.memref_squeeze %dma_wait3A_119 : memref<1x40x128xf32, #tpu.memory_space<vmem>> -> memref<40x128xf32, #tpu.memory_space<vmem>>
      %dma_wait3A_121 = arith.constant 0 : i32
      %dma_wait3A_122 = tpu.memref_slice %arg5[%dma_wait3A_116, %dma_wait3A_121] : memref<125x40xi32, #tpu.memory_space<vmem>> -> memref<1x40xi32, #tpu.memory_space<vmem>>
      %dma_wait3A_123 = tpu.memref_squeeze %dma_wait3A_122 : memref<1x40xi32, #tpu.memory_space<vmem>> -> memref<40xi32, #tpu.memory_space<vmem>>
      %dma_wait3A_124 = arith.constant 0 : i32
      %dma_wait3A_125 = arith.constant 0 : i32
      %dma_wait3A_126 = tpu.memref_slice %arg2[%dma_wait3A_124, %dma_wait3A_125] : memref<10000x128xf32, #tpu.memory_space<hbm>> -> memref<10000x128xf32, #tpu.memory_space<hbm>>
      tpu.wait_indirect_dma semaphore(%arg7 : memref<!tpu.dma_semaphore, #tpu.memory_space<semaphore_mem>>) src(%dma_wait3A_126 : memref<10000x128xf32, #tpu.memory_space<hbm>>) dst(%dma_wait3A_120 : memref<40x128xf32, #tpu.memory_space<vmem>>)
      %dma_wait3A_127 = arith.constant 2 : i32
      %dma_wait3A_128 = arith.constant 80 : i32
      %dma_wait3A_129 = arith.constant 0 : i32
      %dma_wait3A_130 = tpu.memref_slice %arg6[%select_n3A_104, %dma_wait3A_128, %dma_wait3A_129] : memref<2x200x128xf32, #tpu.memory_space<vmem>> -> memref<1x40x128xf32, #tpu.memory_space<vmem>>
      %dma_wait3A_131 = tpu.memref_squeeze %dma_wait3A_130 : memref<1x40x128xf32, #tpu.memory_space<vmem>> -> memref<40x128xf32, #tpu.memory_space<vmem>>
      %dma_wait3A_132 = arith.constant 0 : i32
      %dma_wait3A_133 = tpu.memref_slice %arg5[%dma_wait3A_127, %dma_wait3A_132] : memref<125x40xi32, #tpu.memory_space<vmem>> -> memref<1x40xi32, #tpu.memory_space<vmem>>
      %dma_wait3A_134 = tpu.memref_squeeze %dma_wait3A_133 : memref<1x40xi32, #tpu.memory_space<vmem>> -> memref<40xi32, #tpu.memory_space<vmem>>
      %dma_wait3A_135 = arith.constant 0 : i32
      %dma_wait3A_136 = arith.constant 0 : i32
      %dma_wait3A_137 = tpu.memref_slice %arg2[%dma_wait3A_135, %dma_wait3A_136] : memref<10000x128xf32, #tpu.memory_space<hbm>> -> memref<10000x128xf32, #tpu.memory_space<hbm>>
      tpu.wait_indirect_dma semaphore(%arg7 : memref<!tpu.dma_semaphore, #tpu.memory_space<semaphore_mem>>) src(%dma_wait3A_137 : memref<10000x128xf32, #tpu.memory_space<hbm>>) dst(%dma_wait3A_131 : memref<40x128xf32, #tpu.memory_space<vmem>>)
      %dma_wait3A_138 = arith.constant 3 : i32
      %dma_wait3A_139 = arith.constant 120 : i32
      %dma_wait3A_140 = arith.constant 0 : i32
      %dma_wait3A_141 = tpu.memref_slice %arg6[%select_n3A_104, %dma_wait3A_139, %dma_wait3A_140] : memref<2x200x128xf32, #tpu.memory_space<vmem>> -> memref<1x40x128xf32, #tpu.memory_space<vmem>>
      %dma_wait3A_142 = tpu.memref_squeeze %dma_wait3A_141 : memref<1x40x128xf32, #tpu.memory_space<vmem>> -> memref<40x128xf32, #tpu.memory_space<vmem>>
      %dma_wait3A_143 = arith.constant 0 : i32
      %dma_wait3A_144 = tpu.memref_slice %arg5[%dma_wait3A_138, %dma_wait3A_143] : memref<125x40xi32, #tpu.memory_space<vmem>> -> memref<1x40xi32, #tpu.memory_space<vmem>>
      %dma_wait3A_145 = tpu.memref_squeeze %dma_wait3A_144 : memref<1x40xi32, #tpu.memory_space<vmem>> -> memref<40xi32, #tpu.memory_space<vmem>>
      %dma_wait3A_146 = arith.constant 0 : i32
      %dma_wait3A_147 = arith.constant 0 : i32
      %dma_wait3A_148 = tpu.memref_slice %arg2[%dma_wait3A_146, %dma_wait3A_147] : memref<10000x128xf32, #tpu.memory_space<hbm>> -> memref<10000x128xf32, #tpu.memory_space<hbm>>
      tpu.wait_indirect_dma semaphore(%arg7 : memref<!tpu.dma_semaphore, #tpu.memory_space<semaphore_mem>>) src(%dma_wait3A_148 : memref<10000x128xf32, #tpu.memory_space<hbm>>) dst(%dma_wait3A_142 : memref<40x128xf32, #tpu.memory_space<vmem>>)
      %dma_wait3A_149 = arith.constant 4 : i32
      %dma_wait3A_150 = arith.constant 160 : i32
      %dma_wait3A_151 = arith.constant 0 : i32
      %dma_wait3A_152 = tpu.memref_slice %arg6[%select_n3A_104, %dma_wait3A_150, %dma_wait3A_151] : memref<2x200x128xf32, #tpu.memory_space<vmem>> -> memref<1x40x128xf32, #tpu.memory_space<vmem>>
      %dma_wait3A_153 = tpu.memref_squeeze %dma_wait3A_152 : memref<1x40x128xf32, #tpu.memory_space<vmem>> -> memref<40x128xf32, #tpu.memory_space<vmem>>
      %dma_wait3A_154 = arith.constant 0 : i32
      %dma_wait3A_155 = tpu.memref_slice %arg5[%dma_wait3A_149, %dma_wait3A_154] : memref<125x40xi32, #tpu.memory_space<vmem>> -> memref<1x40xi32, #tpu.memory_space<vmem>>
      %dma_wait3A_156 = tpu.memref_squeeze %dma_wait3A_155 : memref<1x40xi32, #tpu.memory_space<vmem>> -> memref<40xi32, #tpu.memory_space<vmem>>
      %dma_wait3A_157 = arith.constant 0 : i32
      %dma_wait3A_158 = arith.constant 0 : i32
      %dma_wait3A_159 = tpu.memref_slice %arg2[%dma_wait3A_157, %dma_wait3A_158] : memref<10000x128xf32, #tpu.memory_space<hbm>> -> memref<10000x128xf32, #tpu.memory_space<hbm>>
      tpu.wait_indirect_dma semaphore(%arg7 : memref<!tpu.dma_semaphore, #tpu.memory_space<semaphore_mem>>) src(%dma_wait3A_159 : memref<10000x128xf32, #tpu.memory_space<hbm>>) dst(%dma_wait3A_153 : memref<40x128xf32, #tpu.memory_space<vmem>>)
      %lt3A_160 = arith.constant 24 : i32
      %lt3A_161 = arith.cmpi slt, %add3A_95, %lt3A_160 : i32
      %convert_element_type3A = arith.extui %lt3A_161 : i1 to i32
      %cond3A = arith.constant 0 : i32
      %cond3A_162 = arith.cmpi ne, %convert_element_type3A, %cond3A : i32
      scf.if %cond3A_162 {
        %ge3A = arith.constant 1 : i32
        %ge3A_178 = arith.cmpi sge, %add3A_95, %ge3A : i32
        %convert_element_type3A_179 = arith.extui %ge3A_178 : i1 to i32
        %cond3A_180 = arith.constant 0 : i32
        %cond3A_181 = arith.cmpi ne, %convert_element_type3A_179, %cond3A_180 : i32
        scf.if %cond3A_181 {
          %sub3A_255 = arith.constant 1 : i32
          %sub3A_256 = arith.subi %sub3A_255, %select_n3A_104 : i32
          %dma_wait3A_257 = arith.constant 0 : i32
          %dma_wait3A_258 = arith.constant 0 : i32
          %dma_wait3A_259 = tpu.memref_slice %arg6[%sub3A_256, %dma_wait3A_257, %dma_wait3A_258] : memref<2x200x128xf32, #tpu.memory_space<vmem>> -> memref<1x200x128xf32, #tpu.memory_space<vmem>>
          %dma_wait3A_260 = tpu.memref_squeeze %dma_wait3A_259 : memref<1x200x128xf32, #tpu.memory_space<vmem>> -> memref<200x128xf32, #tpu.memory_space<vmem>>
          %dma_wait3A_261 = arith.constant 0 : i32
          %dma_wait3A_262 = tpu.memref_slice %arg4[%mul3A_2, %dma_wait3A_261] : memref<160000x128xf32, #tpu.memory_space<hbm>> -> memref<200x128xf32, #tpu.memory_space<hbm>>
          %dma_wait3A_263 = arith.constant 0 : i32
          %dma_wait3A_264 = tpu.memref_slice %arg4[%mul3A_2, %dma_wait3A_263] : memref<160000x128xf32, #tpu.memory_space<hbm>> -> memref<200x128xf32, #tpu.memory_space<hbm>>
          %dma_wait3A_265 = arith.constant 0 : i32
          %dma_wait3A_266 = arith.constant 0 : i32
          %dma_wait3A_267 = tpu.memref_slice %arg6[%sub3A_256, %dma_wait3A_265, %dma_wait3A_266] : memref<2x200x128xf32, #tpu.memory_space<vmem>> -> memref<1x200x128xf32, #tpu.memory_space<vmem>>
          %dma_wait3A_268 = tpu.memref_squeeze %dma_wait3A_267 : memref<1x200x128xf32, #tpu.memory_space<vmem>> -> memref<200x128xf32, #tpu.memory_space<vmem>>
          tpu.wait_dma2 semaphore(%arg8 : memref<!tpu.dma_semaphore, #tpu.memory_space<semaphore_mem>>) src(%dma_wait3A_268 : memref<200x128xf32, #tpu.memory_space<vmem>>) dst(%dma_wait3A_264 : memref<200x128xf32, #tpu.memory_space<hbm>>)
        } else {
        }
        %add3A_182 = arith.constant 1 : i32
        %add3A_183 = arith.addi %add3A_95, %add3A_182 : i32
        %sub3A = arith.constant 1 : i32
        %sub3A_184 = arith.subi %sub3A, %select_n3A_104 : i32
        %mul3A_185 = arith.constant 5 : i32
        %mul3A_186 = arith.muli %add3A_183, %mul3A_185 : i32
        %add3A_187 = arith.constant 0 : i32
        %add3A_188 = arith.addi %mul3A_186, %add3A_187 : i32
        %dma_start3A_189 = arith.constant 0 : i32
        %dma_start3A_190 = arith.constant 0 : i32
        %dma_start3A_191 = tpu.memref_slice %arg6[%sub3A_184, %dma_start3A_189, %dma_start3A_190] : memref<2x200x128xf32, #tpu.memory_space<vmem>> -> memref<1x40x128xf32, #tpu.memory_space<vmem>>
        %dma_start3A_192 = tpu.memref_squeeze %dma_start3A_191 : memref<1x40x128xf32, #tpu.memory_space<vmem>> -> memref<40x128xf32, #tpu.memory_space<vmem>>
        %dma_start3A_193 = arith.constant 0 : i32
        %dma_start3A_194 = tpu.memref_slice %arg5[%add3A_188, %dma_start3A_193] : memref<125x40xi32, #tpu.memory_space<vmem>> -> memref<1x40xi32, #tpu.memory_space<vmem>>
        %dma_start3A_195 = tpu.memref_squeeze %dma_start3A_194 : memref<1x40xi32, #tpu.memory_space<vmem>> -> memref<40xi32, #tpu.memory_space<vmem>>
        %dma_start3A_196 = arith.constant 0 : i32
        %dma_start3A_197 = arith.constant 0 : i32
        %dma_start3A_198 = tpu.memref_slice %arg2[%dma_start3A_196, %dma_start3A_197] : memref<10000x128xf32, #tpu.memory_space<hbm>> -> memref<10000x128xf32, #tpu.memory_space<hbm>>
        tpu.enqueue_indirect_dma source(%dma_start3A_198 : memref<10000x128xf32, #tpu.memory_space<hbm>>) target(%dma_start3A_192 : memref<40x128xf32, #tpu.memory_space<vmem>>) offsets(%dma_start3A_195 : memref<40xi32, #tpu.memory_space<vmem>>) semaphore(%arg7 : memref<!tpu.dma_semaphore, #tpu.memory_space<semaphore_mem>>)
        %mul3A_199 = arith.constant 5 : i32
        %mul3A_200 = arith.muli %add3A_183, %mul3A_199 : i32
        %add3A_201 = arith.constant 1 : i32
        %add3A_202 = arith.addi %mul3A_200, %add3A_201 : i32
        %dma_start3A_203 = arith.constant 40 : i32
        %dma_start3A_204 = arith.constant 0 : i32
        %dma_start3A_205 = tpu.memref_slice %arg6[%sub3A_184, %dma_start3A_203, %dma_start3A_204] : memref<2x200x128xf32, #tpu.memory_space<vmem>> -> memref<1x40x128xf32, #tpu.memory_space<vmem>>
        %dma_start3A_206 = tpu.memref_squeeze %dma_start3A_205 : memref<1x40x128xf32, #tpu.memory_space<vmem>> -> memref<40x128xf32, #tpu.memory_space<vmem>>
        %dma_start3A_207 = arith.constant 0 : i32
        %dma_start3A_208 = tpu.memref_slice %arg5[%add3A_202, %dma_start3A_207] : memref<125x40xi32, #tpu.memory_space<vmem>> -> memref<1x40xi32, #tpu.memory_space<vmem>>
        %dma_start3A_209 = tpu.memref_squeeze %dma_start3A_208 : memref<1x40xi32, #tpu.memory_space<vmem>> -> memref<40xi32, #tpu.memory_space<vmem>>
        %dma_start3A_210 = arith.constant 0 : i32
        %dma_start3A_211 = arith.constant 0 : i32
        %dma_start3A_212 = tpu.memref_slice %arg2[%dma_start3A_210, %dma_start3A_211] : memref<10000x128xf32, #tpu.memory_space<hbm>> -> memref<10000x128xf32, #tpu.memory_space<hbm>>
        tpu.enqueue_indirect_dma source(%dma_start3A_212 : memref<10000x128xf32, #tpu.memory_space<hbm>>) target(%dma_start3A_206 : memref<40x128xf32, #tpu.memory_space<vmem>>) offsets(%dma_start3A_209 : memref<40xi32, #tpu.memory_space<vmem>>) semaphore(%arg7 : memref<!tpu.dma_semaphore, #tpu.memory_space<semaphore_mem>>)
        %mul3A_213 = arith.constant 5 : i32
        %mul3A_214 = arith.muli %add3A_183, %mul3A_213 : i32
        %add3A_215 = arith.constant 2 : i32
        %add3A_216 = arith.addi %mul3A_214, %add3A_215 : i32
        %dma_start3A_217 = arith.constant 80 : i32
        %dma_start3A_218 = arith.constant 0 : i32
        %dma_start3A_219 = tpu.memref_slice %arg6[%sub3A_184, %dma_start3A_217, %dma_start3A_218] : memref<2x200x128xf32, #tpu.memory_space<vmem>> -> memref<1x40x128xf32, #tpu.memory_space<vmem>>
        %dma_start3A_220 = tpu.memref_squeeze %dma_start3A_219 : memref<1x40x128xf32, #tpu.memory_space<vmem>> -> memref<40x128xf32, #tpu.memory_space<vmem>>
        %dma_start3A_221 = arith.constant 0 : i32
        %dma_start3A_222 = tpu.memref_slice %arg5[%add3A_216, %dma_start3A_221] : memref<125x40xi32, #tpu.memory_space<vmem>> -> memref<1x40xi32, #tpu.memory_space<vmem>>
        %dma_start3A_223 = tpu.memref_squeeze %dma_start3A_222 : memref<1x40xi32, #tpu.memory_space<vmem>> -> memref<40xi32, #tpu.memory_space<vmem>>
        %dma_start3A_224 = arith.constant 0 : i32
        %dma_start3A_225 = arith.constant 0 : i32
        %dma_start3A_226 = tpu.memref_slice %arg2[%dma_start3A_224, %dma_start3A_225] : memref<10000x128xf32, #tpu.memory_space<hbm>> -> memref<10000x128xf32, #tpu.memory_space<hbm>>
        tpu.enqueue_indirect_dma source(%dma_start3A_226 : memref<10000x128xf32, #tpu.memory_space<hbm>>) target(%dma_start3A_220 : memref<40x128xf32, #tpu.memory_space<vmem>>) offsets(%dma_start3A_223 : memref<40xi32, #tpu.memory_space<vmem>>) semaphore(%arg7 : memref<!tpu.dma_semaphore, #tpu.memory_space<semaphore_mem>>)
        %mul3A_227 = arith.constant 5 : i32
        %mul3A_228 = arith.muli %add3A_183, %mul3A_227 : i32
        %add3A_229 = arith.constant 3 : i32
        %add3A_230 = arith.addi %mul3A_228, %add3A_229 : i32
        %dma_start3A_231 = arith.constant 120 : i32
        %dma_start3A_232 = arith.constant 0 : i32
        %dma_start3A_233 = tpu.memref_slice %arg6[%sub3A_184, %dma_start3A_231, %dma_start3A_232] : memref<2x200x128xf32, #tpu.memory_space<vmem>> -> memref<1x40x128xf32, #tpu.memory_space<vmem>>
        %dma_start3A_234 = tpu.memref_squeeze %dma_start3A_233 : memref<1x40x128xf32, #tpu.memory_space<vmem>> -> memref<40x128xf32, #tpu.memory_space<vmem>>
        %dma_start3A_235 = arith.constant 0 : i32
        %dma_start3A_236 = tpu.memref_slice %arg5[%add3A_230, %dma_start3A_235] : memref<125x40xi32, #tpu.memory_space<vmem>> -> memref<1x40xi32, #tpu.memory_space<vmem>>
        %dma_start3A_237 = tpu.memref_squeeze %dma_start3A_236 : memref<1x40xi32, #tpu.memory_space<vmem>> -> memref<40xi32, #tpu.memory_space<vmem>>
        %dma_start3A_238 = arith.constant 0 : i32
        %dma_start3A_239 = arith.constant 0 : i32
        %dma_start3A_240 = tpu.memref_slice %arg2[%dma_start3A_238, %dma_start3A_239] : memref<10000x128xf32, #tpu.memory_space<hbm>> -> memref<10000x128xf32, #tpu.memory_space<hbm>>
        tpu.enqueue_indirect_dma source(%dma_start3A_240 : memref<10000x128xf32, #tpu.memory_space<hbm>>) target(%dma_start3A_234 : memref<40x128xf32, #tpu.memory_space<vmem>>) offsets(%dma_start3A_237 : memref<40xi32, #tpu.memory_space<vmem>>) semaphore(%arg7 : memref<!tpu.dma_semaphore, #tpu.memory_space<semaphore_mem>>)
        %mul3A_241 = arith.constant 5 : i32
        %mul3A_242 = arith.muli %add3A_183, %mul3A_241 : i32
        %add3A_243 = arith.constant 4 : i32
        %add3A_244 = arith.addi %mul3A_242, %add3A_243 : i32
        %dma_start3A_245 = arith.constant 160 : i32
        %dma_start3A_246 = arith.constant 0 : i32
        %dma_start3A_247 = tpu.memref_slice %arg6[%sub3A_184, %dma_start3A_245, %dma_start3A_246] : memref<2x200x128xf32, #tpu.memory_space<vmem>> -> memref<1x40x128xf32, #tpu.memory_space<vmem>>
        %dma_start3A_248 = tpu.memref_squeeze %dma_start3A_247 : memref<1x40x128xf32, #tpu.memory_space<vmem>> -> memref<40x128xf32, #tpu.memory_space<vmem>>
        %dma_start3A_249 = arith.constant 0 : i32
        %dma_start3A_250 = tpu.memref_slice %arg5[%add3A_244, %dma_start3A_249] : memref<125x40xi32, #tpu.memory_space<vmem>> -> memref<1x40xi32, #tpu.memory_space<vmem>>
        %dma_start3A_251 = tpu.memref_squeeze %dma_start3A_250 : memref<1x40xi32, #tpu.memory_space<vmem>> -> memref<40xi32, #tpu.memory_space<vmem>>
        %dma_start3A_252 = arith.constant 0 : i32
        %dma_start3A_253 = arith.constant 0 : i32
        %dma_start3A_254 = tpu.memref_slice %arg2[%dma_start3A_252, %dma_start3A_253] : memref<10000x128xf32, #tpu.memory_space<hbm>> -> memref<10000x128xf32, #tpu.memory_space<hbm>>
        tpu.enqueue_indirect_dma source(%dma_start3A_254 : memref<10000x128xf32, #tpu.memory_space<hbm>>) target(%dma_start3A_248 : memref<40x128xf32, #tpu.memory_space<vmem>>) offsets(%dma_start3A_251 : memref<40xi32, #tpu.memory_space<vmem>>) semaphore(%arg7 : memref<!tpu.dma_semaphore, #tpu.memory_space<semaphore_mem>>)
      } else {
      }
      %mul3A_163 = arith.constant 200 : i32
      %mul3A_164 = arith.muli %add3A_95, %mul3A_163 : i32
      %add3A_165 = arith.addi %mul3A_2, %mul3A_164 : i32
      %dma_start3A_166 = arith.constant 0 : i32
      %dma_start3A_167 = arith.constant 0 : i32
      %dma_start3A_168 = tpu.memref_slice %arg6[%select_n3A_104, %dma_start3A_166, %dma_start3A_167] : memref<2x200x128xf32, #tpu.memory_space<vmem>> -> memref<1x200x128xf32, #tpu.memory_space<vmem>>
      %dma_start3A_169 = tpu.memref_squeeze %dma_start3A_168 : memref<1x200x128xf32, #tpu.memory_space<vmem>> -> memref<200x128xf32, #tpu.memory_space<vmem>>
      %dma_start3A_170 = arith.constant 0 : i32
      %dma_start3A_171 = tpu.memref_slice %arg4[%add3A_165, %dma_start3A_170] : memref<160000x128xf32, #tpu.memory_space<hbm>> -> memref<200x128xf32, #tpu.memory_space<hbm>>
      %dma_start3A_172 = arith.constant 0 : i32
      %dma_start3A_173 = tpu.memref_slice %arg4[%add3A_165, %dma_start3A_172] : memref<160000x128xf32, #tpu.memory_space<hbm>> -> memref<200x128xf32, #tpu.memory_space<hbm>>
      %dma_start3A_174 = arith.constant 0 : i32
      %dma_start3A_175 = arith.constant 0 : i32
      %dma_start3A_176 = tpu.memref_slice %arg6[%select_n3A_104, %dma_start3A_174, %dma_start3A_175] : memref<2x200x128xf32, #tpu.memory_space<vmem>> -> memref<1x200x128xf32, #tpu.memory_space<vmem>>
      %dma_start3A_177 = tpu.memref_squeeze %dma_start3A_176 : memref<1x200x128xf32, #tpu.memory_space<vmem>> -> memref<200x128xf32, #tpu.memory_space<vmem>>
      tpu.enqueue_dma source(%dma_start3A_177 : memref<200x128xf32, #tpu.memory_space<vmem>>) target(%dma_start3A_173 : memref<200x128xf32, #tpu.memory_space<hbm>>) target_semaphore(%arg8 : memref<!tpu.dma_semaphore, #tpu.memory_space<semaphore_mem>>)
    }
    %scan3A_65 = arith.constant 25 : i32
    %dma_wait3A = arith.constant 0 : i32
    %dma_wait3A_66 = arith.constant 0 : i32
    %dma_wait3A_67 = arith.constant 0 : i32
    %dma_wait3A_68 = tpu.memref_slice %arg6[%dma_wait3A, %dma_wait3A_66, %dma_wait3A_67] : memref<2x200x128xf32, #tpu.memory_space<vmem>> -> memref<1x200x128xf32, #tpu.memory_space<vmem>>
    %dma_wait3A_69 = tpu.memref_squeeze %dma_wait3A_68 : memref<1x200x128xf32, #tpu.memory_space<vmem>> -> memref<200x128xf32, #tpu.memory_space<vmem>>
    %dma_wait3A_70 = arith.constant 0 : i32
    %dma_wait3A_71 = tpu.memref_slice %arg4[%mul3A_2, %dma_wait3A_70] : memref<160000x128xf32, #tpu.memory_space<hbm>> -> memref<200x128xf32, #tpu.memory_space<hbm>>
    %dma_wait3A_72 = arith.constant 0 : i32
    %dma_wait3A_73 = tpu.memref_slice %arg4[%mul3A_2, %dma_wait3A_72] : memref<160000x128xf32, #tpu.memory_space<hbm>> -> memref<200x128xf32, #tpu.memory_space<hbm>>
    %dma_wait3A_74 = arith.constant 0 : i32
    %dma_wait3A_75 = arith.constant 0 : i32
    %dma_wait3A_76 = tpu.memref_slice %arg6[%dma_wait3A, %dma_wait3A_74, %dma_wait3A_75] : memref<2x200x128xf32, #tpu.memory_space<vmem>> -> memref<1x200x128xf32, #tpu.memory_space<vmem>>
    %dma_wait3A_77 = tpu.memref_squeeze %dma_wait3A_76 : memref<1x200x128xf32, #tpu.memory_space<vmem>> -> memref<200x128xf32, #tpu.memory_space<vmem>>
    tpu.wait_dma2 semaphore(%arg8 : memref<!tpu.dma_semaphore, #tpu.memory_space<semaphore_mem>>) src(%dma_wait3A_77 : memref<200x128xf32, #tpu.memory_space<vmem>>) dst(%dma_wait3A_73 : memref<200x128xf32, #tpu.memory_space<hbm>>)
    %dma_wait3A_78 = arith.constant 1 : i32
    %dma_wait3A_79 = arith.constant 0 : i32
    %dma_wait3A_80 = arith.constant 0 : i32
    %dma_wait3A_81 = tpu.memref_slice %arg6[%dma_wait3A_78, %dma_wait3A_79, %dma_wait3A_80] : memref<2x200x128xf32, #tpu.memory_space<vmem>> -> memref<1x200x128xf32, #tpu.memory_space<vmem>>
    %dma_wait3A_82 = tpu.memref_squeeze %dma_wait3A_81 : memref<1x200x128xf32, #tpu.memory_space<vmem>> -> memref<200x128xf32, #tpu.memory_space<vmem>>
    %dma_wait3A_83 = arith.constant 0 : i32
    %dma_wait3A_84 = tpu.memref_slice %arg4[%mul3A_2, %dma_wait3A_83] : memref<160000x128xf32, #tpu.memory_space<hbm>> -> memref<200x128xf32, #tpu.memory_space<hbm>>
    %dma_wait3A_85 = arith.constant 0 : i32
    %dma_wait3A_86 = tpu.memref_slice %arg4[%mul3A_2, %dma_wait3A_85] : memref<160000x128xf32, #tpu.memory_space<hbm>> -> memref<200x128xf32, #tpu.memory_space<hbm>>
    %dma_wait3A_87 = arith.constant 0 : i32
    %dma_wait3A_88 = arith.constant 0 : i32
    %dma_wait3A_89 = tpu.memref_slice %arg6[%dma_wait3A_78, %dma_wait3A_87, %dma_wait3A_88] : memref<2x200x128xf32, #tpu.memory_space<vmem>> -> memref<1x200x128xf32, #tpu.memory_space<vmem>>
    %dma_wait3A_90 = tpu.memref_squeeze %dma_wait3A_89 : memref<1x200x128xf32, #tpu.memory_space<vmem>> -> memref<200x128xf32, #tpu.memory_space<vmem>>
    tpu.wait_dma2 semaphore(%arg8 : memref<!tpu.dma_semaphore, #tpu.memory_space<semaphore_mem>>) src(%dma_wait3A_90 : memref<200x128xf32, #tpu.memory_space<vmem>>) dst(%dma_wait3A_86 : memref<200x128xf32, #tpu.memory_space<hbm>>)
    return
  }
}

#map = affine_map<(d0, d1) -> (0, 0)>
#map1 = affine_map<(d0, d1) -> (0)>
#map2 = affine_map<(d0, d1) -> (0, 0, 0)>
module attributes {stable_mosaic.version = 14 : i64} {
  func.func @scatter(%arg0: i32, %arg1: i32, %arg2: memref<160000x128xf32, #tpu.memory_space<hbm>>, %arg3: memref<160000xf32, #tpu.memory_space<hbm>>, %arg4: memref<16x125x80xi32, #tpu.memory_space<hbm>>, %arg5: memref<2x5376x128xf32, #tpu.memory_space<hbm>>, %arg6: memref<32x10240xf32, #tpu.memory_space<hbm>>, %arg7: memref<4x80xi32, #tpu.memory_space<vmem>>, %arg8: memref<4x80xi32, #tpu.memory_space<vmem>>, %arg9: memref<4x80x128xf32, #tpu.memory_space<vmem>>, %arg10: memref<4x80xf32, #tpu.memory_space<vmem>>, %arg11: memref<48x128xf32, #tpu.memory_space<vmem>>, %arg12: memref<10240xf32, #tpu.memory_space<vmem>>, %arg13: memref<5376x128xf32, #tpu.memory_space<vmem_shared>>, %arg14: memref<!tpu.dma_semaphore, #tpu.memory_space<semaphore_mem>>, %arg15: memref<!tpu.dma_semaphore, #tpu.memory_space<semaphore_mem>>) attributes {dimension_semantics = [#tpu.dimension_semantics<core_parallel>, #tpu.dimension_semantics<subcore_parallel>], iteration_bounds = array<i64: 2, 16>, scalar_prefetch = 0 : i64, scratch_operands = 9 : i64, tpu.core_type = #tpu.core_type<sc_vector_subcore>, window_params = [{transform_indices = #map}, {transform_indices = #map1}, {transform_indices = #map2}, {transform_indices = #map2}, {transform_indices = #map}]} {
    %mul3A = arith.constant 5120 : i32
    %mul3A_0 = arith.muli %arg0, %mul3A : i32
    %scan3A = arith.constant 0 : i32
    %scan3A_1 = arith.constant 48 : i32
    %scan3A_2 = arith.addi %scan3A, %scan3A_1 : i32
    %scan3A_3 = arith.constant 1 : i32
    scf.for %scan3A_74 = %scan3A to %scan3A_2 step %scan3A_3  : i32 {
      %mul3A_75 = arith.constant 1 : i32
      %mul3A_76 = arith.muli %scan3A_74, %mul3A_75 : i32
      %add3A_77 = arith.constant 0 : i32
      %add3A_78 = arith.addi %add3A_77, %mul3A_76 : i32
      %scan3A_79 = arith.constant 0 : i32
      %scan3A_80 = arith.constant 8 : i32
      %scan3A_81 = arith.addi %scan3A_79, %scan3A_80 : i32
      %scan3A_82 = arith.constant 1 : i32
      scf.for %scan3A_84 = %scan3A_79 to %scan3A_81 step %scan3A_82  : i32 {
        %mul3A_85 = arith.constant 1 : i32
        %mul3A_86 = arith.muli %scan3A_84, %mul3A_85 : i32
        %add3A_87 = arith.constant 0 : i32
        %add3A_88 = arith.addi %add3A_87, %mul3A_86 : i32
        %broadcast_in_dim3A = arith.constant 0.000000e+00 : f32
        %broadcast_in_dim3A_89 = vector.broadcast %broadcast_in_dim3A : f32 to vector<16xf32>
        %mul3A_90 = arith.constant 16 : i32
        %mul3A_91 = arith.muli %add3A_88, %mul3A_90 : i32
        %swap3A = arith.index_cast %add3A_78 : i32 to index
        %swap3A_92 = arith.index_cast %mul3A_91 : i32 to index
        %swap3A_93 = tpu.vector_load %arg11[%swap3A, %swap3A_92] {strides = array<i32>} : memref<48x128xf32, #tpu.memory_space<vmem>>, vector<16xf32>,
        tpu.vector_store %arg11[%swap3A, %swap3A_92], %broadcast_in_dim3A_89 {strides = array<i32>} : memref<48x128xf32, #tpu.memory_space<vmem>>, vector<16xf32>,
      }
      %scan3A_83 = arith.constant 8 : i32
    }
    %scan3A_4 = arith.constant 48 : i32
    %scan3A_5 = arith.constant 0 : i32
    %scan3A_6 = arith.constant 7 : i32
    %scan3A_7 = arith.addi %scan3A_5, %scan3A_6 : i32
    %scan3A_8 = arith.constant 1 : i32
    scf.for %scan3A_74 = %scan3A_5 to %scan3A_7 step %scan3A_8  : i32 {
      %mul3A_75 = arith.constant 1 : i32
      %mul3A_76 = arith.muli %scan3A_74, %mul3A_75 : i32
      %add3A_77 = arith.constant 0 : i32
      %add3A_78 = arith.addi %add3A_77, %mul3A_76 : i32
      %mul3A_79 = arith.constant 336 : i32
      %mul3A_80 = arith.muli %arg1, %mul3A_79 : i32
      %mul3A_81 = arith.constant 48 : i32
      %mul3A_82 = arith.muli %add3A_78, %mul3A_81 : i32
      %add3A_83 = arith.addi %mul3A_80, %mul3A_82 : i32
      "tpu.region"() ({
        %run_scoped3A = tpu.sem_alloc : memref<!tpu.dma_semaphore, #tpu.memory_space<semaphore_mem>>
        %dma_start3A_84 = arith.constant 0 : i32
        %dma_start3A_85 = tpu.memref_slice %arg13[%add3A_83, %dma_start3A_84] : memref<5376x128xf32, #tpu.memory_space<vmem_shared>> -> memref<48x128xf32, #tpu.memory_space<vmem_shared>>
        %dma_start3A_86 = arith.constant 0 : i32
        %dma_start3A_87 = tpu.memref_slice %arg13[%add3A_83, %dma_start3A_86] : memref<5376x128xf32, #tpu.memory_space<vmem_shared>> -> memref<48x128xf32, #tpu.memory_space<vmem_shared>>
        tpu.enqueue_dma source(%arg11 : memref<48x128xf32, #tpu.memory_space<vmem>>) target(%dma_start3A_87 : memref<48x128xf32, #tpu.memory_space<vmem_shared>>) target_semaphore(%run_scoped3A : memref<!tpu.dma_semaphore, #tpu.memory_space<semaphore_mem>>)
        %dma_wait3A = arith.constant 0 : i32
        %dma_wait3A_88 = tpu.memref_slice %arg13[%add3A_83, %dma_wait3A] : memref<5376x128xf32, #tpu.memory_space<vmem_shared>> -> memref<48x128xf32, #tpu.memory_space<vmem_shared>>
        %dma_wait3A_89 = arith.constant 0 : i32
        %dma_wait3A_90 = tpu.memref_slice %arg13[%add3A_83, %dma_wait3A_89] : memref<5376x128xf32, #tpu.memory_space<vmem_shared>> -> memref<48x128xf32, #tpu.memory_space<vmem_shared>>
        tpu.wait_dma2 semaphore(%run_scoped3A : memref<!tpu.dma_semaphore, #tpu.memory_space<semaphore_mem>>) src(%arg11 : memref<48x128xf32, #tpu.memory_space<vmem>>) dst(%dma_wait3A_90 : memref<48x128xf32, #tpu.memory_space<vmem_shared>>)
        tpu.yield
      }) : () -> ()
    }
    %scan3A_9 = arith.constant 7 : i32
    %scan3A_10 = arith.constant 0 : i32
    %scan3A_11 = arith.constant 640 : i32
    %scan3A_12 = arith.addi %scan3A_10, %scan3A_11 : i32
    %scan3A_13 = arith.constant 1 : i32
    scf.for %scan3A_74 = %scan3A_10 to %scan3A_12 step %scan3A_13  : i32 {
      %mul3A_75 = arith.constant 1 : i32
      %mul3A_76 = arith.muli %scan3A_74, %mul3A_75 : i32
      %add3A_77 = arith.constant 0 : i32
      %add3A_78 = arith.addi %add3A_77, %mul3A_76 : i32
      %broadcast_in_dim3A = arith.constant 0.000000e+00 : f32
      %broadcast_in_dim3A_79 = vector.broadcast %broadcast_in_dim3A : f32 to vector<16xf32>
      %mul3A_80 = arith.constant 16 : i32
      %mul3A_81 = arith.muli %add3A_78, %mul3A_80 : i32
      %swap3A = arith.index_cast %mul3A_81 : i32 to index
      %swap3A_82 = tpu.vector_load %arg12[%swap3A] {strides = array<i32>} : memref<10240xf32, #tpu.memory_space<vmem>>, vector<16xf32>,
      tpu.vector_store %arg12[%swap3A], %broadcast_in_dim3A_79 {strides = array<i32>} : memref<10240xf32, #tpu.memory_space<vmem>>, vector<16xf32>,
    }
    %scan3A_14 = arith.constant 640 : i32
    %barrier3A = arith.constant 0 : index
    tpu.barrier barrier_id(%barrier3A)
    %mul3A_15 = arith.constant 10000 : i32
    %mul3A_16 = arith.muli %arg1, %mul3A_15 : i32
    %dma_start3A = arith.constant 0 : i32
    %dma_start3A_17 = arith.constant 0 : i32
    %dma_start3A_18 = arith.constant 0 : i32
    %dma_start3A_19 = tpu.memref_slice %arg7[%dma_start3A_17, %dma_start3A_18] : memref<4x80xi32, #tpu.memory_space<vmem>> -> memref<1x80xi32, #tpu.memory_space<vmem>>
    %dma_start3A_20 = tpu.memref_squeeze %dma_start3A_19 : memref<1x80xi32, #tpu.memory_space<vmem>> -> memref<80xi32, #tpu.memory_space<vmem>>
    %dma_start3A_21 = arith.constant 0 : i32
    %dma_start3A_22 = tpu.memref_slice %arg4[%arg1, %dma_start3A, %dma_start3A_21] : memref<16x125x80xi32, #tpu.memory_space<hbm>> -> memref<1x1x80xi32, #tpu.memory_space<hbm>>
    %dma_start3A_23 = tpu.memref_squeeze %dma_start3A_22 : memref<1x1x80xi32, #tpu.memory_space<hbm>> -> memref<80xi32, #tpu.memory_space<hbm>>
    %dma_start3A_24 = arith.constant 0 : i32
    %dma_start3A_25 = tpu.memref_slice %arg7[%dma_start3A_17, %dma_start3A_24] : memref<4x80xi32, #tpu.memory_space<vmem>> -> memref<1x80xi32, #tpu.memory_space<vmem>>
    %dma_start3A_26 = tpu.memref_squeeze %dma_start3A_25 : memref<1x80xi32, #tpu.memory_space<vmem>> -> memref<80xi32, #tpu.memory_space<vmem>>
    %dma_start3A_27 = arith.constant 0 : i32
    %dma_start3A_28 = tpu.memref_slice %arg4[%arg1, %dma_start3A, %dma_start3A_27] : memref<16x125x80xi32, #tpu.memory_space<hbm>> -> memref<1x1x80xi32, #tpu.memory_space<hbm>>
    %dma_start3A_29 = tpu.memref_squeeze %dma_start3A_28 : memref<1x1x80xi32, #tpu.memory_space<hbm>> -> memref<80xi32, #tpu.memory_space<hbm>>
    tpu.enqueue_dma source(%dma_start3A_29 : memref<80xi32, #tpu.memory_space<hbm>>) target(%dma_start3A_26 : memref<80xi32, #tpu.memory_space<vmem>>) target_semaphore(%arg14 : memref<!tpu.dma_semaphore, #tpu.memory_space<semaphore_mem>>)
    %add3A = arith.constant 0 : i32
    %add3A_30 = arith.addi %mul3A_16, %add3A : i32
    %dma_start3A_31 = arith.constant 0 : i32
    %dma_start3A_32 = arith.constant 0 : i32
    %dma_start3A_33 = arith.constant 0 : i32
    %dma_start3A_34 = tpu.memref_slice %arg9[%dma_start3A_31, %dma_start3A_32, %dma_start3A_33] : memref<4x80x128xf32, #tpu.memory_space<vmem>> -> memref<1x80x128xf32, #tpu.memory_space<vmem>>
    %dma_start3A_35 = tpu.memref_squeeze %dma_start3A_34 : memref<1x80x128xf32, #tpu.memory_space<vmem>> -> memref<80x128xf32, #tpu.memory_space<vmem>>
    %dma_start3A_36 = arith.constant 0 : i32
    %dma_start3A_37 = tpu.memref_slice %arg2[%add3A_30, %dma_start3A_36] : memref<160000x128xf32, #tpu.memory_space<hbm>> -> memref<80x128xf32, #tpu.memory_space<hbm>>
    %dma_start3A_38 = arith.constant 0 : i32
    %dma_start3A_39 = arith.constant 0 : i32
    %dma_start3A_40 = tpu.memref_slice %arg9[%dma_start3A_31, %dma_start3A_38, %dma_start3A_39] : memref<4x80x128xf32, #tpu.memory_space<vmem>> -> memref<1x80x128xf32, #tpu.memory_space<vmem>>
    %dma_start3A_41 = tpu.memref_squeeze %dma_start3A_40 : memref<1x80x128xf32, #tpu.memory_space<vmem>> -> memref<80x128xf32, #tpu.memory_space<vmem>>
    %dma_start3A_42 = arith.constant 0 : i32
    %dma_start3A_43 = tpu.memref_slice %arg2[%add3A_30, %dma_start3A_42] : memref<160000x128xf32, #tpu.memory_space<hbm>> -> memref<80x128xf32, #tpu.memory_space<hbm>>
    tpu.enqueue_dma source(%dma_start3A_43 : memref<80x128xf32, #tpu.memory_space<hbm>>) target(%dma_start3A_41 : memref<80x128xf32, #tpu.memory_space<vmem>>) target_semaphore(%arg14 : memref<!tpu.dma_semaphore, #tpu.memory_space<semaphore_mem>>)
    %add3A_44 = arith.constant 0 : i32
    %add3A_45 = arith.addi %mul3A_16, %add3A_44 : i32
    %dma_start3A_46 = arith.constant 0 : i32
    %dma_start3A_47 = arith.constant 0 : i32
    %dma_start3A_48 = tpu.memref_slice %arg10[%dma_start3A_46, %dma_start3A_47] : memref<4x80xf32, #tpu.memory_space<vmem>> -> memref<1x80xf32, #tpu.memory_space<vmem>>
    %dma_start3A_49 = tpu.memref_squeeze %dma_start3A_48 : memref<1x80xf32, #tpu.memory_space<vmem>> -> memref<80xf32, #tpu.memory_space<vmem>>
    %dma_start3A_50 = tpu.memref_slice %arg3[%add3A_45] : memref<160000xf32, #tpu.memory_space<hbm>> -> memref<80xf32, #tpu.memory_space<hbm>>
    %dma_start3A_51 = arith.constant 0 : i32
    %dma_start3A_52 = tpu.memref_slice %arg10[%dma_start3A_46, %dma_start3A_51] : memref<4x80xf32, #tpu.memory_space<vmem>> -> memref<1x80xf32, #tpu.memory_space<vmem>>
    %dma_start3A_53 = tpu.memref_squeeze %dma_start3A_52 : memref<1x80xf32, #tpu.memory_space<vmem>> -> memref<80xf32, #tpu.memory_space<vmem>>
    %dma_start3A_54 = tpu.memref_slice %arg3[%add3A_45] : memref<160000xf32, #tpu.memory_space<hbm>> -> memref<80xf32, #tpu.memory_space<hbm>>
    tpu.enqueue_dma source(%dma_start3A_54 : memref<80xf32, #tpu.memory_space<hbm>>) target(%dma_start3A_53 : memref<80xf32, #tpu.memory_space<vmem>>) target_semaphore(%arg14 : memref<!tpu.dma_semaphore, #tpu.memory_space<semaphore_mem>>)
    %scan3A_55 = arith.constant 0 : i32
    %scan3A_56 = arith.constant 125 : i32
    %scan3A_57 = arith.addi %scan3A_55, %scan3A_56 : i32
    %scan3A_58 = arith.constant 1 : i32
    scf.for %scan3A_74 = %scan3A_55 to %scan3A_57 step %scan3A_58  : i32 {
      %mul3A_75 = arith.constant 1 : i32
      %mul3A_76 = arith.muli %scan3A_74, %mul3A_75 : i32
      %add3A_77 = arith.constant 0 : i32
      %add3A_78 = arith.addi %add3A_77, %mul3A_76 : i32
      %jit3A = arith.constant 4 : i32
      %eq3A = arith.constant 0 : i32
      %eq3A_79 = arith.cmpi eq, %jit3A, %eq3A : i32
      %jit3A_80 = arith.constant 1 : i32
      %select_n3A = arith.select %eq3A_79, %jit3A_80, %jit3A : i32
      %rem3A = arith.remsi %add3A_78, %select_n3A : i32
      %ne3A = arith.constant 0 : i32
      %ne3A_81 = arith.cmpi ne, %rem3A, %ne3A : i32
      %lt3A = arith.constant 0 : i32
      %lt3A_82 = arith.cmpi slt, %rem3A, %lt3A : i32
      %lt3A_83 = arith.constant 0 : i32
      %lt3A_84 = arith.cmpi slt, %select_n3A, %lt3A_83 : i32
      %ne3A_85 = arith.xori %lt3A_82, %lt3A_84 : i1
      %and3A = arith.andi %ne3A_85, %ne3A_81 : i1
      %add3A_86 = arith.addi %rem3A, %select_n3A : i32
      %select_n3A_87 = arith.select %and3A, %add3A_86, %rem3A : i32
      %dma_wait3A = arith.constant 0 : i32
      %dma_wait3A_88 = arith.constant 0 : i32
      %dma_wait3A_89 = tpu.memref_slice %arg7[%select_n3A_87, %dma_wait3A_88] : memref<4x80xi32, #tpu.memory_space<vmem>> -> memref<1x80xi32, #tpu.memory_space<vmem>>
      %dma_wait3A_90 = tpu.memref_squeeze %dma_wait3A_89 : memref<1x80xi32, #tpu.memory_space<vmem>> -> memref<80xi32, #tpu.memory_space<vmem>>
      %dma_wait3A_91 = arith.constant 0 : i32
      %dma_wait3A_92 = tpu.memref_slice %arg4[%arg1, %dma_wait3A, %dma_wait3A_91] : memref<16x125x80xi32, #tpu.memory_space<hbm>> -> memref<1x1x80xi32, #tpu.memory_space<hbm>>
      %dma_wait3A_93 = tpu.memref_squeeze %dma_wait3A_92 : memref<1x1x80xi32, #tpu.memory_space<hbm>> -> memref<80xi32, #tpu.memory_space<hbm>>
      %dma_wait3A_94 = arith.constant 0 : i32
      %dma_wait3A_95 = tpu.memref_slice %arg7[%select_n3A_87, %dma_wait3A_94] : memref<4x80xi32, #tpu.memory_space<vmem>> -> memref<1x80xi32, #tpu.memory_space<vmem>>
      %dma_wait3A_96 = tpu.memref_squeeze %dma_wait3A_95 : memref<1x80xi32, #tpu.memory_space<vmem>> -> memref<80xi32, #tpu.memory_space<vmem>>
      %dma_wait3A_97 = arith.constant 0 : i32
      %dma_wait3A_98 = tpu.memref_slice %arg4[%arg1, %dma_wait3A, %dma_wait3A_97] : memref<16x125x80xi32, #tpu.memory_space<hbm>> -> memref<1x1x80xi32, #tpu.memory_space<hbm>>
      %dma_wait3A_99 = tpu.memref_squeeze %dma_wait3A_98 : memref<1x1x80xi32, #tpu.memory_space<hbm>> -> memref<80xi32, #tpu.memory_space<hbm>>
      tpu.wait_dma2 semaphore(%arg14 : memref<!tpu.dma_semaphore, #tpu.memory_space<semaphore_mem>>) src(%dma_wait3A_99 : memref<80xi32, #tpu.memory_space<hbm>>) dst(%dma_wait3A_96 : memref<80xi32, #tpu.memory_space<vmem>>)
      %dma_wait3A_100 = arith.constant 0 : i32
      %dma_wait3A_101 = arith.constant 0 : i32
      %dma_wait3A_102 = tpu.memref_slice %arg9[%select_n3A_87, %dma_wait3A_100, %dma_wait3A_101] : memref<4x80x128xf32, #tpu.memory_space<vmem>> -> memref<1x80x128xf32, #tpu.memory_space<vmem>>
      %dma_wait3A_103 = tpu.memref_squeeze %dma_wait3A_102 : memref<1x80x128xf32, #tpu.memory_space<vmem>> -> memref<80x128xf32, #tpu.memory_space<vmem>>
      %dma_wait3A_104 = arith.constant 0 : i32
      %dma_wait3A_105 = tpu.memref_slice %arg2[%mul3A_16, %dma_wait3A_104] : memref<160000x128xf32, #tpu.memory_space<hbm>> -> memref<80x128xf32, #tpu.memory_space<hbm>>
      %dma_wait3A_106 = arith.constant 0 : i32
      %dma_wait3A_107 = arith.constant 0 : i32
      %dma_wait3A_108 = tpu.memref_slice %arg9[%select_n3A_87, %dma_wait3A_106, %dma_wait3A_107] : memref<4x80x128xf32, #tpu.memory_space<vmem>> -> memref<1x80x128xf32, #tpu.memory_space<vmem>>
      %dma_wait3A_109 = tpu.memref_squeeze %dma_wait3A_108 : memref<1x80x128xf32, #tpu.memory_space<vmem>> -> memref<80x128xf32, #tpu.memory_space<vmem>>
      %dma_wait3A_110 = arith.constant 0 : i32
      %dma_wait3A_111 = tpu.memref_slice %arg2[%mul3A_16, %dma_wait3A_110] : memref<160000x128xf32, #tpu.memory_space<hbm>> -> memref<80x128xf32, #tpu.memory_space<hbm>>
      tpu.wait_dma2 semaphore(%arg14 : memref<!tpu.dma_semaphore, #tpu.memory_space<semaphore_mem>>) src(%dma_wait3A_111 : memref<80x128xf32, #tpu.memory_space<hbm>>) dst(%dma_wait3A_109 : memref<80x128xf32, #tpu.memory_space<vmem>>)
      %dma_wait3A_112 = arith.constant 0 : i32
      %dma_wait3A_113 = tpu.memref_slice %arg10[%select_n3A_87, %dma_wait3A_112] : memref<4x80xf32, #tpu.memory_space<vmem>> -> memref<1x80xf32, #tpu.memory_space<vmem>>
      %dma_wait3A_114 = tpu.memref_squeeze %dma_wait3A_113 : memref<1x80xf32, #tpu.memory_space<vmem>> -> memref<80xf32, #tpu.memory_space<vmem>>
      %dma_wait3A_115 = tpu.memref_slice %arg3[%mul3A_16] : memref<160000xf32, #tpu.memory_space<hbm>> -> memref<80xf32, #tpu.memory_space<hbm>>
      %dma_wait3A_116 = arith.constant 0 : i32
      %dma_wait3A_117 = tpu.memref_slice %arg10[%select_n3A_87, %dma_wait3A_116] : memref<4x80xf32, #tpu.memory_space<vmem>> -> memref<1x80xf32, #tpu.memory_space<vmem>>
      %dma_wait3A_118 = tpu.memref_squeeze %dma_wait3A_117 : memref<1x80xf32, #tpu.memory_space<vmem>> -> memref<80xf32, #tpu.memory_space<vmem>>
      %dma_wait3A_119 = tpu.memref_slice %arg3[%mul3A_16] : memref<160000xf32, #tpu.memory_space<hbm>> -> memref<80xf32, #tpu.memory_space<hbm>>
      tpu.wait_dma2 semaphore(%arg14 : memref<!tpu.dma_semaphore, #tpu.memory_space<semaphore_mem>>) src(%dma_wait3A_119 : memref<80xf32, #tpu.memory_space<hbm>>) dst(%dma_wait3A_118 : memref<80xf32, #tpu.memory_space<vmem>>)
      %lt3A_120 = arith.constant 124 : i32
      %lt3A_121 = arith.cmpi slt, %add3A_78, %lt3A_120 : i32
      %convert_element_type3A = arith.extui %lt3A_121 : i1 to i32
      %cond3A = arith.constant 0 : i32
      %cond3A_122 = arith.cmpi ne, %convert_element_type3A, %cond3A : i32
      scf.if %cond3A_122 {
        %add3A_238 = arith.constant 1 : i32
        %add3A_239 = arith.addi %add3A_78, %add3A_238 : i32
        %add3A_240 = arith.constant 1 : i32
        %add3A_241 = arith.addi %add3A_78, %add3A_240 : i32
        %jit3A_242 = arith.constant 4 : i32
        %eq3A_243 = arith.constant 0 : i32
        %eq3A_244 = arith.cmpi eq, %jit3A_242, %eq3A_243 : i32
        %jit3A_245 = arith.constant 1 : i32
        %select_n3A_246 = arith.select %eq3A_244, %jit3A_245, %jit3A_242 : i32
        %rem3A_247 = arith.remsi %add3A_241, %select_n3A_246 : i32
        %ne3A_248 = arith.constant 0 : i32
        %ne3A_249 = arith.cmpi ne, %rem3A_247, %ne3A_248 : i32
        %lt3A_250 = arith.constant 0 : i32
        %lt3A_251 = arith.cmpi slt, %rem3A_247, %lt3A_250 : i32
        %lt3A_252 = arith.constant 0 : i32
        %lt3A_253 = arith.cmpi slt, %select_n3A_246, %lt3A_252 : i32
        %ne3A_254 = arith.xori %lt3A_251, %lt3A_253 : i1
        %and3A_255 = arith.andi %ne3A_254, %ne3A_249 : i1
        %add3A_256 = arith.addi %rem3A_247, %select_n3A_246 : i32
        %select_n3A_257 = arith.select %and3A_255, %add3A_256, %rem3A_247 : i32
        %dma_start3A_258 = arith.constant 0 : i32
        %dma_start3A_259 = tpu.memref_slice %arg7[%select_n3A_257, %dma_start3A_258] : memref<4x80xi32, #tpu.memory_space<vmem>> -> memref<1x80xi32, #tpu.memory_space<vmem>>
        %dma_start3A_260 = tpu.memref_squeeze %dma_start3A_259 : memref<1x80xi32, #tpu.memory_space<vmem>> -> memref<80xi32, #tpu.memory_space<vmem>>
        %dma_start3A_261 = arith.constant 0 : i32
        %dma_start3A_262 = tpu.memref_slice %arg4[%arg1, %add3A_239, %dma_start3A_261] : memref<16x125x80xi32, #tpu.memory_space<hbm>> -> memref<1x1x80xi32, #tpu.memory_space<hbm>>
        %dma_start3A_263 = tpu.memref_squeeze %dma_start3A_262 : memref<1x1x80xi32, #tpu.memory_space<hbm>> -> memref<80xi32, #tpu.memory_space<hbm>>
        %dma_start3A_264 = arith.constant 0 : i32
        %dma_start3A_265 = tpu.memref_slice %arg7[%select_n3A_257, %dma_start3A_264] : memref<4x80xi32, #tpu.memory_space<vmem>> -> memref<1x80xi32, #tpu.memory_space<vmem>>
        %dma_start3A_266 = tpu.memref_squeeze %dma_start3A_265 : memref<1x80xi32, #tpu.memory_space<vmem>> -> memref<80xi32, #tpu.memory_space<vmem>>
        %dma_start3A_267 = arith.constant 0 : i32
        %dma_start3A_268 = tpu.memref_slice %arg4[%arg1, %add3A_239, %dma_start3A_267] : memref<16x125x80xi32, #tpu.memory_space<hbm>> -> memref<1x1x80xi32, #tpu.memory_space<hbm>>
        %dma_start3A_269 = tpu.memref_squeeze %dma_start3A_268 : memref<1x1x80xi32, #tpu.memory_space<hbm>> -> memref<80xi32, #tpu.memory_space<hbm>>
        tpu.enqueue_dma source(%dma_start3A_269 : memref<80xi32, #tpu.memory_space<hbm>>) target(%dma_start3A_266 : memref<80xi32, #tpu.memory_space<vmem>>) target_semaphore(%arg14 : memref<!tpu.dma_semaphore, #tpu.memory_space<semaphore_mem>>)
        %mul3A_270 = arith.constant 80 : i32
        %mul3A_271 = arith.muli %add3A_239, %mul3A_270 : i32
        %add3A_272 = arith.addi %mul3A_16, %mul3A_271 : i32
        %dma_start3A_273 = arith.constant 0 : i32
        %dma_start3A_274 = arith.constant 0 : i32
        %dma_start3A_275 = tpu.memref_slice %arg9[%select_n3A_257, %dma_start3A_273, %dma_start3A_274] : memref<4x80x128xf32, #tpu.memory_space<vmem>> -> memref<1x80x128xf32, #tpu.memory_space<vmem>>
        %dma_start3A_276 = tpu.memref_squeeze %dma_start3A_275 : memref<1x80x128xf32, #tpu.memory_space<vmem>> -> memref<80x128xf32, #tpu.memory_space<vmem>>
        %dma_start3A_277 = arith.constant 0 : i32
        %dma_start3A_278 = tpu.memref_slice %arg2[%add3A_272, %dma_start3A_277] : memref<160000x128xf32, #tpu.memory_space<hbm>> -> memref<80x128xf32, #tpu.memory_space<hbm>>
        %dma_start3A_279 = arith.constant 0 : i32
        %dma_start3A_280 = arith.constant 0 : i32
        %dma_start3A_281 = tpu.memref_slice %arg9[%select_n3A_257, %dma_start3A_279, %dma_start3A_280] : memref<4x80x128xf32, #tpu.memory_space<vmem>> -> memref<1x80x128xf32, #tpu.memory_space<vmem>>
        %dma_start3A_282 = tpu.memref_squeeze %dma_start3A_281 : memref<1x80x128xf32, #tpu.memory_space<vmem>> -> memref<80x128xf32, #tpu.memory_space<vmem>>
        %dma_start3A_283 = arith.constant 0 : i32
        %dma_start3A_284 = tpu.memref_slice %arg2[%add3A_272, %dma_start3A_283] : memref<160000x128xf32, #tpu.memory_space<hbm>> -> memref<80x128xf32, #tpu.memory_space<hbm>>
        tpu.enqueue_dma source(%dma_start3A_284 : memref<80x128xf32, #tpu.memory_space<hbm>>) target(%dma_start3A_282 : memref<80x128xf32, #tpu.memory_space<vmem>>) target_semaphore(%arg14 : memref<!tpu.dma_semaphore, #tpu.memory_space<semaphore_mem>>)
        %mul3A_285 = arith.constant 80 : i32
        %mul3A_286 = arith.muli %add3A_239, %mul3A_285 : i32
        %add3A_287 = arith.addi %mul3A_16, %mul3A_286 : i32
        %dma_start3A_288 = arith.constant 0 : i32
        %dma_start3A_289 = tpu.memref_slice %arg10[%select_n3A_257, %dma_start3A_288] : memref<4x80xf32, #tpu.memory_space<vmem>> -> memref<1x80xf32, #tpu.memory_space<vmem>>
        %dma_start3A_290 = tpu.memref_squeeze %dma_start3A_289 : memref<1x80xf32, #tpu.memory_space<vmem>> -> memref<80xf32, #tpu.memory_space<vmem>>
        %dma_start3A_291 = tpu.memref_slice %arg3[%add3A_287] : memref<160000xf32, #tpu.memory_space<hbm>> -> memref<80xf32, #tpu.memory_space<hbm>>
        %dma_start3A_292 = arith.constant 0 : i32
        %dma_start3A_293 = tpu.memref_slice %arg10[%select_n3A_257, %dma_start3A_292] : memref<4x80xf32, #tpu.memory_space<vmem>> -> memref<1x80xf32, #tpu.memory_space<vmem>>
        %dma_start3A_294 = tpu.memref_squeeze %dma_start3A_293 : memref<1x80xf32, #tpu.memory_space<vmem>> -> memref<80xf32, #tpu.memory_space<vmem>>
        %dma_start3A_295 = tpu.memref_slice %arg3[%add3A_287] : memref<160000xf32, #tpu.memory_space<hbm>> -> memref<80xf32, #tpu.memory_space<hbm>>
        tpu.enqueue_dma source(%dma_start3A_295 : memref<80xf32, #tpu.memory_space<hbm>>) target(%dma_start3A_294 : memref<80xf32, #tpu.memory_space<vmem>>) target_semaphore(%arg14 : memref<!tpu.dma_semaphore, #tpu.memory_space<semaphore_mem>>)
      } else {
      }
      %get3A = arith.index_cast %select_n3A_87 : i32 to index
      %get3A_123 = arith.constant 0 : index
      %get3A_124 = tpu.vector_load %arg7[%get3A, %get3A_123] {strides = array<i32>} : memref<4x80xi32, #tpu.memory_space<vmem>>, vector<16xi32>,
      %sub3A = vector.broadcast %mul3A_0 : i32 to vector<16xi32>
      %sub3A_125 = arith.subi %get3A_124, %sub3A : vector<16xi32>
      %ge3A = arith.constant 0 : i32
      %ge3A_126 = vector.broadcast %ge3A : i32 to vector<16xi32>
      %ge3A_127 = arith.cmpi sge, %sub3A_125, %ge3A_126 : vector<16xi32>
      %lt3A_128 = arith.constant 5120 : i32
      %lt3A_129 = vector.broadcast %lt3A_128 : i32 to vector<16xi32>
      %lt3A_130 = arith.cmpi slt, %sub3A_125, %lt3A_129 : vector<16xi32>
      %and3A_131 = arith.andi %ge3A_127, %lt3A_130 : vector<16xi1>
      %jit3A_132 = arith.constant 5120 : i32
      %broadcast_in_dim3A = vector.broadcast %jit3A_132 : i32 to vector<16xi32>
      %select_n3A_133 = arith.select %and3A_131, %sub3A_125, %broadcast_in_dim3A : vector<16xi1>, vector<16xi32>
      %swap3A = arith.index_cast %select_n3A_87 : i32 to index
      %swap3A_134 = arith.constant 0 : index
      %swap3A_135 = tpu.vector_load %arg8[%swap3A, %swap3A_134] {strides = array<i32>} : memref<4x80xi32, #tpu.memory_space<vmem>>, vector<16xi32>,
      tpu.vector_store %arg8[%swap3A, %swap3A_134], %select_n3A_133 {strides = array<i32>} : memref<4x80xi32, #tpu.memory_space<vmem>>, vector<16xi32>,
      %get3A_136 = arith.index_cast %select_n3A_87 : i32 to index
      %get3A_137 = arith.constant 0 : index
      %get3A_138 = tpu.vector_load %arg10[%get3A_136, %get3A_137] {strides = array<i32>} : memref<4x80xf32, #tpu.memory_space<vmem>>, vector<16xf32>,
      %jit3A_139 = arith.constant 0.000000e+00 : f32
      %broadcast_in_dim3A_140 = vector.broadcast %jit3A_139 : f32 to vector<16xf32>
      %select_n3A_141 = arith.select %and3A_131, %get3A_138, %broadcast_in_dim3A_140 : vector<16xi1>, vector<16xf32>
      tpu.vector_store_idx %arg12[%get3A_124], %select_n3A_141 {add = true} : memref<10240xf32, #tpu.memory_space<vmem>>[vector<16xi32>], vector<16xf32>,
      %get3A_142 = arith.index_cast %select_n3A_87 : i32 to index
      %get3A_143 = arith.constant 16 : index
      %get3A_144 = tpu.vector_load %arg7[%get3A_142, %get3A_143] {strides = array<i32>} : memref<4x80xi32, #tpu.memory_space<vmem>>, vector<16xi32>,
      %sub3A_145 = vector.broadcast %mul3A_0 : i32 to vector<16xi32>
      %sub3A_146 = arith.subi %get3A_144, %sub3A_145 : vector<16xi32>
      %ge3A_147 = arith.constant 0 : i32
      %ge3A_148 = vector.broadcast %ge3A_147 : i32 to vector<16xi32>
      %ge3A_149 = arith.cmpi sge, %sub3A_146, %ge3A_148 : vector<16xi32>
      %lt3A_150 = arith.constant 5120 : i32
      %lt3A_151 = vector.broadcast %lt3A_150 : i32 to vector<16xi32>
      %lt3A_152 = arith.cmpi slt, %sub3A_146, %lt3A_151 : vector<16xi32>
      %and3A_153 = arith.andi %ge3A_149, %lt3A_152 : vector<16xi1>
      %jit3A_154 = arith.constant 5120 : i32
      %broadcast_in_dim3A_155 = vector.broadcast %jit3A_154 : i32 to vector<16xi32>
      %select_n3A_156 = arith.select %and3A_153, %sub3A_146, %broadcast_in_dim3A_155 : vector<16xi1>, vector<16xi32>
      %swap3A_157 = arith.index_cast %select_n3A_87 : i32 to index
      %swap3A_158 = arith.constant 16 : index
      %swap3A_159 = tpu.vector_load %arg8[%swap3A_157, %swap3A_158] {strides = array<i32>} : memref<4x80xi32, #tpu.memory_space<vmem>>, vector<16xi32>,
      tpu.vector_store %arg8[%swap3A_157, %swap3A_158], %select_n3A_156 {strides = array<i32>} : memref<4x80xi32, #tpu.memory_space<vmem>>, vector<16xi32>,
      %get3A_160 = arith.index_cast %select_n3A_87 : i32 to index
      %get3A_161 = arith.constant 16 : index
      %get3A_162 = tpu.vector_load %arg10[%get3A_160, %get3A_161] {strides = array<i32>} : memref<4x80xf32, #tpu.memory_space<vmem>>, vector<16xf32>,
      %jit3A_163 = arith.constant 0.000000e+00 : f32
      %broadcast_in_dim3A_164 = vector.broadcast %jit3A_163 : f32 to vector<16xf32>
      %select_n3A_165 = arith.select %and3A_153, %get3A_162, %broadcast_in_dim3A_164 : vector<16xi1>, vector<16xf32>
      tpu.vector_store_idx %arg12[%get3A_144], %select_n3A_165 {add = true} : memref<10240xf32, #tpu.memory_space<vmem>>[vector<16xi32>], vector<16xf32>,
      %get3A_166 = arith.index_cast %select_n3A_87 : i32 to index
      %get3A_167 = arith.constant 32 : index
      %get3A_168 = tpu.vector_load %arg7[%get3A_166, %get3A_167] {strides = array<i32>} : memref<4x80xi32, #tpu.memory_space<vmem>>, vector<16xi32>,
      %sub3A_169 = vector.broadcast %mul3A_0 : i32 to vector<16xi32>
      %sub3A_170 = arith.subi %get3A_168, %sub3A_169 : vector<16xi32>
      %ge3A_171 = arith.constant 0 : i32
      %ge3A_172 = vector.broadcast %ge3A_171 : i32 to vector<16xi32>
      %ge3A_173 = arith.cmpi sge, %sub3A_170, %ge3A_172 : vector<16xi32>
      %lt3A_174 = arith.constant 5120 : i32
      %lt3A_175 = vector.broadcast %lt3A_174 : i32 to vector<16xi32>
      %lt3A_176 = arith.cmpi slt, %sub3A_170, %lt3A_175 : vector<16xi32>
      %and3A_177 = arith.andi %ge3A_173, %lt3A_176 : vector<16xi1>
      %jit3A_178 = arith.constant 5120 : i32
      %broadcast_in_dim3A_179 = vector.broadcast %jit3A_178 : i32 to vector<16xi32>
      %select_n3A_180 = arith.select %and3A_177, %sub3A_170, %broadcast_in_dim3A_179 : vector<16xi1>, vector<16xi32>
      %swap3A_181 = arith.index_cast %select_n3A_87 : i32 to index
      %swap3A_182 = arith.constant 32 : index
      %swap3A_183 = tpu.vector_load %arg8[%swap3A_181, %swap3A_182] {strides = array<i32>} : memref<4x80xi32, #tpu.memory_space<vmem>>, vector<16xi32>,
      tpu.vector_store %arg8[%swap3A_181, %swap3A_182], %select_n3A_180 {strides = array<i32>} : memref<4x80xi32, #tpu.memory_space<vmem>>, vector<16xi32>,
      %get3A_184 = arith.index_cast %select_n3A_87 : i32 to index
      %get3A_185 = arith.constant 32 : index
      %get3A_186 = tpu.vector_load %arg10[%get3A_184, %get3A_185] {strides = array<i32>} : memref<4x80xf32, #tpu.memory_space<vmem>>, vector<16xf32>,
      %jit3A_187 = arith.constant 0.000000e+00 : f32
      %broadcast_in_dim3A_188 = vector.broadcast %jit3A_187 : f32 to vector<16xf32>
      %select_n3A_189 = arith.select %and3A_177, %get3A_186, %broadcast_in_dim3A_188 : vector<16xi1>, vector<16xf32>
      tpu.vector_store_idx %arg12[%get3A_168], %select_n3A_189 {add = true} : memref<10240xf32, #tpu.memory_space<vmem>>[vector<16xi32>], vector<16xf32>,
      %get3A_190 = arith.index_cast %select_n3A_87 : i32 to index
      %get3A_191 = arith.constant 48 : index
      %get3A_192 = tpu.vector_load %arg7[%get3A_190, %get3A_191] {strides = array<i32>} : memref<4x80xi32, #tpu.memory_space<vmem>>, vector<16xi32>,
      %sub3A_193 = vector.broadcast %mul3A_0 : i32 to vector<16xi32>
      %sub3A_194 = arith.subi %get3A_192, %sub3A_193 : vector<16xi32>
      %ge3A_195 = arith.constant 0 : i32
      %ge3A_196 = vector.broadcast %ge3A_195 : i32 to vector<16xi32>
      %ge3A_197 = arith.cmpi sge, %sub3A_194, %ge3A_196 : vector<16xi32>
      %lt3A_198 = arith.constant 5120 : i32
      %lt3A_199 = vector.broadcast %lt3A_198 : i32 to vector<16xi32>
      %lt3A_200 = arith.cmpi slt, %sub3A_194, %lt3A_199 : vector<16xi32>
      %and3A_201 = arith.andi %ge3A_197, %lt3A_200 : vector<16xi1>
      %jit3A_202 = arith.constant 5120 : i32
      %broadcast_in_dim3A_203 = vector.broadcast %jit3A_202 : i32 to vector<16xi32>
      %select_n3A_204 = arith.select %and3A_201, %sub3A_194, %broadcast_in_dim3A_203 : vector<16xi1>, vector<16xi32>
      %swap3A_205 = arith.index_cast %select_n3A_87 : i32 to index
      %swap3A_206 = arith.constant 48 : index
      %swap3A_207 = tpu.vector_load %arg8[%swap3A_205, %swap3A_206] {strides = array<i32>} : memref<4x80xi32, #tpu.memory_space<vmem>>, vector<16xi32>,
      tpu.vector_store %arg8[%swap3A_205, %swap3A_206], %select_n3A_204 {strides = array<i32>} : memref<4x80xi32, #tpu.memory_space<vmem>>, vector<16xi32>,
      %get3A_208 = arith.index_cast %select_n3A_87 : i32 to index
      %get3A_209 = arith.constant 48 : index
      %get3A_210 = tpu.vector_load %arg10[%get3A_208, %get3A_209] {strides = array<i32>} : memref<4x80xf32, #tpu.memory_space<vmem>>, vector<16xf32>,
      %jit3A_211 = arith.constant 0.000000e+00 : f32
      %broadcast_in_dim3A_212 = vector.broadcast %jit3A_211 : f32 to vector<16xf32>
      %select_n3A_213 = arith.select %and3A_201, %get3A_210, %broadcast_in_dim3A_212 : vector<16xi1>, vector<16xf32>
      tpu.vector_store_idx %arg12[%get3A_192], %select_n3A_213 {add = true} : memref<10240xf32, #tpu.memory_space<vmem>>[vector<16xi32>], vector<16xf32>,
      %get3A_214 = arith.index_cast %select_n3A_87 : i32 to index
      %get3A_215 = arith.constant 64 : index
      %get3A_216 = tpu.vector_load %arg7[%get3A_214, %get3A_215] {strides = array<i32>} : memref<4x80xi32, #tpu.memory_space<vmem>>, vector<16xi32>,
      %sub3A_217 = vector.broadcast %mul3A_0 : i32 to vector<16xi32>
      %sub3A_218 = arith.subi %get3A_216, %sub3A_217 : vector<16xi32>
      %ge3A_219 = arith.constant 0 : i32
      %ge3A_220 = vector.broadcast %ge3A_219 : i32 to vector<16xi32>
      %ge3A_221 = arith.cmpi sge, %sub3A_218, %ge3A_220 : vector<16xi32>
      %lt3A_222 = arith.constant 5120 : i32
      %lt3A_223 = vector.broadcast %lt3A_222 : i32 to vector<16xi32>
      %lt3A_224 = arith.cmpi slt, %sub3A_218, %lt3A_223 : vector<16xi32>
      %and3A_225 = arith.andi %ge3A_221, %lt3A_224 : vector<16xi1>
      %jit3A_226 = arith.constant 5120 : i32
      %broadcast_in_dim3A_227 = vector.broadcast %jit3A_226 : i32 to vector<16xi32>
      %select_n3A_228 = arith.select %and3A_225, %sub3A_218, %broadcast_in_dim3A_227 : vector<16xi1>, vector<16xi32>
      %swap3A_229 = arith.index_cast %select_n3A_87 : i32 to index
      %swap3A_230 = arith.constant 64 : index
      %swap3A_231 = tpu.vector_load %arg8[%swap3A_229, %swap3A_230] {strides = array<i32>} : memref<4x80xi32, #tpu.memory_space<vmem>>, vector<16xi32>,
      tpu.vector_store %arg8[%swap3A_229, %swap3A_230], %select_n3A_228 {strides = array<i32>} : memref<4x80xi32, #tpu.memory_space<vmem>>, vector<16xi32>,
      %get3A_232 = arith.index_cast %select_n3A_87 : i32 to index
      %get3A_233 = arith.constant 64 : index
      %get3A_234 = tpu.vector_load %arg10[%get3A_232, %get3A_233] {strides = array<i32>} : memref<4x80xf32, #tpu.memory_space<vmem>>, vector<16xf32>,
      %jit3A_235 = arith.constant 0.000000e+00 : f32
      %broadcast_in_dim3A_236 = vector.broadcast %jit3A_235 : f32 to vector<16xf32>
      %select_n3A_237 = arith.select %and3A_225, %get3A_234, %broadcast_in_dim3A_236 : vector<16xi1>, vector<16xf32>
      tpu.vector_store_idx %arg12[%get3A_216], %select_n3A_237 {add = true} : memref<10240xf32, #tpu.memory_space<vmem>>[vector<16xi32>], vector<16xf32>,
      "tpu.region"() ({
        %run_scoped3A = tpu.sem_alloc : memref<!tpu.dma_semaphore, #tpu.memory_space<semaphore_mem>>
        %dma_start3A_238 = arith.constant 0 : i32
        %dma_start3A_239 = arith.constant 0 : i32
        %dma_start3A_240 = tpu.memref_slice %arg9[%select_n3A_87, %dma_start3A_238, %dma_start3A_239] : memref<4x80x128xf32, #tpu.memory_space<vmem>> -> memref<1x80x128xf32, #tpu.memory_space<vmem>>
        %dma_start3A_241 = tpu.memref_squeeze %dma_start3A_240 : memref<1x80x128xf32, #tpu.memory_space<vmem>> -> memref<80x128xf32, #tpu.memory_space<vmem>>
        %dma_start3A_242 = arith.constant 0 : i32
        %dma_start3A_243 = tpu.memref_slice %arg8[%select_n3A_87, %dma_start3A_242] : memref<4x80xi32, #tpu.memory_space<vmem>> -> memref<1x80xi32, #tpu.memory_space<vmem>>
        %dma_start3A_244 = tpu.memref_squeeze %dma_start3A_243 : memref<1x80xi32, #tpu.memory_space<vmem>> -> memref<80xi32, #tpu.memory_space<vmem>>
        %dma_start3A_245 = arith.constant 0 : i32
        %dma_start3A_246 = arith.constant 0 : i32
        %dma_start3A_247 = tpu.memref_slice %arg13[%dma_start3A_245, %dma_start3A_246] : memref<5376x128xf32, #tpu.memory_space<vmem_shared>> -> memref<5376x128xf32, #tpu.memory_space<vmem_shared>>
        tpu.enqueue_indirect_dma source(%dma_start3A_241 : memref<80x128xf32, #tpu.memory_space<vmem>>) target(%dma_start3A_247 : memref<5376x128xf32, #tpu.memory_space<vmem_shared>>) offsets(%dma_start3A_244 : memref<80xi32, #tpu.memory_space<vmem>>) semaphore(%run_scoped3A : memref<!tpu.dma_semaphore, #tpu.memory_space<semaphore_mem>>) {add = true}
        %dma_wait3A_248 = arith.constant 0 : i32
        %dma_wait3A_249 = arith.constant 0 : i32
        %dma_wait3A_250 = tpu.memref_slice %arg9[%select_n3A_87, %dma_wait3A_248, %dma_wait3A_249] : memref<4x80x128xf32, #tpu.memory_space<vmem>> -> memref<1x80x128xf32, #tpu.memory_space<vmem>>
        %dma_wait3A_251 = tpu.memref_squeeze %dma_wait3A_250 : memref<1x80x128xf32, #tpu.memory_space<vmem>> -> memref<80x128xf32, #tpu.memory_space<vmem>>
        %dma_wait3A_252 = arith.constant 0 : i32
        %dma_wait3A_253 = tpu.memref_slice %arg8[%select_n3A_87, %dma_wait3A_252] : memref<4x80xi32, #tpu.memory_space<vmem>> -> memref<1x80xi32, #tpu.memory_space<vmem>>
        %dma_wait3A_254 = tpu.memref_squeeze %dma_wait3A_253 : memref<1x80xi32, #tpu.memory_space<vmem>> -> memref<80xi32, #tpu.memory_space<vmem>>
        %dma_wait3A_255 = arith.constant 0 : i32
        %dma_wait3A_256 = arith.constant 0 : i32
        %dma_wait3A_257 = tpu.memref_slice %arg13[%dma_wait3A_255, %dma_wait3A_256] : memref<5376x128xf32, #tpu.memory_space<vmem_shared>> -> memref<5376x128xf32, #tpu.memory_space<vmem_shared>>
        tpu.wait_indirect_dma semaphore(%run_scoped3A : memref<!tpu.dma_semaphore, #tpu.memory_space<semaphore_mem>>) src(%dma_wait3A_251 : memref<80x128xf32, #tpu.memory_space<vmem>>) dst(%dma_wait3A_257 : memref<5376x128xf32, #tpu.memory_space<vmem_shared>>)
        tpu.yield
      }) : () -> ()
    }
    %scan3A_59 = arith.constant 125 : i32
    %barrier3A_60 = arith.constant 0 : index
    tpu.barrier barrier_id(%barrier3A_60)
    %scan3A_61 = arith.constant 0 : i32
    %scan3A_62 = arith.constant 7 : i32
    %scan3A_63 = arith.addi %scan3A_61, %scan3A_62 : i32
    %scan3A_64 = arith.constant 1 : i32
    scf.for %scan3A_74 = %scan3A_61 to %scan3A_63 step %scan3A_64  : i32 {
      %mul3A_75 = arith.constant 1 : i32
      %mul3A_76 = arith.muli %scan3A_74, %mul3A_75 : i32
      %add3A_77 = arith.constant 0 : i32
      %add3A_78 = arith.addi %add3A_77, %mul3A_76 : i32
      %mul3A_79 = arith.constant 336 : i32
      %mul3A_80 = arith.muli %arg1, %mul3A_79 : i32
      %mul3A_81 = arith.constant 48 : i32
      %mul3A_82 = arith.muli %add3A_78, %mul3A_81 : i32
      %add3A_83 = arith.addi %mul3A_80, %mul3A_82 : i32
      "tpu.region"() ({
        %run_scoped3A = tpu.sem_alloc : memref<!tpu.dma_semaphore, #tpu.memory_space<semaphore_mem>>
        %dma_start3A_89 = arith.constant 0 : i32
        %dma_start3A_90 = tpu.memref_slice %arg13[%add3A_83, %dma_start3A_89] : memref<5376x128xf32, #tpu.memory_space<vmem_shared>> -> memref<48x128xf32, #tpu.memory_space<vmem_shared>>
        %dma_start3A_91 = arith.constant 0 : i32
        %dma_start3A_92 = tpu.memref_slice %arg13[%add3A_83, %dma_start3A_91] : memref<5376x128xf32, #tpu.memory_space<vmem_shared>> -> memref<48x128xf32, #tpu.memory_space<vmem_shared>>
        tpu.enqueue_dma source(%dma_start3A_92 : memref<48x128xf32, #tpu.memory_space<vmem_shared>>) target(%arg11 : memref<48x128xf32, #tpu.memory_space<vmem>>) target_semaphore(%run_scoped3A : memref<!tpu.dma_semaphore, #tpu.memory_space<semaphore_mem>>)
        %dma_wait3A = arith.constant 0 : i32
        %dma_wait3A_93 = tpu.memref_slice %arg13[%add3A_83, %dma_wait3A] : memref<5376x128xf32, #tpu.memory_space<vmem_shared>> -> memref<48x128xf32, #tpu.memory_space<vmem_shared>>
        %dma_wait3A_94 = arith.constant 0 : i32
        %dma_wait3A_95 = tpu.memref_slice %arg13[%add3A_83, %dma_wait3A_94] : memref<5376x128xf32, #tpu.memory_space<vmem_shared>> -> memref<48x128xf32, #tpu.memory_space<vmem_shared>>
        tpu.wait_dma2 semaphore(%run_scoped3A : memref<!tpu.dma_semaphore, #tpu.memory_space<semaphore_mem>>) src(%dma_wait3A_95 : memref<48x128xf32, #tpu.memory_space<vmem_shared>>) dst(%arg11 : memref<48x128xf32, #tpu.memory_space<vmem>>)
        tpu.yield
      }) : () -> ()
      %mul3A_84 = arith.constant 336 : i32
      %mul3A_85 = arith.muli %arg1, %mul3A_84 : i32
      %mul3A_86 = arith.constant 48 : i32
      %mul3A_87 = arith.muli %add3A_78, %mul3A_86 : i32
      %add3A_88 = arith.addi %mul3A_85, %mul3A_87 : i32
      "tpu.region"() ({
        %run_scoped3A = tpu.sem_alloc : memref<!tpu.dma_semaphore, #tpu.memory_space<semaphore_mem>>
        %dma_start3A_89 = arith.constant 0 : i32
        %dma_start3A_90 = tpu.memref_slice %arg5[%arg0, %add3A_88, %dma_start3A_89] : memref<2x5376x128xf32, #tpu.memory_space<hbm>> -> memref<1x48x128xf32, #tpu.memory_space<hbm>>
        %dma_start3A_91 = tpu.memref_squeeze %dma_start3A_90 : memref<1x48x128xf32, #tpu.memory_space<hbm>> -> memref<48x128xf32, #tpu.memory_space<hbm>>
        %dma_start3A_92 = arith.constant 0 : i32
        %dma_start3A_93 = tpu.memref_slice %arg5[%arg0, %add3A_88, %dma_start3A_92] : memref<2x5376x128xf32, #tpu.memory_space<hbm>> -> memref<1x48x128xf32, #tpu.memory_space<hbm>>
        %dma_start3A_94 = tpu.memref_squeeze %dma_start3A_93 : memref<1x48x128xf32, #tpu.memory_space<hbm>> -> memref<48x128xf32, #tpu.memory_space<hbm>>
        tpu.enqueue_dma source(%arg11 : memref<48x128xf32, #tpu.memory_space<vmem>>) target(%dma_start3A_94 : memref<48x128xf32, #tpu.memory_space<hbm>>) target_semaphore(%run_scoped3A : memref<!tpu.dma_semaphore, #tpu.memory_space<semaphore_mem>>)
        %dma_wait3A = arith.constant 0 : i32
        %dma_wait3A_95 = tpu.memref_slice %arg5[%arg0, %add3A_88, %dma_wait3A] : memref<2x5376x128xf32, #tpu.memory_space<hbm>> -> memref<1x48x128xf32, #tpu.memory_space<hbm>>
        %dma_wait3A_96 = tpu.memref_squeeze %dma_wait3A_95 : memref<1x48x128xf32, #tpu.memory_space<hbm>> -> memref<48x128xf32, #tpu.memory_space<hbm>>
        %dma_wait3A_97 = arith.constant 0 : i32
        %dma_wait3A_98 = tpu.memref_slice %arg5[%arg0, %add3A_88, %dma_wait3A_97] : memref<2x5376x128xf32, #tpu.memory_space<hbm>> -> memref<1x48x128xf32, #tpu.memory_space<hbm>>
        %dma_wait3A_99 = tpu.memref_squeeze %dma_wait3A_98 : memref<1x48x128xf32, #tpu.memory_space<hbm>> -> memref<48x128xf32, #tpu.memory_space<hbm>>
        tpu.wait_dma2 semaphore(%run_scoped3A : memref<!tpu.dma_semaphore, #tpu.memory_space<semaphore_mem>>) src(%arg11 : memref<48x128xf32, #tpu.memory_space<vmem>>) dst(%dma_wait3A_99 : memref<48x128xf32, #tpu.memory_space<hbm>>)
        tpu.yield
      }) : () -> ()
    }
    %scan3A_65 = arith.constant 7 : i32
    %mul3A_66 = arith.constant 2 : i32
    %mul3A_67 = arith.muli %arg1, %mul3A_66 : i32
    %add3A_68 = arith.addi %mul3A_67, %arg0 : i32
    %scan3A_69 = arith.constant 0 : i32
    %scan3A_70 = arith.constant 5 : i32
    %scan3A_71 = arith.addi %scan3A_69, %scan3A_70 : i32
    %scan3A_72 = arith.constant 1 : i32
    scf.for %scan3A_74 = %scan3A_69 to %scan3A_71 step %scan3A_72  : i32 {
      %mul3A_75 = arith.constant 1 : i32
      %mul3A_76 = arith.muli %scan3A_74, %mul3A_75 : i32
      %add3A_77 = arith.constant 0 : i32
      %add3A_78 = arith.addi %add3A_77, %mul3A_76 : i32
      %mul3A_79 = arith.constant 2048 : i32
      %mul3A_80 = arith.muli %add3A_78, %mul3A_79 : i32
      %mul3A_81 = arith.constant 2048 : i32
      %mul3A_82 = arith.muli %add3A_78, %mul3A_81 : i32
      "tpu.region"() ({
        %run_scoped3A = tpu.sem_alloc : memref<!tpu.dma_semaphore, #tpu.memory_space<semaphore_mem>>
        %dma_start3A_83 = tpu.memref_slice %arg12[%mul3A_80] : memref<10240xf32, #tpu.memory_space<vmem>> -> memref<2048xf32, #tpu.memory_space<vmem>>
        %dma_start3A_84 = tpu.memref_slice %arg6[%add3A_68, %mul3A_82] : memref<32x10240xf32, #tpu.memory_space<hbm>> -> memref<1x2048xf32, #tpu.memory_space<hbm>>
        %dma_start3A_85 = tpu.memref_squeeze %dma_start3A_84 : memref<1x2048xf32, #tpu.memory_space<hbm>> -> memref<2048xf32, #tpu.memory_space<hbm>>
        %dma_start3A_86 = tpu.memref_slice %arg6[%add3A_68, %mul3A_82] : memref<32x10240xf32, #tpu.memory_space<hbm>> -> memref<1x2048xf32, #tpu.memory_space<hbm>>
        %dma_start3A_87 = tpu.memref_squeeze %dma_start3A_86 : memref<1x2048xf32, #tpu.memory_space<hbm>> -> memref<2048xf32, #tpu.memory_space<hbm>>
        %dma_start3A_88 = tpu.memref_slice %arg12[%mul3A_80] : memref<10240xf32, #tpu.memory_space<vmem>> -> memref<2048xf32, #tpu.memory_space<vmem>>
        tpu.enqueue_dma source(%dma_start3A_88 : memref<2048xf32, #tpu.memory_space<vmem>>) target(%dma_start3A_87 : memref<2048xf32, #tpu.memory_space<hbm>>) target_semaphore(%run_scoped3A : memref<!tpu.dma_semaphore, #tpu.memory_space<semaphore_mem>>)
        %dma_wait3A = tpu.memref_slice %arg12[%mul3A_80] : memref<10240xf32, #tpu.memory_space<vmem>> -> memref<2048xf32, #tpu.memory_space<vmem>>
        %dma_wait3A_89 = tpu.memref_slice %arg6[%add3A_68, %mul3A_82] : memref<32x10240xf32, #tpu.memory_space<hbm>> -> memref<1x2048xf32, #tpu.memory_space<hbm>>
        %dma_wait3A_90 = tpu.memref_squeeze %dma_wait3A_89 : memref<1x2048xf32, #tpu.memory_space<hbm>> -> memref<2048xf32, #tpu.memory_space<hbm>>
        %dma_wait3A_91 = tpu.memref_slice %arg6[%add3A_68, %mul3A_82] : memref<32x10240xf32, #tpu.memory_space<hbm>> -> memref<1x2048xf32, #tpu.memory_space<hbm>>
        %dma_wait3A_92 = tpu.memref_squeeze %dma_wait3A_91 : memref<1x2048xf32, #tpu.memory_space<hbm>> -> memref<2048xf32, #tpu.memory_space<hbm>>
        %dma_wait3A_93 = tpu.memref_slice %arg12[%mul3A_80] : memref<10240xf32, #tpu.memory_space<vmem>> -> memref<2048xf32, #tpu.memory_space<vmem>>
        tpu.wait_dma2 semaphore(%run_scoped3A : memref<!tpu.dma_semaphore, #tpu.memory_space<semaphore_mem>>) src(%dma_wait3A_93 : memref<2048xf32, #tpu.memory_space<vmem>>) dst(%dma_wait3A_92 : memref<2048xf32, #tpu.memory_space<hbm>>)
        tpu.yield
      }) : () -> ()
    }
    %scan3A_73 = arith.constant 5 : i32
    return
  }
}

#map = affine_map<(d0, d1) -> (0, 0)>
#map1 = affine_map<(d0, d1) -> (0)>
#map2 = affine_map<(d0, d1) -> (0, 0, 0)>
module attributes {stable_mosaic.version = 14 : i64} {
  func.func @scatter(%arg0: i32, %arg1: i32, %arg2: memref<160000x128xf32, #tpu.memory_space<hbm>>, %arg3: memref<160000xf32, #tpu.memory_space<hbm>>, %arg4: memref<16x125x80xi32, #tpu.memory_space<hbm>>, %arg5: memref<2x5376x128xf32, #tpu.memory_space<hbm>>, %arg6: memref<32x10240xf32, #tpu.memory_space<hbm>>, %arg7: memref<4x80xi32, #tpu.memory_space<vmem>>, %arg8: memref<4x80xi32, #tpu.memory_space<vmem>>, %arg9: memref<4x80x128xf32, #tpu.memory_space<vmem>>, %arg10: memref<4x80xf32, #tpu.memory_space<vmem>>, %arg11: memref<48x128xf32, #tpu.memory_space<vmem>>, %arg12: memref<10240xf32, #tpu.memory_space<vmem>>, %arg13: memref<5376x128xf32, #tpu.memory_space<vmem_shared>>, %arg14: memref<!tpu.dma_semaphore, #tpu.memory_space<semaphore_mem>>, %arg15: memref<!tpu.dma_semaphore, #tpu.memory_space<semaphore_mem>>) attributes {dimension_semantics = [#tpu.dimension_semantics<core_parallel>, #tpu.dimension_semantics<subcore_parallel>], iteration_bounds = array<i64: 2, 16>, scalar_prefetch = 0 : i64, scratch_operands = 9 : i64, tpu.core_type = #tpu.core_type<sc_vector_subcore>, window_params = [{transform_indices = #map}, {transform_indices = #map1}, {transform_indices = #map2}, {transform_indices = #map2}, {transform_indices = #map}]} {
    %mul3A = arith.constant 5120 : i32
    %mul3A_0 = arith.muli %arg0, %mul3A : i32
    %scan3A = arith.constant 0 : i32
    %scan3A_1 = arith.constant 48 : i32
    %scan3A_2 = arith.addi %scan3A, %scan3A_1 : i32
    %scan3A_3 = arith.constant 1 : i32
    scf.for %scan3A_74 = %scan3A to %scan3A_2 step %scan3A_3  : i32 {
      %mul3A_75 = arith.constant 1 : i32
      %mul3A_76 = arith.muli %scan3A_74, %mul3A_75 : i32
      %add3A_77 = arith.constant 0 : i32
      %add3A_78 = arith.addi %add3A_77, %mul3A_76 : i32
      %scan3A_79 = arith.constant 0 : i32
      %scan3A_80 = arith.constant 8 : i32
      %scan3A_81 = arith.addi %scan3A_79, %scan3A_80 : i32
      %scan3A_82 = arith.constant 1 : i32
      scf.for %scan3A_84 = %scan3A_79 to %scan3A_81 step %scan3A_82  : i32 {
        %mul3A_85 = arith.constant 1 : i32
        %mul3A_86 = arith.muli %scan3A_84, %mul3A_85 : i32
        %add3A_87 = arith.constant 0 : i32
        %add3A_88 = arith.addi %add3A_87, %mul3A_86 : i32
        %broadcast_in_dim3A = arith.constant 0.000000e+00 : f32
        %broadcast_in_dim3A_89 = vector.broadcast %broadcast_in_dim3A : f32 to vector<16xf32>
        %mul3A_90 = arith.constant 16 : i32
        %mul3A_91 = arith.muli %add3A_88, %mul3A_90 : i32
        %swap3A = arith.index_cast %add3A_78 : i32 to index
        %swap3A_92 = arith.index_cast %mul3A_91 : i32 to index
        %swap3A_93 = tpu.vector_load %arg11[%swap3A, %swap3A_92] {strides = array<i32>} : memref<48x128xf32, #tpu.memory_space<vmem>>, vector<16xf32>,
        tpu.vector_store %arg11[%swap3A, %swap3A_92], %broadcast_in_dim3A_89 {strides = array<i32>} : memref<48x128xf32, #tpu.memory_space<vmem>>, vector<16xf32>,
      }
      %scan3A_83 = arith.constant 8 : i32
    }
    %scan3A_4 = arith.constant 48 : i32
    %scan3A_5 = arith.constant 0 : i32
    %scan3A_6 = arith.constant 7 : i32
    %scan3A_7 = arith.addi %scan3A_5, %scan3A_6 : i32
    %scan3A_8 = arith.constant 1 : i32
    scf.for %scan3A_74 = %scan3A_5 to %scan3A_7 step %scan3A_8  : i32 {
      %mul3A_75 = arith.constant 1 : i32
      %mul3A_76 = arith.muli %scan3A_74, %mul3A_75 : i32
      %add3A_77 = arith.constant 0 : i32
      %add3A_78 = arith.addi %add3A_77, %mul3A_76 : i32
      %mul3A_79 = arith.constant 336 : i32
      %mul3A_80 = arith.muli %arg1, %mul3A_79 : i32
      %mul3A_81 = arith.constant 48 : i32
      %mul3A_82 = arith.muli %add3A_78, %mul3A_81 : i32
      %add3A_83 = arith.addi %mul3A_80, %mul3A_82 : i32
      "tpu.region"() ({
        %run_scoped3A = tpu.sem_alloc : memref<!tpu.dma_semaphore, #tpu.memory_space<semaphore_mem>>
        %dma_start3A_84 = arith.constant 0 : i32
        %dma_start3A_85 = tpu.memref_slice %arg13[%add3A_83, %dma_start3A_84] : memref<5376x128xf32, #tpu.memory_space<vmem_shared>> -> memref<48x128xf32, #tpu.memory_space<vmem_shared>>
        %dma_start3A_86 = arith.constant 0 : i32
        %dma_start3A_87 = tpu.memref_slice %arg13[%add3A_83, %dma_start3A_86] : memref<5376x128xf32, #tpu.memory_space<vmem_shared>> -> memref<48x128xf32, #tpu.memory_space<vmem_shared>>
        tpu.enqueue_dma source(%arg11 : memref<48x128xf32, #tpu.memory_space<vmem>>) target(%dma_start3A_87 : memref<48x128xf32, #tpu.memory_space<vmem_shared>>) target_semaphore(%run_scoped3A : memref<!tpu.dma_semaphore, #tpu.memory_space<semaphore_mem>>)
        %dma_wait3A = arith.constant 0 : i32
        %dma_wait3A_88 = tpu.memref_slice %arg13[%add3A_83, %dma_wait3A] : memref<5376x128xf32, #tpu.memory_space<vmem_shared>> -> memref<48x128xf32, #tpu.memory_space<vmem_shared>>
        %dma_wait3A_89 = arith.constant 0 : i32
        %dma_wait3A_90 = tpu.memref_slice %arg13[%add3A_83, %dma_wait3A_89] : memref<5376x128xf32, #tpu.memory_space<vmem_shared>> -> memref<48x128xf32, #tpu.memory_space<vmem_shared>>
        tpu.wait_dma2 semaphore(%run_scoped3A : memref<!tpu.dma_semaphore, #tpu.memory_space<semaphore_mem>>) src(%arg11 : memref<48x128xf32, #tpu.memory_space<vmem>>) dst(%dma_wait3A_90 : memref<48x128xf32, #tpu.memory_space<vmem_shared>>)
        tpu.yield
      }) : () -> ()
    }
    %scan3A_9 = arith.constant 7 : i32
    %scan3A_10 = arith.constant 0 : i32
    %scan3A_11 = arith.constant 640 : i32
    %scan3A_12 = arith.addi %scan3A_10, %scan3A_11 : i32
    %scan3A_13 = arith.constant 1 : i32
    scf.for %scan3A_74 = %scan3A_10 to %scan3A_12 step %scan3A_13  : i32 {
      %mul3A_75 = arith.constant 1 : i32
      %mul3A_76 = arith.muli %scan3A_74, %mul3A_75 : i32
      %add3A_77 = arith.constant 0 : i32
      %add3A_78 = arith.addi %add3A_77, %mul3A_76 : i32
      %broadcast_in_dim3A = arith.constant 0.000000e+00 : f32
      %broadcast_in_dim3A_79 = vector.broadcast %broadcast_in_dim3A : f32 to vector<16xf32>
      %mul3A_80 = arith.constant 16 : i32
      %mul3A_81 = arith.muli %add3A_78, %mul3A_80 : i32
      %swap3A = arith.index_cast %mul3A_81 : i32 to index
      %swap3A_82 = tpu.vector_load %arg12[%swap3A] {strides = array<i32>} : memref<10240xf32, #tpu.memory_space<vmem>>, vector<16xf32>,
      tpu.vector_store %arg12[%swap3A], %broadcast_in_dim3A_79 {strides = array<i32>} : memref<10240xf32, #tpu.memory_space<vmem>>, vector<16xf32>,
    }
    %scan3A_14 = arith.constant 640 : i32
    %barrier3A = arith.constant 0 : index
    tpu.barrier barrier_id(%barrier3A)
    %mul3A_15 = arith.constant 10000 : i32
    %mul3A_16 = arith.muli %arg1, %mul3A_15 : i32
    %dma_start3A = arith.constant 0 : i32
    %dma_start3A_17 = arith.constant 0 : i32
    %dma_start3A_18 = arith.constant 0 : i32
    %dma_start3A_19 = tpu.memref_slice %arg7[%dma_start3A_17, %dma_start3A_18] : memref<4x80xi32, #tpu.memory_space<vmem>> -> memref<1x80xi32, #tpu.memory_space<vmem>>
    %dma_start3A_20 = tpu.memref_squeeze %dma_start3A_19 : memref<1x80xi32, #tpu.memory_space<vmem>> -> memref<80xi32, #tpu.memory_space<vmem>>
    %dma_start3A_21 = arith.constant 0 : i32
    %dma_start3A_22 = tpu.memref_slice %arg4[%arg1, %dma_start3A, %dma_start3A_21] : memref<16x125x80xi32, #tpu.memory_space<hbm>> -> memref<1x1x80xi32, #tpu.memory_space<hbm>>
    %dma_start3A_23 = tpu.memref_squeeze %dma_start3A_22 : memref<1x1x80xi32, #tpu.memory_space<hbm>> -> memref<80xi32, #tpu.memory_space<hbm>>
    %dma_start3A_24 = arith.constant 0 : i32
    %dma_start3A_25 = tpu.memref_slice %arg7[%dma_start3A_17, %dma_start3A_24] : memref<4x80xi32, #tpu.memory_space<vmem>> -> memref<1x80xi32, #tpu.memory_space<vmem>>
    %dma_start3A_26 = tpu.memref_squeeze %dma_start3A_25 : memref<1x80xi32, #tpu.memory_space<vmem>> -> memref<80xi32, #tpu.memory_space<vmem>>
    %dma_start3A_27 = arith.constant 0 : i32
    %dma_start3A_28 = tpu.memref_slice %arg4[%arg1, %dma_start3A, %dma_start3A_27] : memref<16x125x80xi32, #tpu.memory_space<hbm>> -> memref<1x1x80xi32, #tpu.memory_space<hbm>>
    %dma_start3A_29 = tpu.memref_squeeze %dma_start3A_28 : memref<1x1x80xi32, #tpu.memory_space<hbm>> -> memref<80xi32, #tpu.memory_space<hbm>>
    tpu.enqueue_dma source(%dma_start3A_29 : memref<80xi32, #tpu.memory_space<hbm>>) target(%dma_start3A_26 : memref<80xi32, #tpu.memory_space<vmem>>) target_semaphore(%arg14 : memref<!tpu.dma_semaphore, #tpu.memory_space<semaphore_mem>>)
    %add3A = arith.constant 0 : i32
    %add3A_30 = arith.addi %mul3A_16, %add3A : i32
    %dma_start3A_31 = arith.constant 0 : i32
    %dma_start3A_32 = arith.constant 0 : i32
    %dma_start3A_33 = arith.constant 0 : i32
    %dma_start3A_34 = tpu.memref_slice %arg9[%dma_start3A_31, %dma_start3A_32, %dma_start3A_33] : memref<4x80x128xf32, #tpu.memory_space<vmem>> -> memref<1x80x128xf32, #tpu.memory_space<vmem>>
    %dma_start3A_35 = tpu.memref_squeeze %dma_start3A_34 : memref<1x80x128xf32, #tpu.memory_space<vmem>> -> memref<80x128xf32, #tpu.memory_space<vmem>>
    %dma_start3A_36 = arith.constant 0 : i32
    %dma_start3A_37 = tpu.memref_slice %arg2[%add3A_30, %dma_start3A_36] : memref<160000x128xf32, #tpu.memory_space<hbm>> -> memref<80x128xf32, #tpu.memory_space<hbm>>
    %dma_start3A_38 = arith.constant 0 : i32
    %dma_start3A_39 = arith.constant 0 : i32
    %dma_start3A_40 = tpu.memref_slice %arg9[%dma_start3A_31, %dma_start3A_38, %dma_start3A_39] : memref<4x80x128xf32, #tpu.memory_space<vmem>> -> memref<1x80x128xf32, #tpu.memory_space<vmem>>
    %dma_start3A_41 = tpu.memref_squeeze %dma_start3A_40 : memref<1x80x128xf32, #tpu.memory_space<vmem>> -> memref<80x128xf32, #tpu.memory_space<vmem>>
    %dma_start3A_42 = arith.constant 0 : i32
    %dma_start3A_43 = tpu.memref_slice %arg2[%add3A_30, %dma_start3A_42] : memref<160000x128xf32, #tpu.memory_space<hbm>> -> memref<80x128xf32, #tpu.memory_space<hbm>>
    tpu.enqueue_dma source(%dma_start3A_43 : memref<80x128xf32, #tpu.memory_space<hbm>>) target(%dma_start3A_41 : memref<80x128xf32, #tpu.memory_space<vmem>>) target_semaphore(%arg14 : memref<!tpu.dma_semaphore, #tpu.memory_space<semaphore_mem>>)
    %add3A_44 = arith.constant 0 : i32
    %add3A_45 = arith.addi %mul3A_16, %add3A_44 : i32
    %dma_start3A_46 = arith.constant 0 : i32
    %dma_start3A_47 = arith.constant 0 : i32
    %dma_start3A_48 = tpu.memref_slice %arg10[%dma_start3A_46, %dma_start3A_47] : memref<4x80xf32, #tpu.memory_space<vmem>> -> memref<1x80xf32, #tpu.memory_space<vmem>>
    %dma_start3A_49 = tpu.memref_squeeze %dma_start3A_48 : memref<1x80xf32, #tpu.memory_space<vmem>> -> memref<80xf32, #tpu.memory_space<vmem>>
    %dma_start3A_50 = tpu.memref_slice %arg3[%add3A_45] : memref<160000xf32, #tpu.memory_space<hbm>> -> memref<80xf32, #tpu.memory_space<hbm>>
    %dma_start3A_51 = arith.constant 0 : i32
    %dma_start3A_52 = tpu.memref_slice %arg10[%dma_start3A_46, %dma_start3A_51] : memref<4x80xf32, #tpu.memory_space<vmem>> -> memref<1x80xf32, #tpu.memory_space<vmem>>
    %dma_start3A_53 = tpu.memref_squeeze %dma_start3A_52 : memref<1x80xf32, #tpu.memory_space<vmem>> -> memref<80xf32, #tpu.memory_space<vmem>>
    %dma_start3A_54 = tpu.memref_slice %arg3[%add3A_45] : memref<160000xf32, #tpu.memory_space<hbm>> -> memref<80xf32, #tpu.memory_space<hbm>>
    tpu.enqueue_dma source(%dma_start3A_54 : memref<80xf32, #tpu.memory_space<hbm>>) target(%dma_start3A_53 : memref<80xf32, #tpu.memory_space<vmem>>) target_semaphore(%arg14 : memref<!tpu.dma_semaphore, #tpu.memory_space<semaphore_mem>>)
    %scan3A_55 = arith.constant 0 : i32
    %scan3A_56 = arith.constant 125 : i32
    %scan3A_57 = arith.addi %scan3A_55, %scan3A_56 : i32
    %scan3A_58 = arith.constant 1 : i32
    scf.for %scan3A_74 = %scan3A_55 to %scan3A_57 step %scan3A_58  : i32 {
      %mul3A_75 = arith.constant 1 : i32
      %mul3A_76 = arith.muli %scan3A_74, %mul3A_75 : i32
      %add3A_77 = arith.constant 0 : i32
      %add3A_78 = arith.addi %add3A_77, %mul3A_76 : i32
      %jit3A = arith.constant 4 : i32
      %eq3A = arith.constant 0 : i32
      %eq3A_79 = arith.cmpi eq, %jit3A, %eq3A : i32
      %jit3A_80 = arith.constant 1 : i32
      %select_n3A = arith.select %eq3A_79, %jit3A_80, %jit3A : i32
      %rem3A = arith.remsi %add3A_78, %select_n3A : i32
      %ne3A = arith.constant 0 : i32
      %ne3A_81 = arith.cmpi ne, %rem3A, %ne3A : i32
      %lt3A = arith.constant 0 : i32
      %lt3A_82 = arith.cmpi slt, %rem3A, %lt3A : i32
      %lt3A_83 = arith.constant 0 : i32
      %lt3A_84 = arith.cmpi slt, %select_n3A, %lt3A_83 : i32
      %ne3A_85 = arith.xori %lt3A_82, %lt3A_84 : i1
      %and3A = arith.andi %ne3A_85, %ne3A_81 : i1
      %add3A_86 = arith.addi %rem3A, %select_n3A : i32
      %select_n3A_87 = arith.select %and3A, %add3A_86, %rem3A : i32
      %dma_wait3A = arith.constant 0 : i32
      %dma_wait3A_88 = arith.constant 0 : i32
      %dma_wait3A_89 = tpu.memref_slice %arg7[%select_n3A_87, %dma_wait3A_88] : memref<4x80xi32, #tpu.memory_space<vmem>> -> memref<1x80xi32, #tpu.memory_space<vmem>>
      %dma_wait3A_90 = tpu.memref_squeeze %dma_wait3A_89 : memref<1x80xi32, #tpu.memory_space<vmem>> -> memref<80xi32, #tpu.memory_space<vmem>>
      %dma_wait3A_91 = arith.constant 0 : i32
      %dma_wait3A_92 = tpu.memref_slice %arg4[%arg1, %dma_wait3A, %dma_wait3A_91] : memref<16x125x80xi32, #tpu.memory_space<hbm>> -> memref<1x1x80xi32, #tpu.memory_space<hbm>>
      %dma_wait3A_93 = tpu.memref_squeeze %dma_wait3A_92 : memref<1x1x80xi32, #tpu.memory_space<hbm>> -> memref<80xi32, #tpu.memory_space<hbm>>
      %dma_wait3A_94 = arith.constant 0 : i32
      %dma_wait3A_95 = tpu.memref_slice %arg7[%select_n3A_87, %dma_wait3A_94] : memref<4x80xi32, #tpu.memory_space<vmem>> -> memref<1x80xi32, #tpu.memory_space<vmem>>
      %dma_wait3A_96 = tpu.memref_squeeze %dma_wait3A_95 : memref<1x80xi32, #tpu.memory_space<vmem>> -> memref<80xi32, #tpu.memory_space<vmem>>
      %dma_wait3A_97 = arith.constant 0 : i32
      %dma_wait3A_98 = tpu.memref_slice %arg4[%arg1, %dma_wait3A, %dma_wait3A_97] : memref<16x125x80xi32, #tpu.memory_space<hbm>> -> memref<1x1x80xi32, #tpu.memory_space<hbm>>
      %dma_wait3A_99 = tpu.memref_squeeze %dma_wait3A_98 : memref<1x1x80xi32, #tpu.memory_space<hbm>> -> memref<80xi32, #tpu.memory_space<hbm>>
      tpu.wait_dma2 semaphore(%arg14 : memref<!tpu.dma_semaphore, #tpu.memory_space<semaphore_mem>>) src(%dma_wait3A_99 : memref<80xi32, #tpu.memory_space<hbm>>) dst(%dma_wait3A_96 : memref<80xi32, #tpu.memory_space<vmem>>)
      %dma_wait3A_100 = arith.constant 0 : i32
      %dma_wait3A_101 = arith.constant 0 : i32
      %dma_wait3A_102 = tpu.memref_slice %arg9[%select_n3A_87, %dma_wait3A_100, %dma_wait3A_101] : memref<4x80x128xf32, #tpu.memory_space<vmem>> -> memref<1x80x128xf32, #tpu.memory_space<vmem>>
      %dma_wait3A_103 = tpu.memref_squeeze %dma_wait3A_102 : memref<1x80x128xf32, #tpu.memory_space<vmem>> -> memref<80x128xf32, #tpu.memory_space<vmem>>
      %dma_wait3A_104 = arith.constant 0 : i32
      %dma_wait3A_105 = tpu.memref_slice %arg2[%mul3A_16, %dma_wait3A_104] : memref<160000x128xf32, #tpu.memory_space<hbm>> -> memref<80x128xf32, #tpu.memory_space<hbm>>
      %dma_wait3A_106 = arith.constant 0 : i32
      %dma_wait3A_107 = arith.constant 0 : i32
      %dma_wait3A_108 = tpu.memref_slice %arg9[%select_n3A_87, %dma_wait3A_106, %dma_wait3A_107] : memref<4x80x128xf32, #tpu.memory_space<vmem>> -> memref<1x80x128xf32, #tpu.memory_space<vmem>>
      %dma_wait3A_109 = tpu.memref_squeeze %dma_wait3A_108 : memref<1x80x128xf32, #tpu.memory_space<vmem>> -> memref<80x128xf32, #tpu.memory_space<vmem>>
      %dma_wait3A_110 = arith.constant 0 : i32
      %dma_wait3A_111 = tpu.memref_slice %arg2[%mul3A_16, %dma_wait3A_110] : memref<160000x128xf32, #tpu.memory_space<hbm>> -> memref<80x128xf32, #tpu.memory_space<hbm>>
      tpu.wait_dma2 semaphore(%arg14 : memref<!tpu.dma_semaphore, #tpu.memory_space<semaphore_mem>>) src(%dma_wait3A_111 : memref<80x128xf32, #tpu.memory_space<hbm>>) dst(%dma_wait3A_109 : memref<80x128xf32, #tpu.memory_space<vmem>>)
      %dma_wait3A_112 = arith.constant 0 : i32
      %dma_wait3A_113 = tpu.memref_slice %arg10[%select_n3A_87, %dma_wait3A_112] : memref<4x80xf32, #tpu.memory_space<vmem>> -> memref<1x80xf32, #tpu.memory_space<vmem>>
      %dma_wait3A_114 = tpu.memref_squeeze %dma_wait3A_113 : memref<1x80xf32, #tpu.memory_space<vmem>> -> memref<80xf32, #tpu.memory_space<vmem>>
      %dma_wait3A_115 = tpu.memref_slice %arg3[%mul3A_16] : memref<160000xf32, #tpu.memory_space<hbm>> -> memref<80xf32, #tpu.memory_space<hbm>>
      %dma_wait3A_116 = arith.constant 0 : i32
      %dma_wait3A_117 = tpu.memref_slice %arg10[%select_n3A_87, %dma_wait3A_116] : memref<4x80xf32, #tpu.memory_space<vmem>> -> memref<1x80xf32, #tpu.memory_space<vmem>>
      %dma_wait3A_118 = tpu.memref_squeeze %dma_wait3A_117 : memref<1x80xf32, #tpu.memory_space<vmem>> -> memref<80xf32, #tpu.memory_space<vmem>>
      %dma_wait3A_119 = tpu.memref_slice %arg3[%mul3A_16] : memref<160000xf32, #tpu.memory_space<hbm>> -> memref<80xf32, #tpu.memory_space<hbm>>
      tpu.wait_dma2 semaphore(%arg14 : memref<!tpu.dma_semaphore, #tpu.memory_space<semaphore_mem>>) src(%dma_wait3A_119 : memref<80xf32, #tpu.memory_space<hbm>>) dst(%dma_wait3A_118 : memref<80xf32, #tpu.memory_space<vmem>>)
      %lt3A_120 = arith.constant 124 : i32
      %lt3A_121 = arith.cmpi slt, %add3A_78, %lt3A_120 : i32
      %convert_element_type3A = arith.extui %lt3A_121 : i1 to i32
      %cond3A = arith.constant 0 : i32
      %cond3A_122 = arith.cmpi ne, %convert_element_type3A, %cond3A : i32
      scf.if %cond3A_122 {
        %add3A_238 = arith.constant 1 : i32
        %add3A_239 = arith.addi %add3A_78, %add3A_238 : i32
        %add3A_240 = arith.constant 1 : i32
        %add3A_241 = arith.addi %add3A_78, %add3A_240 : i32
        %jit3A_242 = arith.constant 4 : i32
        %eq3A_243 = arith.constant 0 : i32
        %eq3A_244 = arith.cmpi eq, %jit3A_242, %eq3A_243 : i32
        %jit3A_245 = arith.constant 1 : i32
        %select_n3A_246 = arith.select %eq3A_244, %jit3A_245, %jit3A_242 : i32
        %rem3A_247 = arith.remsi %add3A_241, %select_n3A_246 : i32
        %ne3A_248 = arith.constant 0 : i32
        %ne3A_249 = arith.cmpi ne, %rem3A_247, %ne3A_248 : i32
        %lt3A_250 = arith.constant 0 : i32
        %lt3A_251 = arith.cmpi slt, %rem3A_247, %lt3A_250 : i32
        %lt3A_252 = arith.constant 0 : i32
        %lt3A_253 = arith.cmpi slt, %select_n3A_246, %lt3A_252 : i32
        %ne3A_254 = arith.xori %lt3A_251, %lt3A_253 : i1
        %and3A_255 = arith.andi %ne3A_254, %ne3A_249 : i1
        %add3A_256 = arith.addi %rem3A_247, %select_n3A_246 : i32
        %select_n3A_257 = arith.select %and3A_255, %add3A_256, %rem3A_247 : i32
        %dma_start3A_258 = arith.constant 0 : i32
        %dma_start3A_259 = tpu.memref_slice %arg7[%select_n3A_257, %dma_start3A_258] : memref<4x80xi32, #tpu.memory_space<vmem>> -> memref<1x80xi32, #tpu.memory_space<vmem>>
        %dma_start3A_260 = tpu.memref_squeeze %dma_start3A_259 : memref<1x80xi32, #tpu.memory_space<vmem>> -> memref<80xi32, #tpu.memory_space<vmem>>
        %dma_start3A_261 = arith.constant 0 : i32
        %dma_start3A_262 = tpu.memref_slice %arg4[%arg1, %add3A_239, %dma_start3A_261] : memref<16x125x80xi32, #tpu.memory_space<hbm>> -> memref<1x1x80xi32, #tpu.memory_space<hbm>>
        %dma_start3A_263 = tpu.memref_squeeze %dma_start3A_262 : memref<1x1x80xi32, #tpu.memory_space<hbm>> -> memref<80xi32, #tpu.memory_space<hbm>>
        %dma_start3A_264 = arith.constant 0 : i32
        %dma_start3A_265 = tpu.memref_slice %arg7[%select_n3A_257, %dma_start3A_264] : memref<4x80xi32, #tpu.memory_space<vmem>> -> memref<1x80xi32, #tpu.memory_space<vmem>>
        %dma_start3A_266 = tpu.memref_squeeze %dma_start3A_265 : memref<1x80xi32, #tpu.memory_space<vmem>> -> memref<80xi32, #tpu.memory_space<vmem>>
        %dma_start3A_267 = arith.constant 0 : i32
        %dma_start3A_268 = tpu.memref_slice %arg4[%arg1, %add3A_239, %dma_start3A_267] : memref<16x125x80xi32, #tpu.memory_space<hbm>> -> memref<1x1x80xi32, #tpu.memory_space<hbm>>
        %dma_start3A_269 = tpu.memref_squeeze %dma_start3A_268 : memref<1x1x80xi32, #tpu.memory_space<hbm>> -> memref<80xi32, #tpu.memory_space<hbm>>
        tpu.enqueue_dma source(%dma_start3A_269 : memref<80xi32, #tpu.memory_space<hbm>>) target(%dma_start3A_266 : memref<80xi32, #tpu.memory_space<vmem>>) target_semaphore(%arg14 : memref<!tpu.dma_semaphore, #tpu.memory_space<semaphore_mem>>)
        %mul3A_270 = arith.constant 80 : i32
        %mul3A_271 = arith.muli %add3A_239, %mul3A_270 : i32
        %add3A_272 = arith.addi %mul3A_16, %mul3A_271 : i32
        %dma_start3A_273 = arith.constant 0 : i32
        %dma_start3A_274 = arith.constant 0 : i32
        %dma_start3A_275 = tpu.memref_slice %arg9[%select_n3A_257, %dma_start3A_273, %dma_start3A_274] : memref<4x80x128xf32, #tpu.memory_space<vmem>> -> memref<1x80x128xf32, #tpu.memory_space<vmem>>
        %dma_start3A_276 = tpu.memref_squeeze %dma_start3A_275 : memref<1x80x128xf32, #tpu.memory_space<vmem>> -> memref<80x128xf32, #tpu.memory_space<vmem>>
        %dma_start3A_277 = arith.constant 0 : i32
        %dma_start3A_278 = tpu.memref_slice %arg2[%add3A_272, %dma_start3A_277] : memref<160000x128xf32, #tpu.memory_space<hbm>> -> memref<80x128xf32, #tpu.memory_space<hbm>>
        %dma_start3A_279 = arith.constant 0 : i32
        %dma_start3A_280 = arith.constant 0 : i32
        %dma_start3A_281 = tpu.memref_slice %arg9[%select_n3A_257, %dma_start3A_279, %dma_start3A_280] : memref<4x80x128xf32, #tpu.memory_space<vmem>> -> memref<1x80x128xf32, #tpu.memory_space<vmem>>
        %dma_start3A_282 = tpu.memref_squeeze %dma_start3A_281 : memref<1x80x128xf32, #tpu.memory_space<vmem>> -> memref<80x128xf32, #tpu.memory_space<vmem>>
        %dma_start3A_283 = arith.constant 0 : i32
        %dma_start3A_284 = tpu.memref_slice %arg2[%add3A_272, %dma_start3A_283] : memref<160000x128xf32, #tpu.memory_space<hbm>> -> memref<80x128xf32, #tpu.memory_space<hbm>>
        tpu.enqueue_dma source(%dma_start3A_284 : memref<80x128xf32, #tpu.memory_space<hbm>>) target(%dma_start3A_282 : memref<80x128xf32, #tpu.memory_space<vmem>>) target_semaphore(%arg14 : memref<!tpu.dma_semaphore, #tpu.memory_space<semaphore_mem>>)
        %mul3A_285 = arith.constant 80 : i32
        %mul3A_286 = arith.muli %add3A_239, %mul3A_285 : i32
        %add3A_287 = arith.addi %mul3A_16, %mul3A_286 : i32
        %dma_start3A_288 = arith.constant 0 : i32
        %dma_start3A_289 = tpu.memref_slice %arg10[%select_n3A_257, %dma_start3A_288] : memref<4x80xf32, #tpu.memory_space<vmem>> -> memref<1x80xf32, #tpu.memory_space<vmem>>
        %dma_start3A_290 = tpu.memref_squeeze %dma_start3A_289 : memref<1x80xf32, #tpu.memory_space<vmem>> -> memref<80xf32, #tpu.memory_space<vmem>>
        %dma_start3A_291 = tpu.memref_slice %arg3[%add3A_287] : memref<160000xf32, #tpu.memory_space<hbm>> -> memref<80xf32, #tpu.memory_space<hbm>>
        %dma_start3A_292 = arith.constant 0 : i32
        %dma_start3A_293 = tpu.memref_slice %arg10[%select_n3A_257, %dma_start3A_292] : memref<4x80xf32, #tpu.memory_space<vmem>> -> memref<1x80xf32, #tpu.memory_space<vmem>>
        %dma_start3A_294 = tpu.memref_squeeze %dma_start3A_293 : memref<1x80xf32, #tpu.memory_space<vmem>> -> memref<80xf32, #tpu.memory_space<vmem>>
        %dma_start3A_295 = tpu.memref_slice %arg3[%add3A_287] : memref<160000xf32, #tpu.memory_space<hbm>> -> memref<80xf32, #tpu.memory_space<hbm>>
        tpu.enqueue_dma source(%dma_start3A_295 : memref<80xf32, #tpu.memory_space<hbm>>) target(%dma_start3A_294 : memref<80xf32, #tpu.memory_space<vmem>>) target_semaphore(%arg14 : memref<!tpu.dma_semaphore, #tpu.memory_space<semaphore_mem>>)
      } else {
      }
      %get3A = arith.index_cast %select_n3A_87 : i32 to index
      %get3A_123 = arith.constant 0 : index
      %get3A_124 = tpu.vector_load %arg7[%get3A, %get3A_123] {strides = array<i32>} : memref<4x80xi32, #tpu.memory_space<vmem>>, vector<16xi32>,
      %sub3A = vector.broadcast %mul3A_0 : i32 to vector<16xi32>
      %sub3A_125 = arith.subi %get3A_124, %sub3A : vector<16xi32>
      %ge3A = arith.constant 0 : i32
      %ge3A_126 = vector.broadcast %ge3A : i32 to vector<16xi32>
      %ge3A_127 = arith.cmpi sge, %sub3A_125, %ge3A_126 : vector<16xi32>
      %lt3A_128 = arith.constant 5120 : i32
      %lt3A_129 = vector.broadcast %lt3A_128 : i32 to vector<16xi32>
      %lt3A_130 = arith.cmpi slt, %sub3A_125, %lt3A_129 : vector<16xi32>
      %and3A_131 = arith.andi %ge3A_127, %lt3A_130 : vector<16xi1>
      %jit3A_132 = arith.constant 5120 : i32
      %broadcast_in_dim3A = vector.broadcast %jit3A_132 : i32 to vector<16xi32>
      %select_n3A_133 = arith.select %and3A_131, %sub3A_125, %broadcast_in_dim3A : vector<16xi1>, vector<16xi32>
      %swap3A = arith.index_cast %select_n3A_87 : i32 to index
      %swap3A_134 = arith.constant 0 : index
      %swap3A_135 = tpu.vector_load %arg8[%swap3A, %swap3A_134] {strides = array<i32>} : memref<4x80xi32, #tpu.memory_space<vmem>>, vector<16xi32>,
      tpu.vector_store %arg8[%swap3A, %swap3A_134], %select_n3A_133 {strides = array<i32>} : memref<4x80xi32, #tpu.memory_space<vmem>>, vector<16xi32>,
      %get3A_136 = arith.index_cast %select_n3A_87 : i32 to index
      %get3A_137 = arith.constant 0 : index
      %get3A_138 = tpu.vector_load %arg10[%get3A_136, %get3A_137] {strides = array<i32>} : memref<4x80xf32, #tpu.memory_space<vmem>>, vector<16xf32>,
      %jit3A_139 = arith.constant 0.000000e+00 : f32
      %broadcast_in_dim3A_140 = vector.broadcast %jit3A_139 : f32 to vector<16xf32>
      %select_n3A_141 = arith.select %and3A_131, %get3A_138, %broadcast_in_dim3A_140 : vector<16xi1>, vector<16xf32>
      tpu.vector_store_idx %arg12[%get3A_124], %select_n3A_141 {add = true} : memref<10240xf32, #tpu.memory_space<vmem>>[vector<16xi32>], vector<16xf32>,
      %get3A_142 = arith.index_cast %select_n3A_87 : i32 to index
      %get3A_143 = arith.constant 16 : index
      %get3A_144 = tpu.vector_load %arg7[%get3A_142, %get3A_143] {strides = array<i32>} : memref<4x80xi32, #tpu.memory_space<vmem>>, vector<16xi32>,
      %sub3A_145 = vector.broadcast %mul3A_0 : i32 to vector<16xi32>
      %sub3A_146 = arith.subi %get3A_144, %sub3A_145 : vector<16xi32>
      %ge3A_147 = arith.constant 0 : i32
      %ge3A_148 = vector.broadcast %ge3A_147 : i32 to vector<16xi32>
      %ge3A_149 = arith.cmpi sge, %sub3A_146, %ge3A_148 : vector<16xi32>
      %lt3A_150 = arith.constant 5120 : i32
      %lt3A_151 = vector.broadcast %lt3A_150 : i32 to vector<16xi32>
      %lt3A_152 = arith.cmpi slt, %sub3A_146, %lt3A_151 : vector<16xi32>
      %and3A_153 = arith.andi %ge3A_149, %lt3A_152 : vector<16xi1>
      %jit3A_154 = arith.constant 5120 : i32
      %broadcast_in_dim3A_155 = vector.broadcast %jit3A_154 : i32 to vector<16xi32>
      %select_n3A_156 = arith.select %and3A_153, %sub3A_146, %broadcast_in_dim3A_155 : vector<16xi1>, vector<16xi32>
      %swap3A_157 = arith.index_cast %select_n3A_87 : i32 to index
      %swap3A_158 = arith.constant 16 : index
      %swap3A_159 = tpu.vector_load %arg8[%swap3A_157, %swap3A_158] {strides = array<i32>} : memref<4x80xi32, #tpu.memory_space<vmem>>, vector<16xi32>,
      tpu.vector_store %arg8[%swap3A_157, %swap3A_158], %select_n3A_156 {strides = array<i32>} : memref<4x80xi32, #tpu.memory_space<vmem>>, vector<16xi32>,
      %get3A_160 = arith.index_cast %select_n3A_87 : i32 to index
      %get3A_161 = arith.constant 16 : index
      %get3A_162 = tpu.vector_load %arg10[%get3A_160, %get3A_161] {strides = array<i32>} : memref<4x80xf32, #tpu.memory_space<vmem>>, vector<16xf32>,
      %jit3A_163 = arith.constant 0.000000e+00 : f32
      %broadcast_in_dim3A_164 = vector.broadcast %jit3A_163 : f32 to vector<16xf32>
      %select_n3A_165 = arith.select %and3A_153, %get3A_162, %broadcast_in_dim3A_164 : vector<16xi1>, vector<16xf32>
      tpu.vector_store_idx %arg12[%get3A_144], %select_n3A_165 {add = true} : memref<10240xf32, #tpu.memory_space<vmem>>[vector<16xi32>], vector<16xf32>,
      %get3A_166 = arith.index_cast %select_n3A_87 : i32 to index
      %get3A_167 = arith.constant 32 : index
      %get3A_168 = tpu.vector_load %arg7[%get3A_166, %get3A_167] {strides = array<i32>} : memref<4x80xi32, #tpu.memory_space<vmem>>, vector<16xi32>,
      %sub3A_169 = vector.broadcast %mul3A_0 : i32 to vector<16xi32>
      %sub3A_170 = arith.subi %get3A_168, %sub3A_169 : vector<16xi32>
      %ge3A_171 = arith.constant 0 : i32
      %ge3A_172 = vector.broadcast %ge3A_171 : i32 to vector<16xi32>
      %ge3A_173 = arith.cmpi sge, %sub3A_170, %ge3A_172 : vector<16xi32>
      %lt3A_174 = arith.constant 5120 : i32
      %lt3A_175 = vector.broadcast %lt3A_174 : i32 to vector<16xi32>
      %lt3A_176 = arith.cmpi slt, %sub3A_170, %lt3A_175 : vector<16xi32>
      %and3A_177 = arith.andi %ge3A_173, %lt3A_176 : vector<16xi1>
      %jit3A_178 = arith.constant 5120 : i32
      %broadcast_in_dim3A_179 = vector.broadcast %jit3A_178 : i32 to vector<16xi32>
      %select_n3A_180 = arith.select %and3A_177, %sub3A_170, %broadcast_in_dim3A_179 : vector<16xi1>, vector<16xi32>
      %swap3A_181 = arith.index_cast %select_n3A_87 : i32 to index
      %swap3A_182 = arith.constant 32 : index
      %swap3A_183 = tpu.vector_load %arg8[%swap3A_181, %swap3A_182] {strides = array<i32>} : memref<4x80xi32, #tpu.memory_space<vmem>>, vector<16xi32>,
      tpu.vector_store %arg8[%swap3A_181, %swap3A_182], %select_n3A_180 {strides = array<i32>} : memref<4x80xi32, #tpu.memory_space<vmem>>, vector<16xi32>,
      %get3A_184 = arith.index_cast %select_n3A_87 : i32 to index
      %get3A_185 = arith.constant 32 : index
      %get3A_186 = tpu.vector_load %arg10[%get3A_184, %get3A_185] {strides = array<i32>} : memref<4x80xf32, #tpu.memory_space<vmem>>, vector<16xf32>,
      %jit3A_187 = arith.constant 0.000000e+00 : f32
      %broadcast_in_dim3A_188 = vector.broadcast %jit3A_187 : f32 to vector<16xf32>
      %select_n3A_189 = arith.select %and3A_177, %get3A_186, %broadcast_in_dim3A_188 : vector<16xi1>, vector<16xf32>
      tpu.vector_store_idx %arg12[%get3A_168], %select_n3A_189 {add = true} : memref<10240xf32, #tpu.memory_space<vmem>>[vector<16xi32>], vector<16xf32>,
      %get3A_190 = arith.index_cast %select_n3A_87 : i32 to index
      %get3A_191 = arith.constant 48 : index
      %get3A_192 = tpu.vector_load %arg7[%get3A_190, %get3A_191] {strides = array<i32>} : memref<4x80xi32, #tpu.memory_space<vmem>>, vector<16xi32>,
      %sub3A_193 = vector.broadcast %mul3A_0 : i32 to vector<16xi32>
      %sub3A_194 = arith.subi %get3A_192, %sub3A_193 : vector<16xi32>
      %ge3A_195 = arith.constant 0 : i32
      %ge3A_196 = vector.broadcast %ge3A_195 : i32 to vector<16xi32>
      %ge3A_197 = arith.cmpi sge, %sub3A_194, %ge3A_196 : vector<16xi32>
      %lt3A_198 = arith.constant 5120 : i32
      %lt3A_199 = vector.broadcast %lt3A_198 : i32 to vector<16xi32>
      %lt3A_200 = arith.cmpi slt, %sub3A_194, %lt3A_199 : vector<16xi32>
      %and3A_201 = arith.andi %ge3A_197, %lt3A_200 : vector<16xi1>
      %jit3A_202 = arith.constant 5120 : i32
      %broadcast_in_dim3A_203 = vector.broadcast %jit3A_202 : i32 to vector<16xi32>
      %select_n3A_204 = arith.select %and3A_201, %sub3A_194, %broadcast_in_dim3A_203 : vector<16xi1>, vector<16xi32>
      %swap3A_205 = arith.index_cast %select_n3A_87 : i32 to index
      %swap3A_206 = arith.constant 48 : index
      %swap3A_207 = tpu.vector_load %arg8[%swap3A_205, %swap3A_206] {strides = array<i32>} : memref<4x80xi32, #tpu.memory_space<vmem>>, vector<16xi32>,
      tpu.vector_store %arg8[%swap3A_205, %swap3A_206], %select_n3A_204 {strides = array<i32>} : memref<4x80xi32, #tpu.memory_space<vmem>>, vector<16xi32>,
      %get3A_208 = arith.index_cast %select_n3A_87 : i32 to index
      %get3A_209 = arith.constant 48 : index
      %get3A_210 = tpu.vector_load %arg10[%get3A_208, %get3A_209] {strides = array<i32>} : memref<4x80xf32, #tpu.memory_space<vmem>>, vector<16xf32>,
      %jit3A_211 = arith.constant 0.000000e+00 : f32
      %broadcast_in_dim3A_212 = vector.broadcast %jit3A_211 : f32 to vector<16xf32>
      %select_n3A_213 = arith.select %and3A_201, %get3A_210, %broadcast_in_dim3A_212 : vector<16xi1>, vector<16xf32>
      tpu.vector_store_idx %arg12[%get3A_192], %select_n3A_213 {add = true} : memref<10240xf32, #tpu.memory_space<vmem>>[vector<16xi32>], vector<16xf32>,
      %get3A_214 = arith.index_cast %select_n3A_87 : i32 to index
      %get3A_215 = arith.constant 64 : index
      %get3A_216 = tpu.vector_load %arg7[%get3A_214, %get3A_215] {strides = array<i32>} : memref<4x80xi32, #tpu.memory_space<vmem>>, vector<16xi32>,
      %sub3A_217 = vector.broadcast %mul3A_0 : i32 to vector<16xi32>
      %sub3A_218 = arith.subi %get3A_216, %sub3A_217 : vector<16xi32>
      %ge3A_219 = arith.constant 0 : i32
      %ge3A_220 = vector.broadcast %ge3A_219 : i32 to vector<16xi32>
      %ge3A_221 = arith.cmpi sge, %sub3A_218, %ge3A_220 : vector<16xi32>
      %lt3A_222 = arith.constant 5120 : i32
      %lt3A_223 = vector.broadcast %lt3A_222 : i32 to vector<16xi32>
      %lt3A_224 = arith.cmpi slt, %sub3A_218, %lt3A_223 : vector<16xi32>
      %and3A_225 = arith.andi %ge3A_221, %lt3A_224 : vector<16xi1>
      %jit3A_226 = arith.constant 5120 : i32
      %broadcast_in_dim3A_227 = vector.broadcast %jit3A_226 : i32 to vector<16xi32>
      %select_n3A_228 = arith.select %and3A_225, %sub3A_218, %broadcast_in_dim3A_227 : vector<16xi1>, vector<16xi32>
      %swap3A_229 = arith.index_cast %select_n3A_87 : i32 to index
      %swap3A_230 = arith.constant 64 : index
      %swap3A_231 = tpu.vector_load %arg8[%swap3A_229, %swap3A_230] {strides = array<i32>} : memref<4x80xi32, #tpu.memory_space<vmem>>, vector<16xi32>,
      tpu.vector_store %arg8[%swap3A_229, %swap3A_230], %select_n3A_228 {strides = array<i32>} : memref<4x80xi32, #tpu.memory_space<vmem>>, vector<16xi32>,
      %get3A_232 = arith.index_cast %select_n3A_87 : i32 to index
      %get3A_233 = arith.constant 64 : index
      %get3A_234 = tpu.vector_load %arg10[%get3A_232, %get3A_233] {strides = array<i32>} : memref<4x80xf32, #tpu.memory_space<vmem>>, vector<16xf32>,
      %jit3A_235 = arith.constant 0.000000e+00 : f32
      %broadcast_in_dim3A_236 = vector.broadcast %jit3A_235 : f32 to vector<16xf32>
      %select_n3A_237 = arith.select %and3A_225, %get3A_234, %broadcast_in_dim3A_236 : vector<16xi1>, vector<16xf32>
      tpu.vector_store_idx %arg12[%get3A_216], %select_n3A_237 {add = true} : memref<10240xf32, #tpu.memory_space<vmem>>[vector<16xi32>], vector<16xf32>,
      "tpu.region"() ({
        %run_scoped3A = tpu.sem_alloc : memref<!tpu.dma_semaphore, #tpu.memory_space<semaphore_mem>>
        %dma_start3A_238 = arith.constant 0 : i32
        %dma_start3A_239 = arith.constant 0 : i32
        %dma_start3A_240 = tpu.memref_slice %arg9[%select_n3A_87, %dma_start3A_238, %dma_start3A_239] : memref<4x80x128xf32, #tpu.memory_space<vmem>> -> memref<1x80x128xf32, #tpu.memory_space<vmem>>
        %dma_start3A_241 = tpu.memref_squeeze %dma_start3A_240 : memref<1x80x128xf32, #tpu.memory_space<vmem>> -> memref<80x128xf32, #tpu.memory_space<vmem>>
        %dma_start3A_242 = arith.constant 0 : i32
        %dma_start3A_243 = tpu.memref_slice %arg8[%select_n3A_87, %dma_start3A_242] : memref<4x80xi32, #tpu.memory_space<vmem>> -> memref<1x80xi32, #tpu.memory_space<vmem>>
        %dma_start3A_244 = tpu.memref_squeeze %dma_start3A_243 : memref<1x80xi32, #tpu.memory_space<vmem>> -> memref<80xi32, #tpu.memory_space<vmem>>
        %dma_start3A_245 = arith.constant 0 : i32
        %dma_start3A_246 = arith.constant 0 : i32
        %dma_start3A_247 = tpu.memref_slice %arg13[%dma_start3A_245, %dma_start3A_246] : memref<5376x128xf32, #tpu.memory_space<vmem_shared>> -> memref<5376x128xf32, #tpu.memory_space<vmem_shared>>
        tpu.enqueue_indirect_dma source(%dma_start3A_241 : memref<80x128xf32, #tpu.memory_space<vmem>>) target(%dma_start3A_247 : memref<5376x128xf32, #tpu.memory_space<vmem_shared>>) offsets(%dma_start3A_244 : memref<80xi32, #tpu.memory_space<vmem>>) semaphore(%run_scoped3A : memref<!tpu.dma_semaphore, #tpu.memory_space<semaphore_mem>>) {add = true}
        %dma_wait3A_248 = arith.constant 0 : i32
        %dma_wait3A_249 = arith.constant 0 : i32
        %dma_wait3A_250 = tpu.memref_slice %arg9[%select_n3A_87, %dma_wait3A_248, %dma_wait3A_249] : memref<4x80x128xf32, #tpu.memory_space<vmem>> -> memref<1x80x128xf32, #tpu.memory_space<vmem>>
        %dma_wait3A_251 = tpu.memref_squeeze %dma_wait3A_250 : memref<1x80x128xf32, #tpu.memory_space<vmem>> -> memref<80x128xf32, #tpu.memory_space<vmem>>
        %dma_wait3A_252 = arith.constant 0 : i32
        %dma_wait3A_253 = tpu.memref_slice %arg8[%select_n3A_87, %dma_wait3A_252] : memref<4x80xi32, #tpu.memory_space<vmem>> -> memref<1x80xi32, #tpu.memory_space<vmem>>
        %dma_wait3A_254 = tpu.memref_squeeze %dma_wait3A_253 : memref<1x80xi32, #tpu.memory_space<vmem>> -> memref<80xi32, #tpu.memory_space<vmem>>
        %dma_wait3A_255 = arith.constant 0 : i32
        %dma_wait3A_256 = arith.constant 0 : i32
        %dma_wait3A_257 = tpu.memref_slice %arg13[%dma_wait3A_255, %dma_wait3A_256] : memref<5376x128xf32, #tpu.memory_space<vmem_shared>> -> memref<5376x128xf32, #tpu.memory_space<vmem_shared>>
        tpu.wait_indirect_dma semaphore(%run_scoped3A : memref<!tpu.dma_semaphore, #tpu.memory_space<semaphore_mem>>) src(%dma_wait3A_251 : memref<80x128xf32, #tpu.memory_space<vmem>>) dst(%dma_wait3A_257 : memref<5376x128xf32, #tpu.memory_space<vmem_shared>>)
        tpu.yield
      }) : () -> ()
    }
    %scan3A_59 = arith.constant 125 : i32
    %barrier3A_60 = arith.constant 0 : index
    tpu.barrier barrier_id(%barrier3A_60)
    %scan3A_61 = arith.constant 0 : i32
    %scan3A_62 = arith.constant 7 : i32
    %scan3A_63 = arith.addi %scan3A_61, %scan3A_62 : i32
    %scan3A_64 = arith.constant 1 : i32
    scf.for %scan3A_74 = %scan3A_61 to %scan3A_63 step %scan3A_64  : i32 {
      %mul3A_75 = arith.constant 1 : i32
      %mul3A_76 = arith.muli %scan3A_74, %mul3A_75 : i32
      %add3A_77 = arith.constant 0 : i32
      %add3A_78 = arith.addi %add3A_77, %mul3A_76 : i32
      %mul3A_79 = arith.constant 336 : i32
      %mul3A_80 = arith.muli %arg1, %mul3A_79 : i32
      %mul3A_81 = arith.constant 48 : i32
      %mul3A_82 = arith.muli %add3A_78, %mul3A_81 : i32
      %add3A_83 = arith.addi %mul3A_80, %mul3A_82 : i32
      "tpu.region"() ({
        %run_scoped3A = tpu.sem_alloc : memref<!tpu.dma_semaphore, #tpu.memory_space<semaphore_mem>>
        %dma_start3A_89 = arith.constant 0 : i32
        %dma_start3A_90 = tpu.memref_slice %arg13[%add3A_83, %dma_start3A_89] : memref<5376x128xf32, #tpu.memory_space<vmem_shared>> -> memref<48x128xf32, #tpu.memory_space<vmem_shared>>
        %dma_start3A_91 = arith.constant 0 : i32
        %dma_start3A_92 = tpu.memref_slice %arg13[%add3A_83, %dma_start3A_91] : memref<5376x128xf32, #tpu.memory_space<vmem_shared>> -> memref<48x128xf32, #tpu.memory_space<vmem_shared>>
        tpu.enqueue_dma source(%dma_start3A_92 : memref<48x128xf32, #tpu.memory_space<vmem_shared>>) target(%arg11 : memref<48x128xf32, #tpu.memory_space<vmem>>) target_semaphore(%run_scoped3A : memref<!tpu.dma_semaphore, #tpu.memory_space<semaphore_mem>>)
        %dma_wait3A = arith.constant 0 : i32
        %dma_wait3A_93 = tpu.memref_slice %arg13[%add3A_83, %dma_wait3A] : memref<5376x128xf32, #tpu.memory_space<vmem_shared>> -> memref<48x128xf32, #tpu.memory_space<vmem_shared>>
        %dma_wait3A_94 = arith.constant 0 : i32
        %dma_wait3A_95 = tpu.memref_slice %arg13[%add3A_83, %dma_wait3A_94] : memref<5376x128xf32, #tpu.memory_space<vmem_shared>> -> memref<48x128xf32, #tpu.memory_space<vmem_shared>>
        tpu.wait_dma2 semaphore(%run_scoped3A : memref<!tpu.dma_semaphore, #tpu.memory_space<semaphore_mem>>) src(%dma_wait3A_95 : memref<48x128xf32, #tpu.memory_space<vmem_shared>>) dst(%arg11 : memref<48x128xf32, #tpu.memory_space<vmem>>)
        tpu.yield
      }) : () -> ()
      %mul3A_84 = arith.constant 336 : i32
      %mul3A_85 = arith.muli %arg1, %mul3A_84 : i32
      %mul3A_86 = arith.constant 48 : i32
      %mul3A_87 = arith.muli %add3A_78, %mul3A_86 : i32
      %add3A_88 = arith.addi %mul3A_85, %mul3A_87 : i32
      "tpu.region"() ({
        %run_scoped3A = tpu.sem_alloc : memref<!tpu.dma_semaphore, #tpu.memory_space<semaphore_mem>>
        %dma_start3A_89 = arith.constant 0 : i32
        %dma_start3A_90 = tpu.memref_slice %arg5[%arg0, %add3A_88, %dma_start3A_89] : memref<2x5376x128xf32, #tpu.memory_space<hbm>> -> memref<1x48x128xf32, #tpu.memory_space<hbm>>
        %dma_start3A_91 = tpu.memref_squeeze %dma_start3A_90 : memref<1x48x128xf32, #tpu.memory_space<hbm>> -> memref<48x128xf32, #tpu.memory_space<hbm>>
        %dma_start3A_92 = arith.constant 0 : i32
        %dma_start3A_93 = tpu.memref_slice %arg5[%arg0, %add3A_88, %dma_start3A_92] : memref<2x5376x128xf32, #tpu.memory_space<hbm>> -> memref<1x48x128xf32, #tpu.memory_space<hbm>>
        %dma_start3A_94 = tpu.memref_squeeze %dma_start3A_93 : memref<1x48x128xf32, #tpu.memory_space<hbm>> -> memref<48x128xf32, #tpu.memory_space<hbm>>
        tpu.enqueue_dma source(%arg11 : memref<48x128xf32, #tpu.memory_space<vmem>>) target(%dma_start3A_94 : memref<48x128xf32, #tpu.memory_space<hbm>>) target_semaphore(%run_scoped3A : memref<!tpu.dma_semaphore, #tpu.memory_space<semaphore_mem>>)
        %dma_wait3A = arith.constant 0 : i32
        %dma_wait3A_95 = tpu.memref_slice %arg5[%arg0, %add3A_88, %dma_wait3A] : memref<2x5376x128xf32, #tpu.memory_space<hbm>> -> memref<1x48x128xf32, #tpu.memory_space<hbm>>
        %dma_wait3A_96 = tpu.memref_squeeze %dma_wait3A_95 : memref<1x48x128xf32, #tpu.memory_space<hbm>> -> memref<48x128xf32, #tpu.memory_space<hbm>>
        %dma_wait3A_97 = arith.constant 0 : i32
        %dma_wait3A_98 = tpu.memref_slice %arg5[%arg0, %add3A_88, %dma_wait3A_97] : memref<2x5376x128xf32, #tpu.memory_space<hbm>> -> memref<1x48x128xf32, #tpu.memory_space<hbm>>
        %dma_wait3A_99 = tpu.memref_squeeze %dma_wait3A_98 : memref<1x48x128xf32, #tpu.memory_space<hbm>> -> memref<48x128xf32, #tpu.memory_space<hbm>>
        tpu.wait_dma2 semaphore(%run_scoped3A : memref<!tpu.dma_semaphore, #tpu.memory_space<semaphore_mem>>) src(%arg11 : memref<48x128xf32, #tpu.memory_space<vmem>>) dst(%dma_wait3A_99 : memref<48x128xf32, #tpu.memory_space<hbm>>)
        tpu.yield
      }) : () -> ()
    }
    %scan3A_65 = arith.constant 7 : i32
    %mul3A_66 = arith.constant 2 : i32
    %mul3A_67 = arith.muli %arg1, %mul3A_66 : i32
    %add3A_68 = arith.addi %mul3A_67, %arg0 : i32
    %scan3A_69 = arith.constant 0 : i32
    %scan3A_70 = arith.constant 5 : i32
    %scan3A_71 = arith.addi %scan3A_69, %scan3A_70 : i32
    %scan3A_72 = arith.constant 1 : i32
    scf.for %scan3A_74 = %scan3A_69 to %scan3A_71 step %scan3A_72  : i32 {
      %mul3A_75 = arith.constant 1 : i32
      %mul3A_76 = arith.muli %scan3A_74, %mul3A_75 : i32
      %add3A_77 = arith.constant 0 : i32
      %add3A_78 = arith.addi %add3A_77, %mul3A_76 : i32
      %mul3A_79 = arith.constant 2048 : i32
      %mul3A_80 = arith.muli %add3A_78, %mul3A_79 : i32
      %mul3A_81 = arith.constant 2048 : i32
      %mul3A_82 = arith.muli %add3A_78, %mul3A_81 : i32
      "tpu.region"() ({
        %run_scoped3A = tpu.sem_alloc : memref<!tpu.dma_semaphore, #tpu.memory_space<semaphore_mem>>
        %dma_start3A_83 = tpu.memref_slice %arg12[%mul3A_80] : memref<10240xf32, #tpu.memory_space<vmem>> -> memref<2048xf32, #tpu.memory_space<vmem>>
        %dma_start3A_84 = tpu.memref_slice %arg6[%add3A_68, %mul3A_82] : memref<32x10240xf32, #tpu.memory_space<hbm>> -> memref<1x2048xf32, #tpu.memory_space<hbm>>
        %dma_start3A_85 = tpu.memref_squeeze %dma_start3A_84 : memref<1x2048xf32, #tpu.memory_space<hbm>> -> memref<2048xf32, #tpu.memory_space<hbm>>
        %dma_start3A_86 = tpu.memref_slice %arg6[%add3A_68, %mul3A_82] : memref<32x10240xf32, #tpu.memory_space<hbm>> -> memref<1x2048xf32, #tpu.memory_space<hbm>>
        %dma_start3A_87 = tpu.memref_squeeze %dma_start3A_86 : memref<1x2048xf32, #tpu.memory_space<hbm>> -> memref<2048xf32, #tpu.memory_space<hbm>>
        %dma_start3A_88 = tpu.memref_slice %arg12[%mul3A_80] : memref<10240xf32, #tpu.memory_space<vmem>> -> memref<2048xf32, #tpu.memory_space<vmem>>
        tpu.enqueue_dma source(%dma_start3A_88 : memref<2048xf32, #tpu.memory_space<vmem>>) target(%dma_start3A_87 : memref<2048xf32, #tpu.memory_space<hbm>>) target_semaphore(%run_scoped3A : memref<!tpu.dma_semaphore, #tpu.memory_space<semaphore_mem>>)
        %dma_wait3A = tpu.memref_slice %arg12[%mul3A_80] : memref<10240xf32, #tpu.memory_space<vmem>> -> memref<2048xf32, #tpu.memory_space<vmem>>
        %dma_wait3A_89 = tpu.memref_slice %arg6[%add3A_68, %mul3A_82] : memref<32x10240xf32, #tpu.memory_space<hbm>> -> memref<1x2048xf32, #tpu.memory_space<hbm>>
        %dma_wait3A_90 = tpu.memref_squeeze %dma_wait3A_89 : memref<1x2048xf32, #tpu.memory_space<hbm>> -> memref<2048xf32, #tpu.memory_space<hbm>>
        %dma_wait3A_91 = tpu.memref_slice %arg6[%add3A_68, %mul3A_82] : memref<32x10240xf32, #tpu.memory_space<hbm>> -> memref<1x2048xf32, #tpu.memory_space<hbm>>
        %dma_wait3A_92 = tpu.memref_squeeze %dma_wait3A_91 : memref<1x2048xf32, #tpu.memory_space<hbm>> -> memref<2048xf32, #tpu.memory_space<hbm>>
        %dma_wait3A_93 = tpu.memref_slice %arg12[%mul3A_80] : memref<10240xf32, #tpu.memory_space<vmem>> -> memref<2048xf32, #tpu.memory_space<vmem>>
        tpu.wait_dma2 semaphore(%run_scoped3A : memref<!tpu.dma_semaphore, #tpu.memory_space<semaphore_mem>>) src(%dma_wait3A_93 : memref<2048xf32, #tpu.memory_space<vmem>>) dst(%dma_wait3A_92 : memref<2048xf32, #tpu.memory_space<hbm>>)
        tpu.yield
      }) : () -> ()
    }
    %scan3A_73 = arith.constant 5 : i32
    return
  }
}

module attributes {stable_mosaic.version = 14 : i64} {
  func.func @_xp_body(%arg0: i32, %arg1: memref<2000x128xf32, #tpu.memory_space<vmem>>, %arg2: memref<128x128xf32, #tpu.memory_space<vmem>>, %arg3: memref<1x128xf32, #tpu.memory_space<vmem>>, %arg4: memref<2000x128xf32, #tpu.memory_space<vmem>>) attributes {dimension_semantics = [#tpu.dimension_semantics<arbitrary>], iteration_bounds = array<i64: 5>, scalar_prefetch = 0 : i64, scratch_operands = 0 : i64, tpu.core_type = #tpu.core_type<tc>, window_params = [{transform_indices = @transform_0, window_bounds = array<i64: 2000, 128>}, {pipeline_mode = #tpu.pipeline_mode<synchronous>, transform_indices = @transform_1, window_bounds = array<i64: 128, 128>}, {pipeline_mode = #tpu.pipeline_mode<synchronous>, transform_indices = @transform_2, window_bounds = array<i64: 1, 128>}, {transform_indices = @transform_3, window_bounds = array<i64: 2000, 128>}]} {
    %get3A = arith.constant 0 : index
    %get3A_0 = arith.constant 0 : index
    %get3A_1 = vector.load %arg1[%get3A, %get3A_0] : memref<2000x128xf32, #tpu.memory_space<vmem>>, vector<2000x128xf32>
    %get3A_2 = arith.constant 0 : index
    %get3A_3 = arith.constant 0 : index
    %get3A_4 = vector.load %arg2[%get3A_2, %get3A_3] : memref<128x128xf32, #tpu.memory_space<vmem>>, vector<128x128xf32>
    %dot_general3A = arith.constant dense<0.000000e+00> : vector<2000x128xf32>
    %dot_general3A_5 = tpu.matmul %get3A_1, %get3A_4, %dot_general3A {dimension_numbers = #tpu.dot_dimension_numbers<[1], [0], [0], [1], [0, 0, 1, 1], [], []>, transpose_lhs_hint = false} : vector<2000x128xf32>, vector<128x128xf32>, vector<2000x128xf32> -> vector<2000x128xf32>
    %get3A_6 = arith.constant 0 : index
    %get3A_7 = arith.constant 0 : index
    %get3A_8 = vector.load %arg3[%get3A_6, %get3A_7] : memref<1x128xf32, #tpu.memory_space<vmem>>, vector<1x128xf32>
    %add3A = vector.broadcast %get3A_8 : vector<1x128xf32> to vector<2000x128xf32>
    %add3A_9 = arith.addf %dot_general3A_5, %add3A : vector<2000x128xf32>
    %swap3A = arith.constant 0 : index
    %swap3A_10 = arith.constant 0 : index
    %swap3A_11 = vector.load %arg4[%swap3A, %swap3A_10] : memref<2000x128xf32, #tpu.memory_space<vmem>>, vector<2000x128xf32>
    tpu.vector_store %arg4[%swap3A, %swap3A_10], %add3A_9 {strides = array<i32>} : memref<2000x128xf32, #tpu.memory_space<vmem>>, vector<2000x128xf32>,
    return
  }
  func.func @transform_0(%arg0: i32) -> (i32, i32) {
    %c0_i32 = arith.constant 0 : i32
    %c0_i32_0 = arith.constant 0 : i32
    return %arg0, %c0_i32 : i32, i32
  }
  func.func @transform_1(%arg0: i32) -> (i32, i32) {
    %c0_i32 = arith.constant 0 : i32
    %c0_i32_0 = arith.constant 0 : i32
    %c0_i32_1 = arith.constant 0 : i32
    return %c0_i32, %c0_i32_0 : i32, i32
  }
  func.func @transform_2(%arg0: i32) -> (i32, i32) {
    %c0_i32 = arith.constant 0 : i32
    %c0_i32_0 = arith.constant 0 : i32
    %c0_i32_1 = arith.constant 0 : i32
    return %c0_i32, %c0_i32_0 : i32, i32
  }
  func.func @transform_3(%arg0: i32) -> (i32, i32) {
    %c0_i32 = arith.constant 0 : i32
    %c0_i32_0 = arith.constant 0 : i32
    return %arg0, %c0_i32 : i32, i32
  }
}

module attributes {stable_mosaic.version = 14 : i64} {
  func.func @_edge_body(%arg0: i32, %arg1: memref<4000x1xf32, #tpu.memory_space<vmem>>, %arg2: memref<4000x128xf32, #tpu.memory_space<vmem>>, %arg3: memref<1x64xf32, #tpu.memory_space<vmem>>, %arg4: memref<64x128xf32, #tpu.memory_space<vmem>>, %arg5: memref<64x128xf32, #tpu.memory_space<vmem>>, %arg6: memref<1x128xf32, #tpu.memory_space<vmem>>, %arg7: memref<4000x128xf32, #tpu.memory_space<vmem>>, %arg8: memref<4000x1xf32, #tpu.memory_space<vmem>>) attributes {dimension_semantics = [#tpu.dimension_semantics<arbitrary>], iteration_bounds = array<i64: 40>, scalar_prefetch = 0 : i64, scratch_operands = 0 : i64, tpu.core_type = #tpu.core_type<tc>, window_params = [{transform_indices = @transform_0, window_bounds = array<i64: 4000, 1>}, {transform_indices = @transform_1, window_bounds = array<i64: 4000, 128>}, {pipeline_mode = #tpu.pipeline_mode<synchronous>, transform_indices = @transform_2, window_bounds = array<i64: 1, 64>}, {pipeline_mode = #tpu.pipeline_mode<synchronous>, transform_indices = @transform_3, window_bounds = array<i64: 64, 128>}, {pipeline_mode = #tpu.pipeline_mode<synchronous>, transform_indices = @transform_4, window_bounds = array<i64: 64, 128>}, {pipeline_mode = #tpu.pipeline_mode<synchronous>, transform_indices = @transform_5, window_bounds = array<i64: 1, 128>}, {transform_indices = @transform_6, window_bounds = array<i64: 4000, 128>}, {transform_indices = @transform_7, window_bounds = array<i64: 4000, 1>}]} {
    %get3A = arith.constant 0 : index
    %get3A_0 = arith.constant 0 : index
    %get3A_1 = vector.load %arg1[%get3A, %get3A_0] : memref<4000x1xf32, #tpu.memory_space<vmem>>, vector<4000x1xf32>
    %get3A_2 = arith.constant 0 : index
    %get3A_3 = arith.constant 0 : index
    %get3A_4 = vector.load %arg3[%get3A_2, %get3A_3] : memref<1x64xf32, #tpu.memory_space<vmem>>, vector<1x64xf32>
    %mul3A = vector.broadcast %get3A_1 : vector<4000x1xf32> to vector<4000x64xf32>
    %mul3A_5 = vector.broadcast %get3A_4 : vector<1x64xf32> to vector<4000x64xf32>
    %mul3A_6 = arith.mulf %mul3A, %mul3A_5 : vector<4000x64xf32>
    %round3A = math.roundeven %mul3A_6 : vector<4000x64xf32>
    %sub3A = arith.subf %mul3A_6, %round3A : vector<4000x64xf32>
    %mul3A_7 = arith.mulf %sub3A, %sub3A : vector<4000x64xf32>
    %mul3A_8 = arith.constant 3.25818086 : f32
    %mul3A_9 = vector.broadcast %mul3A_8 : f32 to vector<4000x64xf32>
    %mul3A_10 = arith.mulf %mul3A_9, %mul3A_7 : vector<4000x64xf32>
    %add3A = arith.constant -14.9139042 : f32
    %add3A_11 = vector.broadcast %add3A : f32 to vector<4000x64xf32>
    %add3A_12 = arith.addf %mul3A_10, %add3A_11 : vector<4000x64xf32>
    %mul3A_13 = arith.mulf %add3A_12, %mul3A_7 : vector<4000x64xf32>
    %add3A_14 = arith.constant 4.202960e+01 : f32
    %add3A_15 = vector.broadcast %add3A_14 : f32 to vector<4000x64xf32>
    %add3A_16 = arith.addf %mul3A_13, %add3A_15 : vector<4000x64xf32>
    %mul3A_17 = arith.mulf %add3A_16, %mul3A_7 : vector<4000x64xf32>
    %add3A_18 = arith.constant -76.7034531 : f32
    %add3A_19 = vector.broadcast %add3A_18 : f32 to vector<4000x64xf32>
    %add3A_20 = arith.addf %mul3A_17, %add3A_19 : vector<4000x64xf32>
    %mul3A_21 = arith.mulf %add3A_20, %mul3A_7 : vector<4000x64xf32>
    %add3A_22 = arith.constant 81.6051559 : f32
    %add3A_23 = vector.broadcast %add3A_22 : f32 to vector<4000x64xf32>
    %add3A_24 = arith.addf %mul3A_21, %add3A_23 : vector<4000x64xf32>
    %mul3A_25 = arith.mulf %add3A_24, %mul3A_7 : vector<4000x64xf32>
    %add3A_26 = arith.constant -4.134170e+01 : f32
    %add3A_27 = vector.broadcast %add3A_26 : f32 to vector<4000x64xf32>
    %add3A_28 = arith.addf %mul3A_25, %add3A_27 : vector<4000x64xf32>
    %mul3A_29 = arith.mulf %add3A_28, %mul3A_7 : vector<4000x64xf32>
    %add3A_30 = arith.constant 6.28318548 : f32
    %add3A_31 = vector.broadcast %add3A_30 : f32 to vector<4000x64xf32>
    %add3A_32 = arith.addf %mul3A_29, %add3A_31 : vector<4000x64xf32>
    %mul3A_33 = arith.mulf %sub3A, %add3A_32 : vector<4000x64xf32>
    %mul3A_34 = arith.constant -1.46094704 : f32
    %mul3A_35 = vector.broadcast %mul3A_34 : f32 to vector<4000x64xf32>
    %mul3A_36 = arith.mulf %mul3A_35, %mul3A_7 : vector<4000x64xf32>
    %add3A_37 = arith.constant 7.80660772 : f32
    %add3A_38 = vector.broadcast %add3A_37 : f32 to vector<4000x64xf32>
    %add3A_39 = arith.addf %mul3A_36, %add3A_38 : vector<4000x64xf32>
    %mul3A_40 = arith.mulf %add3A_39, %mul3A_7 : vector<4000x64xf32>
    %add3A_41 = arith.constant -26.4067612 : f32
    %add3A_42 = vector.broadcast %add3A_41 : f32 to vector<4000x64xf32>
    %add3A_43 = arith.addf %mul3A_40, %add3A_42 : vector<4000x64xf32>
    %mul3A_44 = arith.mulf %add3A_43, %mul3A_7 : vector<4000x64xf32>
    %add3A_45 = arith.constant 60.242466 : f32
    %add3A_46 = vector.broadcast %add3A_45 : f32 to vector<4000x64xf32>
    %add3A_47 = arith.addf %mul3A_44, %add3A_46 : vector<4000x64xf32>
    %mul3A_48 = arith.mulf %add3A_47, %mul3A_7 : vector<4000x64xf32>
    %add3A_49 = arith.constant -85.4566879 : f32
    %add3A_50 = vector.broadcast %add3A_49 : f32 to vector<4000x64xf32>
    %add3A_51 = arith.addf %mul3A_48, %add3A_50 : vector<4000x64xf32>
    %mul3A_52 = arith.mulf %add3A_51, %mul3A_7 : vector<4000x64xf32>
    %add3A_53 = arith.constant 64.9393921 : f32
    %add3A_54 = vector.broadcast %add3A_53 : f32 to vector<4000x64xf32>
    %add3A_55 = arith.addf %mul3A_52, %add3A_54 : vector<4000x64xf32>
    %mul3A_56 = arith.mulf %add3A_55, %mul3A_7 : vector<4000x64xf32>
    %add3A_57 = arith.constant -19.7392082 : f32
    %add3A_58 = vector.broadcast %add3A_57 : f32 to vector<4000x64xf32>
    %add3A_59 = arith.addf %mul3A_56, %add3A_58 : vector<4000x64xf32>
    %mul3A_60 = arith.mulf %add3A_59, %mul3A_7 : vector<4000x64xf32>
    %add3A_61 = arith.constant 1.000000e+00 : f32
    %add3A_62 = vector.broadcast %add3A_61 : f32 to vector<4000x64xf32>
    %add3A_63 = arith.addf %mul3A_60, %add3A_62 : vector<4000x64xf32>
    %get3A_64 = arith.constant 0 : index
    %get3A_65 = arith.constant 0 : index
    %get3A_66 = vector.load %arg4[%get3A_64, %get3A_65] : memref<64x128xf32, #tpu.memory_space<vmem>>, vector<64x128xf32>
    %dot_general3A = arith.constant dense<0.000000e+00> : vector<4000x128xf32>
    %dot_general3A_67 = tpu.matmul %mul3A_33, %get3A_66, %dot_general3A {dimension_numbers = #tpu.dot_dimension_numbers<[1], [0], [0], [1], [0, 0, 1, 1], [], []>, transpose_lhs_hint = false} : vector<4000x64xf32>, vector<64x128xf32>, vector<4000x128xf32> -> vector<4000x128xf32>
    %get3A_68 = arith.constant 0 : index
    %get3A_69 = arith.constant 0 : index
    %get3A_70 = vector.load %arg5[%get3A_68, %get3A_69] : memref<64x128xf32, #tpu.memory_space<vmem>>, vector<64x128xf32>
    %dot_general3A_71 = arith.constant dense<0.000000e+00> : vector<4000x128xf32>
    %dot_general3A_72 = tpu.matmul %add3A_63, %get3A_70, %dot_general3A_71 {dimension_numbers = #tpu.dot_dimension_numbers<[1], [0], [0], [1], [0, 0, 1, 1], [], []>, transpose_lhs_hint = false} : vector<4000x64xf32>, vector<64x128xf32>, vector<4000x128xf32> -> vector<4000x128xf32>
    %get3A_73 = arith.constant 0 : index
    %get3A_74 = arith.constant 0 : index
    %get3A_75 = vector.load %arg2[%get3A_73, %get3A_74] : memref<4000x128xf32, #tpu.memory_space<vmem>>, vector<4000x128xf32>
    %add3A_76 = arith.addf %get3A_75, %dot_general3A_67 : vector<4000x128xf32>
    %add3A_77 = arith.addf %add3A_76, %dot_general3A_72 : vector<4000x128xf32>
    %tanh3A = math.tanh %add3A_77 : vector<4000x128xf32>
    %get3A_78 = arith.constant 0 : index
    %get3A_79 = arith.constant 0 : index
    %get3A_80 = vector.load %arg6[%get3A_78, %get3A_79] : memref<1x128xf32, #tpu.memory_space<vmem>>, vector<1x128xf32>
    %abs3A = math.absf %get3A_80 : vector<1x128xf32>
    %reduce_sum3A = vector.shape_cast %abs3A : vector<1x128xf32> to vector<1x1x128xf32>
    %reduce_sum3A_81 = arith.constant dense<0.000000e+00> : vector<1xf32>
    %reduce_sum3A_82 = vector.multi_reduction <add>, %reduce_sum3A, %reduce_sum3A_81 [1, 2] : vector<1x1x128xf32> to vector<1xf32>
    %reduce_sum3A_83 = vector.shape_cast %reduce_sum3A_82 : vector<1xf32> to vector<1x1x1xf32>
    %reduce_sum3A_84 = vector.extract %reduce_sum3A_83[0, 0, 0] : f32 from vector<1x1x1xf32>
    %mul3A_85 = vector.broadcast %get3A_80 : vector<1x128xf32> to vector<4000x128xf32>
    %mul3A_86 = arith.mulf %tanh3A, %mul3A_85 : vector<4000x128xf32>
    %reduce_sum3A_87 = arith.constant dense<0.000000e+00> : vector<4000xf32>
    %reduce_sum3A_88 = vector.multi_reduction <add>, %mul3A_86, %reduce_sum3A_87 [1] : vector<4000x128xf32> to vector<4000xf32>
    %broadcast_in_dim3A = vector.shape_cast %reduce_sum3A_88 : vector<4000xf32> to vector<4000x1xf32>
    %sub3A_89 = vector.broadcast %reduce_sum3A_84 : f32 to vector<4000x1xf32>
    %sub3A_90 = arith.subf %broadcast_in_dim3A, %sub3A_89 : vector<4000x1xf32>
    %exp3A = math.exp %sub3A_90 : vector<4000x1xf32>
    %mul3A_91 = vector.broadcast %exp3A : vector<4000x1xf32> to vector<4000x128xf32>
    %mul3A_92 = arith.mulf %tanh3A, %mul3A_91 : vector<4000x128xf32>
    %swap3A = arith.constant 0 : index
    %swap3A_93 = arith.constant 0 : index
    %swap3A_94 = vector.load %arg7[%swap3A, %swap3A_93] : memref<4000x128xf32, #tpu.memory_space<vmem>>, vector<4000x128xf32>
    tpu.vector_store %arg7[%swap3A, %swap3A_93], %mul3A_92 {strides = array<i32>} : memref<4000x128xf32, #tpu.memory_space<vmem>>, vector<4000x128xf32>,
    %swap3A_95 = arith.constant 0 : index
    %swap3A_96 = arith.constant 0 : index
    %swap3A_97 = vector.load %arg8[%swap3A_95, %swap3A_96] : memref<4000x1xf32, #tpu.memory_space<vmem>>, vector<4000x1xf32>
    tpu.vector_store %arg8[%swap3A_95, %swap3A_96], %exp3A {strides = array<i32>} : memref<4000x1xf32, #tpu.memory_space<vmem>>, vector<4000x1xf32>,
    return
  }
  func.func @transform_0(%arg0: i32) -> (i32, i32) {
    %add3A = arith.constant 0 : i32
    %add3A_0 = arith.addi %arg0, %add3A : i32
    %c0_i32 = arith.constant 0 : i32
    %c0_i32_1 = arith.constant 0 : i32
    return %add3A_0, %c0_i32 : i32, i32
  }
  func.func @transform_1(%arg0: i32) -> (i32, i32) {
    %c0_i32 = arith.constant 0 : i32
    %c0_i32_0 = arith.constant 0 : i32
    return %arg0, %c0_i32 : i32, i32
  }
  func.func @transform_2(%arg0: i32) -> (i32, i32) {
    %c0_i32 = arith.constant 0 : i32
    %c0_i32_0 = arith.constant 0 : i32
    %c0_i32_1 = arith.constant 0 : i32
    return %c0_i32, %c0_i32_0 : i32, i32
  }
  func.func @transform_3(%arg0: i32) -> (i32, i32) {
    %c0_i32 = arith.constant 0 : i32
    %c0_i32_0 = arith.constant 0 : i32
    %c0_i32_1 = arith.constant 0 : i32
    return %c0_i32, %c0_i32_0 : i32, i32
  }
  func.func @transform_4(%arg0: i32) -> (i32, i32) {
    %c0_i32 = arith.constant 0 : i32
    %c0_i32_0 = arith.constant 0 : i32
    %c0_i32_1 = arith.constant 0 : i32
    return %c0_i32, %c0_i32_0 : i32, i32
  }
  func.func @transform_5(%arg0: i32) -> (i32, i32) {
    %c0_i32 = arith.constant 0 : i32
    %c0_i32_0 = arith.constant 0 : i32
    %c0_i32_1 = arith.constant 0 : i32
    return %c0_i32, %c0_i32_0 : i32, i32
  }
  func.func @transform_6(%arg0: i32) -> (i32, i32) {
    %c0_i32 = arith.constant 0 : i32
    %c0_i32_0 = arith.constant 0 : i32
    return %arg0, %c0_i32 : i32, i32
  }
  func.func @transform_7(%arg0: i32) -> (i32, i32) {
    %c0_i32 = arith.constant 0 : i32
    %c0_i32_0 = arith.constant 0 : i32
    return %arg0, %c0_i32 : i32, i32
  }
}

module attributes {stable_mosaic.version = 14 : i64} {
  func.func @_edge_body(%arg0: i32, %arg1: memref<4000x1xf32, #tpu.memory_space<vmem>>, %arg2: memref<4000x128xf32, #tpu.memory_space<vmem>>, %arg3: memref<1x64xf32, #tpu.memory_space<vmem>>, %arg4: memref<64x128xf32, #tpu.memory_space<vmem>>, %arg5: memref<64x128xf32, #tpu.memory_space<vmem>>, %arg6: memref<1x128xf32, #tpu.memory_space<vmem>>, %arg7: memref<4000x128xf32, #tpu.memory_space<vmem>>, %arg8: memref<4000x1xf32, #tpu.memory_space<vmem>>) attributes {dimension_semantics = [#tpu.dimension_semantics<arbitrary>], iteration_bounds = array<i64: 40>, scalar_prefetch = 0 : i64, scratch_operands = 0 : i64, tpu.core_type = #tpu.core_type<tc>, window_params = [{transform_indices = @transform_0, window_bounds = array<i64: 4000, 1>}, {transform_indices = @transform_1, window_bounds = array<i64: 4000, 128>}, {pipeline_mode = #tpu.pipeline_mode<synchronous>, transform_indices = @transform_2, window_bounds = array<i64: 1, 64>}, {pipeline_mode = #tpu.pipeline_mode<synchronous>, transform_indices = @transform_3, window_bounds = array<i64: 64, 128>}, {pipeline_mode = #tpu.pipeline_mode<synchronous>, transform_indices = @transform_4, window_bounds = array<i64: 64, 128>}, {pipeline_mode = #tpu.pipeline_mode<synchronous>, transform_indices = @transform_5, window_bounds = array<i64: 1, 128>}, {transform_indices = @transform_6, window_bounds = array<i64: 4000, 128>}, {transform_indices = @transform_7, window_bounds = array<i64: 4000, 1>}]} {
    %get3A = arith.constant 0 : index
    %get3A_0 = arith.constant 0 : index
    %get3A_1 = vector.load %arg1[%get3A, %get3A_0] : memref<4000x1xf32, #tpu.memory_space<vmem>>, vector<4000x1xf32>
    %get3A_2 = arith.constant 0 : index
    %get3A_3 = arith.constant 0 : index
    %get3A_4 = vector.load %arg3[%get3A_2, %get3A_3] : memref<1x64xf32, #tpu.memory_space<vmem>>, vector<1x64xf32>
    %mul3A = vector.broadcast %get3A_1 : vector<4000x1xf32> to vector<4000x64xf32>
    %mul3A_5 = vector.broadcast %get3A_4 : vector<1x64xf32> to vector<4000x64xf32>
    %mul3A_6 = arith.mulf %mul3A, %mul3A_5 : vector<4000x64xf32>
    %round3A = math.roundeven %mul3A_6 : vector<4000x64xf32>
    %sub3A = arith.subf %mul3A_6, %round3A : vector<4000x64xf32>
    %mul3A_7 = arith.mulf %sub3A, %sub3A : vector<4000x64xf32>
    %mul3A_8 = arith.constant 3.25818086 : f32
    %mul3A_9 = vector.broadcast %mul3A_8 : f32 to vector<4000x64xf32>
    %mul3A_10 = arith.mulf %mul3A_9, %mul3A_7 : vector<4000x64xf32>
    %add3A = arith.constant -14.9139042 : f32
    %add3A_11 = vector.broadcast %add3A : f32 to vector<4000x64xf32>
    %add3A_12 = arith.addf %mul3A_10, %add3A_11 : vector<4000x64xf32>
    %mul3A_13 = arith.mulf %add3A_12, %mul3A_7 : vector<4000x64xf32>
    %add3A_14 = arith.constant 4.202960e+01 : f32
    %add3A_15 = vector.broadcast %add3A_14 : f32 to vector<4000x64xf32>
    %add3A_16 = arith.addf %mul3A_13, %add3A_15 : vector<4000x64xf32>
    %mul3A_17 = arith.mulf %add3A_16, %mul3A_7 : vector<4000x64xf32>
    %add3A_18 = arith.constant -76.7034531 : f32
    %add3A_19 = vector.broadcast %add3A_18 : f32 to vector<4000x64xf32>
    %add3A_20 = arith.addf %mul3A_17, %add3A_19 : vector<4000x64xf32>
    %mul3A_21 = arith.mulf %add3A_20, %mul3A_7 : vector<4000x64xf32>
    %add3A_22 = arith.constant 81.6051559 : f32
    %add3A_23 = vector.broadcast %add3A_22 : f32 to vector<4000x64xf32>
    %add3A_24 = arith.addf %mul3A_21, %add3A_23 : vector<4000x64xf32>
    %mul3A_25 = arith.mulf %add3A_24, %mul3A_7 : vector<4000x64xf32>
    %add3A_26 = arith.constant -4.134170e+01 : f32
    %add3A_27 = vector.broadcast %add3A_26 : f32 to vector<4000x64xf32>
    %add3A_28 = arith.addf %mul3A_25, %add3A_27 : vector<4000x64xf32>
    %mul3A_29 = arith.mulf %add3A_28, %mul3A_7 : vector<4000x64xf32>
    %add3A_30 = arith.constant 6.28318548 : f32
    %add3A_31 = vector.broadcast %add3A_30 : f32 to vector<4000x64xf32>
    %add3A_32 = arith.addf %mul3A_29, %add3A_31 : vector<4000x64xf32>
    %mul3A_33 = arith.mulf %sub3A, %add3A_32 : vector<4000x64xf32>
    %mul3A_34 = arith.constant -1.46094704 : f32
    %mul3A_35 = vector.broadcast %mul3A_34 : f32 to vector<4000x64xf32>
    %mul3A_36 = arith.mulf %mul3A_35, %mul3A_7 : vector<4000x64xf32>
    %add3A_37 = arith.constant 7.80660772 : f32
    %add3A_38 = vector.broadcast %add3A_37 : f32 to vector<4000x64xf32>
    %add3A_39 = arith.addf %mul3A_36, %add3A_38 : vector<4000x64xf32>
    %mul3A_40 = arith.mulf %add3A_39, %mul3A_7 : vector<4000x64xf32>
    %add3A_41 = arith.constant -26.4067612 : f32
    %add3A_42 = vector.broadcast %add3A_41 : f32 to vector<4000x64xf32>
    %add3A_43 = arith.addf %mul3A_40, %add3A_42 : vector<4000x64xf32>
    %mul3A_44 = arith.mulf %add3A_43, %mul3A_7 : vector<4000x64xf32>
    %add3A_45 = arith.constant 60.242466 : f32
    %add3A_46 = vector.broadcast %add3A_45 : f32 to vector<4000x64xf32>
    %add3A_47 = arith.addf %mul3A_44, %add3A_46 : vector<4000x64xf32>
    %mul3A_48 = arith.mulf %add3A_47, %mul3A_7 : vector<4000x64xf32>
    %add3A_49 = arith.constant -85.4566879 : f32
    %add3A_50 = vector.broadcast %add3A_49 : f32 to vector<4000x64xf32>
    %add3A_51 = arith.addf %mul3A_48, %add3A_50 : vector<4000x64xf32>
    %mul3A_52 = arith.mulf %add3A_51, %mul3A_7 : vector<4000x64xf32>
    %add3A_53 = arith.constant 64.9393921 : f32
    %add3A_54 = vector.broadcast %add3A_53 : f32 to vector<4000x64xf32>
    %add3A_55 = arith.addf %mul3A_52, %add3A_54 : vector<4000x64xf32>
    %mul3A_56 = arith.mulf %add3A_55, %mul3A_7 : vector<4000x64xf32>
    %add3A_57 = arith.constant -19.7392082 : f32
    %add3A_58 = vector.broadcast %add3A_57 : f32 to vector<4000x64xf32>
    %add3A_59 = arith.addf %mul3A_56, %add3A_58 : vector<4000x64xf32>
    %mul3A_60 = arith.mulf %add3A_59, %mul3A_7 : vector<4000x64xf32>
    %add3A_61 = arith.constant 1.000000e+00 : f32
    %add3A_62 = vector.broadcast %add3A_61 : f32 to vector<4000x64xf32>
    %add3A_63 = arith.addf %mul3A_60, %add3A_62 : vector<4000x64xf32>
    %get3A_64 = arith.constant 0 : index
    %get3A_65 = arith.constant 0 : index
    %get3A_66 = vector.load %arg4[%get3A_64, %get3A_65] : memref<64x128xf32, #tpu.memory_space<vmem>>, vector<64x128xf32>
    %dot_general3A = arith.constant dense<0.000000e+00> : vector<4000x128xf32>
    %dot_general3A_67 = tpu.matmul %mul3A_33, %get3A_66, %dot_general3A {dimension_numbers = #tpu.dot_dimension_numbers<[1], [0], [0], [1], [0, 0, 1, 1], [], []>, transpose_lhs_hint = false} : vector<4000x64xf32>, vector<64x128xf32>, vector<4000x128xf32> -> vector<4000x128xf32>
    %get3A_68 = arith.constant 0 : index
    %get3A_69 = arith.constant 0 : index
    %get3A_70 = vector.load %arg5[%get3A_68, %get3A_69] : memref<64x128xf32, #tpu.memory_space<vmem>>, vector<64x128xf32>
    %dot_general3A_71 = arith.constant dense<0.000000e+00> : vector<4000x128xf32>
    %dot_general3A_72 = tpu.matmul %add3A_63, %get3A_70, %dot_general3A_71 {dimension_numbers = #tpu.dot_dimension_numbers<[1], [0], [0], [1], [0, 0, 1, 1], [], []>, transpose_lhs_hint = false} : vector<4000x64xf32>, vector<64x128xf32>, vector<4000x128xf32> -> vector<4000x128xf32>
    %get3A_73 = arith.constant 0 : index
    %get3A_74 = arith.constant 0 : index
    %get3A_75 = vector.load %arg2[%get3A_73, %get3A_74] : memref<4000x128xf32, #tpu.memory_space<vmem>>, vector<4000x128xf32>
    %add3A_76 = arith.addf %get3A_75, %dot_general3A_67 : vector<4000x128xf32>
    %add3A_77 = arith.addf %add3A_76, %dot_general3A_72 : vector<4000x128xf32>
    %tanh3A = math.tanh %add3A_77 : vector<4000x128xf32>
    %get3A_78 = arith.constant 0 : index
    %get3A_79 = arith.constant 0 : index
    %get3A_80 = vector.load %arg6[%get3A_78, %get3A_79] : memref<1x128xf32, #tpu.memory_space<vmem>>, vector<1x128xf32>
    %abs3A = math.absf %get3A_80 : vector<1x128xf32>
    %reduce_sum3A = vector.shape_cast %abs3A : vector<1x128xf32> to vector<1x1x128xf32>
    %reduce_sum3A_81 = arith.constant dense<0.000000e+00> : vector<1xf32>
    %reduce_sum3A_82 = vector.multi_reduction <add>, %reduce_sum3A, %reduce_sum3A_81 [1, 2] : vector<1x1x128xf32> to vector<1xf32>
    %reduce_sum3A_83 = vector.shape_cast %reduce_sum3A_82 : vector<1xf32> to vector<1x1x1xf32>
    %reduce_sum3A_84 = vector.extract %reduce_sum3A_83[0, 0, 0] : f32 from vector<1x1x1xf32>
    %mul3A_85 = vector.broadcast %get3A_80 : vector<1x128xf32> to vector<4000x128xf32>
    %mul3A_86 = arith.mulf %tanh3A, %mul3A_85 : vector<4000x128xf32>
    %reduce_sum3A_87 = arith.constant dense<0.000000e+00> : vector<4000xf32>
    %reduce_sum3A_88 = vector.multi_reduction <add>, %mul3A_86, %reduce_sum3A_87 [1] : vector<4000x128xf32> to vector<4000xf32>
    %broadcast_in_dim3A = vector.shape_cast %reduce_sum3A_88 : vector<4000xf32> to vector<4000x1xf32>
    %sub3A_89 = vector.broadcast %reduce_sum3A_84 : f32 to vector<4000x1xf32>
    %sub3A_90 = arith.subf %broadcast_in_dim3A, %sub3A_89 : vector<4000x1xf32>
    %exp3A = math.exp %sub3A_90 : vector<4000x1xf32>
    %mul3A_91 = vector.broadcast %exp3A : vector<4000x1xf32> to vector<4000x128xf32>
    %mul3A_92 = arith.mulf %tanh3A, %mul3A_91 : vector<4000x128xf32>
    %swap3A = arith.constant 0 : index
    %swap3A_93 = arith.constant 0 : index
    %swap3A_94 = vector.load %arg7[%swap3A, %swap3A_93] : memref<4000x128xf32, #tpu.memory_space<vmem>>, vector<4000x128xf32>
    tpu.vector_store %arg7[%swap3A, %swap3A_93], %mul3A_92 {strides = array<i32>} : memref<4000x128xf32, #tpu.memory_space<vmem>>, vector<4000x128xf32>,
    %swap3A_95 = arith.constant 0 : index
    %swap3A_96 = arith.constant 0 : index
    %swap3A_97 = vector.load %arg8[%swap3A_95, %swap3A_96] : memref<4000x1xf32, #tpu.memory_space<vmem>>, vector<4000x1xf32>
    tpu.vector_store %arg8[%swap3A_95, %swap3A_96], %exp3A {strides = array<i32>} : memref<4000x1xf32, #tpu.memory_space<vmem>>, vector<4000x1xf32>,
    return
  }
  func.func @transform_0(%arg0: i32) -> (i32, i32) {
    %add3A = arith.constant 40 : i32
    %add3A_0 = arith.addi %arg0, %add3A : i32
    %c0_i32 = arith.constant 0 : i32
    %c0_i32_1 = arith.constant 0 : i32
    return %add3A_0, %c0_i32 : i32, i32
  }
  func.func @transform_1(%arg0: i32) -> (i32, i32) {
    %c0_i32 = arith.constant 0 : i32
    %c0_i32_0 = arith.constant 0 : i32
    return %arg0, %c0_i32 : i32, i32
  }
  func.func @transform_2(%arg0: i32) -> (i32, i32) {
    %c0_i32 = arith.constant 0 : i32
    %c0_i32_0 = arith.constant 0 : i32
    %c0_i32_1 = arith.constant 0 : i32
    return %c0_i32, %c0_i32_0 : i32, i32
  }
  func.func @transform_3(%arg0: i32) -> (i32, i32) {
    %c0_i32 = arith.constant 0 : i32
    %c0_i32_0 = arith.constant 0 : i32
    %c0_i32_1 = arith.constant 0 : i32
    return %c0_i32, %c0_i32_0 : i32, i32
  }
  func.func @transform_4(%arg0: i32) -> (i32, i32) {
    %c0_i32 = arith.constant 0 : i32
    %c0_i32_0 = arith.constant 0 : i32
    %c0_i32_1 = arith.constant 0 : i32
    return %c0_i32, %c0_i32_0 : i32, i32
  }
  func.func @transform_5(%arg0: i32) -> (i32, i32) {
    %c0_i32 = arith.constant 0 : i32
    %c0_i32_0 = arith.constant 0 : i32
    %c0_i32_1 = arith.constant 0 : i32
    return %c0_i32, %c0_i32_0 : i32, i32
  }
  func.func @transform_6(%arg0: i32) -> (i32, i32) {
    %c0_i32 = arith.constant 0 : i32
    %c0_i32_0 = arith.constant 0 : i32
    return %arg0, %c0_i32 : i32, i32
  }
  func.func @transform_7(%arg0: i32) -> (i32, i32) {
    %c0_i32 = arith.constant 0 : i32
    %c0_i32_0 = arith.constant 0 : i32
    return %arg0, %c0_i32 : i32, i32
  }
}

module attributes {stable_mosaic.version = 14 : i64} {
  func.func @_fin_body(%arg0: i32, %arg1: memref<1x640x128xf32, #tpu.memory_space<vmem>>, %arg2: memref<1x640x128xf32, #tpu.memory_space<vmem>>, %arg3: memref<640x32xf32, #tpu.memory_space<vmem>>, %arg4: memref<640x32xf32, #tpu.memory_space<vmem>>, %arg5: memref<640x128xf32, #tpu.memory_space<vmem>>) attributes {dimension_semantics = [#tpu.dimension_semantics<arbitrary>], iteration_bounds = array<i64: 16>, scalar_prefetch = 0 : i64, scratch_operands = 0 : i64, tpu.core_type = #tpu.core_type<tc>, window_params = [{transform_indices = @transform_0, window_bounds = array<i64: 1, 640, 128>}, {transform_indices = @transform_1, window_bounds = array<i64: 1, 640, 128>}, {transform_indices = @transform_2, window_bounds = array<i64: 640, 32>}, {transform_indices = @transform_3, window_bounds = array<i64: 640, 32>}, {transform_indices = @transform_4, window_bounds = array<i64: 640, 128>}]} {
    %get3A = arith.constant 0 : index
    %get3A_0 = arith.constant 0 : index
    %get3A_1 = arith.constant 0 : index
    %get3A_2 = vector.load %arg1[%get3A, %get3A_0, %get3A_1] : memref<1x640x128xf32, #tpu.memory_space<vmem>>, vector<1x640x128xf32>
    %get3A_3 = vector.shape_cast %get3A_2 : vector<1x640x128xf32> to vector<640x128xf32>
    %get3A_4 = arith.constant 0 : index
    %get3A_5 = arith.constant 0 : index
    %get3A_6 = arith.constant 0 : index
    %get3A_7 = vector.load %arg2[%get3A_4, %get3A_5, %get3A_6] : memref<1x640x128xf32, #tpu.memory_space<vmem>>, vector<1x640x128xf32>
    %get3A_8 = vector.shape_cast %get3A_7 : vector<1x640x128xf32> to vector<640x128xf32>
    %add3A = arith.addf %get3A_3, %get3A_8 : vector<640x128xf32>
    %get3A_9 = arith.constant 0 : index
    %get3A_10 = arith.constant 0 : index
    %get3A_11 = vector.load %arg3[%get3A_9, %get3A_10] : memref<640x32xf32, #tpu.memory_space<vmem>>, vector<640x32xf32>
    %reduce_sum3A = arith.constant dense<0.000000e+00> : vector<640xf32>
    %reduce_sum3A_12 = vector.multi_reduction <add>, %get3A_11, %reduce_sum3A [1] : vector<640x32xf32> to vector<640xf32>
    %broadcast_in_dim3A = vector.shape_cast %reduce_sum3A_12 : vector<640xf32> to vector<640x1xf32>
    %get3A_13 = arith.constant 0 : index
    %get3A_14 = arith.constant 0 : index
    %get3A_15 = vector.load %arg4[%get3A_13, %get3A_14] : memref<640x32xf32, #tpu.memory_space<vmem>>, vector<640x32xf32>
    %reduce_sum3A_16 = arith.constant dense<0.000000e+00> : vector<640xf32>
    %reduce_sum3A_17 = vector.multi_reduction <add>, %get3A_15, %reduce_sum3A_16 [1] : vector<640x32xf32> to vector<640xf32>
    %broadcast_in_dim3A_18 = vector.shape_cast %reduce_sum3A_17 : vector<640xf32> to vector<640x1xf32>
    %add3A_19 = arith.addf %broadcast_in_dim3A, %broadcast_in_dim3A_18 : vector<640x1xf32>
    %gt3A = arith.constant 0.000000e+00 : f32
    %gt3A_20 = vector.broadcast %gt3A : f32 to vector<640x1xf32>
    %gt3A_21 = arith.cmpf ogt, %add3A_19, %gt3A_20 : vector<640x1xf32>
    %div3A = vector.broadcast %add3A_19 : vector<640x1xf32> to vector<640x128xf32>
    %div3A_22 = arith.divf %add3A, %div3A : vector<640x128xf32>
    %jit3A = arith.constant 0.000000e+00 : f32
    %broadcast_in_dim3A_23 = vector.shape_cast %gt3A_21 : vector<640x1xi1> to vector<640x1xi1>
    %broadcast_in_dim3A_24 = vector.broadcast %broadcast_in_dim3A_23 : vector<640x1xi1> to vector<640x128xi1>
    %broadcast_in_dim3A_25 = vector.broadcast %jit3A : f32 to vector<640x128xf32>
    %select_n3A = arith.select %broadcast_in_dim3A_24, %div3A_22, %broadcast_in_dim3A_25 : vector<640x128xi1>, vector<640x128xf32>
    %swap3A = arith.constant 0 : index
    %swap3A_26 = arith.constant 0 : index
    %swap3A_27 = vector.load %arg5[%swap3A, %swap3A_26] : memref<640x128xf32, #tpu.memory_space<vmem>>, vector<640x128xf32>
    tpu.vector_store %arg5[%swap3A, %swap3A_26], %select_n3A {strides = array<i32>} : memref<640x128xf32, #tpu.memory_space<vmem>>, vector<640x128xf32>,
    return
  }
  func.func @transform_0(%arg0: i32) -> (i32, i32, i32) {
    %jit3A = arith.constant 8 : i32
    %div3A = arith.divsi %arg0, %jit3A : i32
    %sign3A = arith.constant 0 : i32
    %sign3A_0 = arith.cmpi sgt, %arg0, %sign3A : i32
    %sign3A_1 = arith.extui %sign3A_0 : i1 to i32
    %sign3A_2 = arith.constant 0 : i32
    %sign3A_3 = arith.cmpi slt, %arg0, %sign3A_2 : i32
    %sign3A_4 = arith.extui %sign3A_3 : i1 to i32
    %sign3A_5 = arith.subi %sign3A_1, %sign3A_4 : i32
    %sign3A_6 = arith.constant 0 : i32
    %sign3A_7 = arith.cmpi sgt, %jit3A, %sign3A_6 : i32
    %sign3A_8 = arith.extui %sign3A_7 : i1 to i32
    %sign3A_9 = arith.constant 0 : i32
    %sign3A_10 = arith.cmpi slt, %jit3A, %sign3A_9 : i32
    %sign3A_11 = arith.extui %sign3A_10 : i1 to i32
    %sign3A_12 = arith.subi %sign3A_8, %sign3A_11 : i32
    %ne3A = arith.cmpi ne, %sign3A_5, %sign3A_12 : i32
    %rem3A = arith.remsi %arg0, %jit3A : i32
    %ne3A_13 = arith.constant 0 : i32
    %ne3A_14 = arith.cmpi ne, %rem3A, %ne3A_13 : i32
    %and3A = arith.andi %ne3A, %ne3A_14 : i1
    %sub3A = arith.constant 1 : i32
    %sub3A_15 = arith.subi %div3A, %sub3A : i32
    %select_n3A = arith.select %and3A, %sub3A_15, %div3A : i32
    %jit3A_16 = arith.constant 8 : i32
    %eq3A = arith.constant 0 : i32
    %eq3A_17 = arith.cmpi eq, %jit3A_16, %eq3A : i32
    %jit3A_18 = arith.constant 1 : i32
    %select_n3A_19 = arith.select %eq3A_17, %jit3A_18, %jit3A_16 : i32
    %rem3A_20 = arith.remsi %arg0, %select_n3A_19 : i32
    %ne3A_21 = arith.constant 0 : i32
    %ne3A_22 = arith.cmpi ne, %rem3A_20, %ne3A_21 : i32
    %lt3A = arith.constant 0 : i32
    %lt3A_23 = arith.cmpi slt, %rem3A_20, %lt3A : i32
    %lt3A_24 = arith.constant 0 : i32
    %lt3A_25 = arith.cmpi slt, %select_n3A_19, %lt3A_24 : i32
    %ne3A_26 = arith.xori %lt3A_23, %lt3A_25 : i1
    %and3A_27 = arith.andi %ne3A_26, %ne3A_22 : i1
    %add3A = arith.addi %rem3A_20, %select_n3A_19 : i32
    %select_n3A_28 = arith.select %and3A_27, %add3A, %rem3A_20 : i32
    %c0_i32 = arith.constant 0 : i32
    %c0_i32_29 = arith.constant 0 : i32
    return %select_n3A, %select_n3A_28, %c0_i32 : i32, i32, i32
  }
  func.func @transform_1(%arg0: i32) -> (i32, i32, i32) {
    %jit3A = arith.constant 8 : i32
    %div3A = arith.divsi %arg0, %jit3A : i32
    %sign3A = arith.constant 0 : i32
    %sign3A_0 = arith.cmpi sgt, %arg0, %sign3A : i32
    %sign3A_1 = arith.extui %sign3A_0 : i1 to i32
    %sign3A_2 = arith.constant 0 : i32
    %sign3A_3 = arith.cmpi slt, %arg0, %sign3A_2 : i32
    %sign3A_4 = arith.extui %sign3A_3 : i1 to i32
    %sign3A_5 = arith.subi %sign3A_1, %sign3A_4 : i32
    %sign3A_6 = arith.constant 0 : i32
    %sign3A_7 = arith.cmpi sgt, %jit3A, %sign3A_6 : i32
    %sign3A_8 = arith.extui %sign3A_7 : i1 to i32
    %sign3A_9 = arith.constant 0 : i32
    %sign3A_10 = arith.cmpi slt, %jit3A, %sign3A_9 : i32
    %sign3A_11 = arith.extui %sign3A_10 : i1 to i32
    %sign3A_12 = arith.subi %sign3A_8, %sign3A_11 : i32
    %ne3A = arith.cmpi ne, %sign3A_5, %sign3A_12 : i32
    %rem3A = arith.remsi %arg0, %jit3A : i32
    %ne3A_13 = arith.constant 0 : i32
    %ne3A_14 = arith.cmpi ne, %rem3A, %ne3A_13 : i32
    %and3A = arith.andi %ne3A, %ne3A_14 : i1
    %sub3A = arith.constant 1 : i32
    %sub3A_15 = arith.subi %div3A, %sub3A : i32
    %select_n3A = arith.select %and3A, %sub3A_15, %div3A : i32
    %jit3A_16 = arith.constant 8 : i32
    %eq3A = arith.constant 0 : i32
    %eq3A_17 = arith.cmpi eq, %jit3A_16, %eq3A : i32
    %jit3A_18 = arith.constant 1 : i32
    %select_n3A_19 = arith.select %eq3A_17, %jit3A_18, %jit3A_16 : i32
    %rem3A_20 = arith.remsi %arg0, %select_n3A_19 : i32
    %ne3A_21 = arith.constant 0 : i32
    %ne3A_22 = arith.cmpi ne, %rem3A_20, %ne3A_21 : i32
    %lt3A = arith.constant 0 : i32
    %lt3A_23 = arith.cmpi slt, %rem3A_20, %lt3A : i32
    %lt3A_24 = arith.constant 0 : i32
    %lt3A_25 = arith.cmpi slt, %select_n3A_19, %lt3A_24 : i32
    %ne3A_26 = arith.xori %lt3A_23, %lt3A_25 : i1
    %and3A_27 = arith.andi %ne3A_26, %ne3A_22 : i1
    %add3A = arith.addi %rem3A_20, %select_n3A_19 : i32
    %select_n3A_28 = arith.select %and3A_27, %add3A, %rem3A_20 : i32
    %c0_i32 = arith.constant 0 : i32
    %c0_i32_29 = arith.constant 0 : i32
    return %select_n3A, %select_n3A_28, %c0_i32 : i32, i32, i32
  }
  func.func @transform_2(%arg0: i32) -> (i32, i32) {
    %c0_i32 = arith.constant 0 : i32
    %c0_i32_0 = arith.constant 0 : i32
    return %arg0, %c0_i32 : i32, i32
  }
  func.func @transform_3(%arg0: i32) -> (i32, i32) {
    %c0_i32 = arith.constant 0 : i32
    %c0_i32_0 = arith.constant 0 : i32
    return %arg0, %c0_i32 : i32, i32
  }
  func.func @transform_4(%arg0: i32) -> (i32, i32) {
    %c0_i32 = arith.constant 0 : i32
    %c0_i32_0 = arith.constant 0 : i32
    return %arg0, %c0_i32 : i32, i32
  }
}

</mosaic_0001>

<sc_bundles>
// kernel: kernel.10.cloned.1.call-start
scs
__scs_entry_jumppad:
0x0: {  	(pc) =	sbr.rel $0x88, $3  }
0x1: {  	(tag) =	ssettag $0x0;
	lr =	simm.s32 $0x1  }
0x2: {  	[smem:$0x3F9A] =	sst lr;
	_ =	strace $0xD0000000  }
0x3: {  	_ = 	snop  }
0x4: {  	_ = 	snop  }
0x5: {  	_ = 	snop  }
0x6: {  	_ = 	snop  }
0x7: {  	_ = 	snop  }
__scs_overlays_trampoline_lowered:
0x8: {  	[smem:$0x3FA9] =	sst s0  }
0x9: {  	[smem:$0x3FAA] =	sst s1  }
0xa: {  	[smem:$0x3FAB] =	sst s2  }
0xb: {  	[smem:$0x3FAC] =	sst s3  }
0xc: {  	[smem:$0x3FAD] =	sst s4  }
0xd: {  	[smem:$0x3FAE] =	sst s5  }
0xe: {  	[smem:$0x3FAF] =	sst s6  }
0xf: {  	[smem:$0x3FB0] =	sst s7  }
0x10: {  	[smem:$0x3FB1] =	sst s8  }
0x11: {  	[smem:$0x3FB2] =	sst s9;
	s0 =	simm.s32 @!p0 $0x0  }
0x12: {  	s1 =	sld [smem:$0x3F98];
	s0 =	simm.s32 @p0 $0x1  }
0x13: {  	[smem:$0x3FB3] =	sst s0;
	s0 =	simm.s32 @!p1 $0x0  }
0x14: {  	s2 =	sld [smem:$0x3F97];
	s0 =	simm.s32 @p1 $0x1  }
0x15: {  	[smem:$0x3FB4] =	sst s0;
	s0 =	simm.s32 @!p2 $0x0  }
0x16: {  	s3 =	sld [smem:$0x3FDB];
	s0 =	simm.s32 @p2 $0x1  }
0x17: {  	s4 =	simm.s32 $0x1BF5;
	[smem:$0x3FB6] =	sst s0  }
0x18: {  	s0 =	sld [smem:$0x3F99];
	_ =	swait.ge [sflag:s4], $0x0  }
0x19: {  	s7 =	sld [smem:$0x3F9A]  }
0x1a: {  	s8 =	sadd.s32 $0xFFFFE003, lr  }
0x1b: {  	s9 =	sadd.s32 $0xFFFFFEF7, lr;
	s5 =	simm.s32 $0xFFFFFFFF;
	p2 =	slt.u32 s8, $0xFFFFF086  }
0x1c: {  	p1 =	slt.u32 s9, $0xF7A;
	s5 =	simm.s32 @!p2 $0x0  }
0x1d: {  	s5 =	simm.s32 @p1 $0x1;
	p0 =	seq.s32 s7, s2  }
0x1e: {  	s7 =	smul.u32 @!p0 $0xF7A, s2;
	p2 =	seq.s32 @!p0 s5, $0x0  }
0x1f: {  	s9 =	smul.u32 $0xF7A, s1;
	s8 =	simm.s32 @!p0 $0x1BF5;
	p2 =	por !p2, p0  }
0x20: {  	[sflag:s8] =	ssyncset.s32 @!p0 $0xFFFFF086;
	s6 =	sadd.s32 @!p0 s3, s7;
	s7 =	simm.s32 @!p0 $0x108  }
0x21: {  	s3 =	sadd.s32 s3, s9;
	s6 =	sadd.s32 @!p0 $0x88, s6;
	s7 =	simm.s32 @p2 $0x1082  }
0x22: {  	[simem:s7], [sflag:s8] =	dma.local @!p0 [hbm:s6], $0xF7A  }
0x23: {  	s9 =	sor.u32 $0xD0000000, s2;
	s6 =	simm.s32 $0x108;
	_ =	swait.ge @!p0 [sflag:s8], $0x0  }
0x24: {  	s3 =	sadd.s32 $0x88, s3;
	s6 =	simm.s32 @!p1 $0x1082;
	[sflag:s4] =	ssyncset.s32 $0xFFFFF086  }
0x25: {  	[simem:s6], [sflag:s4] =	dma.local [hbm:s3], $0xF7A  }
0x26: {  	[smem:$0x3F9A] =	sst s1;
	(tag) =	ssettag s2;
	_ =	strace s9  }
0x27: {  	s1 =	sld [smem:$0x3FAA]  }
0x28: {  	s2 =	sld [smem:$0x3FAB]  }
0x29: {  	s4 =	sld [smem:$0x3FAD]  }
0x2a: {  	p0 =	seq.s32 s5, $0x0;
	s5 =	sld [smem:$0x3FAE]  }
0x2b: {  	s6 =	sld [smem:$0x3FAF]  }
0x2c: {  	s7 =	sld [smem:$0x3FB0]  }
0x2d: {  	s3 =	simm.s32 $0x108;
	s8 =	sld [smem:$0x3FB1]  }
0x2e: {  	s3 =	simm.s32 @!p0 $0x1082;
	s9 =	sld [smem:$0x3FB2]  }
0x2f: {  	lr =	sadd.s32 s0, s3;
	s0 =	sld [smem:$0x3FA9]  }
0x30: {  	s3 =	sld [smem:$0x3FAC]  }
0x31: {  	[smem:$0x3FB5] =	sst s10  }
0x32: {  	s10 =	sld [smem:$0x3FB3];
	_ =	sdelay $0x3  }
0x33: {  	p0 =	seq.s32 s10, $0x1;
	s10 =	sld [smem:$0x3FB5];
	_ =	sdelay $0x3  }
0x34: {  	[smem:$0x3FB5] =	sst s10  }
0x35: {  	s10 =	sld [smem:$0x3FB4];
	_ =	sdelay $0x3  }
0x36: {  	p1 =	seq.s32 s10, $0x1;
	s10 =	sld [smem:$0x3FB5];
	_ =	sdelay $0x3  }
0x37: {  	[smem:$0x3FB5] =	sst s10  }
0x38: {  	s10 =	sld [smem:$0x3FB6]  }
0x39: {  	_ = 	snop;
	(pc) =	sbr.ind lr, $3  }
0x3a: {  	_ = 	snop  }
0x3b: {  	_ = 	snop  }
0x3c: {  	p2 =	seq.s32 s10, $0x1;
	s10 =	sld [smem:$0x3FB5]  }
0x3d: {  	_ =	shalt  }
0x3e: {  	_ =	shalt  }
0x3f: {  	_ =	shalt  }
0x40: {  	_ =	shalt  }
0x41: {  	_ =	shalt  }
0x42: {  	_ =	shalt  }
0x43: {  	_ =	shalt  }
0x44: {  	_ =	shalt  }
0x45: {  	_ =	shalt  }
0x46: {  	_ =	shalt  }
0x47: {  	_ =	shalt  }
0x48: {  	_ =	shalt  }
0x49: {  	_ =	shalt  }
0x4a: {  	_ =	shalt  }
0x4b: {  	_ =	shalt  }
0x4c: {  	_ =	shalt  }
0x4d: {  	_ =	shalt  }
0x4e: {  	_ =	shalt  }
0x4f: {  	_ =	shalt  }
0x50: {  	_ =	shalt  }
0x51: {  	_ =	shalt  }
0x52: {  	_ =	shalt  }
0x53: {  	_ =	shalt  }
0x54: {  	_ =	shalt  }
0x55: {  	_ =	shalt  }
0x56: {  	_ =	shalt  }
0x57: {  	_ =	shalt  }
0x58: {  	_ =	shalt  }
0x59: {  	_ =	shalt  }
0x5a: {  	_ =	shalt  }
0x5b: {  	_ =	shalt  }
0x5c: {  	_ =	shalt  }
0x5d: {  	_ =	shalt  }
0x5e: {  	_ =	shalt  }
0x5f: {  	_ =	shalt  }
0x60: {  	_ =	shalt  }
0x61: {  	_ =	shalt  }
0x62: {  	_ =	shalt  }
0x63: {  	_ =	shalt  }
0x64: {  	_ =	shalt  }
0x65: {  	_ =	shalt  }
0x66: {  	_ =	shalt  }
0x67: {  	_ =	shalt  }
0x68: {  	_ =	shalt  }
0x69: {  	_ =	shalt  }
0x6a: {  	_ =	shalt  }
0x6b: {  	_ =	shalt  }
0x6c: {  	_ =	shalt  }
0x6d: {  	_ =	shalt  }
0x6e: {  	_ =	shalt  }
0x6f: {  	_ =	shalt  }
0x70: {  	_ =	shalt  }
0x71: {  	_ =	shalt  }
0x72: {  	_ =	shalt  }
0x73: {  	_ =	shalt  }
0x74: {  	_ =	shalt  }
0x75: {  	_ =	shalt  }
0x76: {  	_ =	shalt  }
0x77: {  	_ =	shalt  }
0x78: {  	_ =	shalt  }
0x79: {  	_ =	shalt  }
0x7a: {  	_ =	shalt  }
0x7b: {  	_ =	shalt  }
0x7c: {  	_ =	shalt  }
0x7d: {  	_ =	shalt  }
0x7e: {  	_ =	shalt  }
0x7f: {  	_ =	shalt  }
0x80: {  	_ =	shalt  }
0x81: {  	_ =	shalt  }
0x82: {  	_ =	shalt  }
0x83: {  	_ =	shalt  }
0x84: {  	_ =	shalt  }
0x85: {  	_ =	shalt  }
0x86: {  	_ =	shalt  }
0x87: {  	_ =	shalt  }
.Lfunc_end0:
.L_simem_size_0:
called_computation_lowered:
.L_overlay_start_0:
0x88: {  	s2 =	sld [smem:$0x3FD9]  }
0x89: {  	s3 =	sld [smem:$0x3FFE];
	_ =	sdelay $0x1  }
0x8a: {  	s1 =	srdreg.scid  }
0x8b: {  	s0 =	sand.u32 $0x1, s1  }
0x8c: {  	s17 =	sshll.u32 s0, $0xA;
	s2 =	sadd.s32 s3, s2  }
0x8d: {  	s2 =	sadd.s32 s2, s17  }
0x8e: {  	[smem:$0x3FC1] =	sst s2  }
0x8f: {  	_ = 	snop  }
0x90: {  	s2 =	sld [smem:$0x3FD0];
	(tm) =	ssettm $0x1  }
0x91: {  	s18 =	sld [smem:$0x3FFB];
	_ =	sdelay $0x3  }
0x92: {  	_ =	strace s18  }
0x93: {  	s3 =	sld [smem:$0x3FFC];
	_ =	sdelay $0x3  }
0x94: {  	_ =	strace s3  }
0x95: {  	s3 =	sld [smem:$0x3FFD];
	_ =	sdelay $0x3  }
0x96: {  	_ =	strace s3  }
0x97: {  	_ =	strace $0x8FFFFFFF  }
0x98: {  	s19 =	sld [smem:$0x3FDB];
	_ =	sdelay $0x1  }
0x99: {  	s4 =	simm.s32 $_scs_section_size  }
0x9a: {  	s5 =	simm.s32 $_size__tile_overlayer_lowered;
	s6 =	simm.s32 $_tile_overlayer_lowered  }
0x9b: {  	s22 =	simm.s32 $0x1BFF;
	s21 =	sshll.u32 s6, $0x1;
	s3 =	sadd.s32 s4, s19  }
0x9c: {  	s7 =	simm.s32 $0x0;
	s20 =	sshll.u32 s5, $0x1;
	s5 =	sadd.s32 s21, s3  }
0x9d: {  	[timem:s7], [sflag:s22] =	dma.local [hbm:s5], s20  }
0x9e: {  	_ =	swait.ge [sflag:s22], s20  }
0x9f: {  	s4 =	ssub.s32 $0x0, s20;
	[sflag:s22] =	ssyncset.done $0x0  }
0xa0: {  	[sflag:s22] =	ssyncadd.s32 s4;
	_ =	sdelay $0x1  }
0xa1: {  	s23 =	simm.s32 $0x1B8B  }
0xa2: {  	_ =	swait.ge [sflag:s23], $0x1  }
0xa3: {  	[sflag:s23] =	ssyncset.done $0x0  }
0xa4: {  	s25 =	simm.s32 $0x1B8E;
	s24 =	sld [smem:$0x3FFE];
	[sflag:s23] =	ssyncadd.s32 $0xFFFFFFFF  }
0xa5: {  	s26 =	simm.s32 $execute0_lowered;
	[smem:$0x3FD2] =	sst s25  }
0xa6: {  	s5 =	sshll.u32 s26, $0x1;
	_ =	strace $0x80000046;
	[dreg:$0x1] =	wrdreg $0xFFFFFFFF  }
0xa7: {  	s28 =	simm.s32 $_size_execute0_lowered;
	s3 =	sadd.s32 s3, s5;
	[dreg:$0x0] =	wrdreg $0x0  }
0xa8: {  	s5 =	sshll.u32 s28, $0x1;
	[dreg:$0x2] =	wrdreg s3  }
0xa9: {  	[dreg:$0x3] =	wrdreg s5  }
0xaa: {  	[dreg:$0x4] =	wrdreg $0xC0  }
0xab: {  	_ =	task [dreg:s7], $0x5FFFF  }
0xac: {  	[dreg:$0x1] =	wrdreg $0xFFFFFFFF  }
0xad: {  	[dreg:$0x0] =	wrdreg $0x60  }
0xae: {  	[dreg:$0x2] =	wrdreg s2  }
0xaf: {  	[dreg:$0x3] =	wrdreg s24  }
0xb0: {  	[dreg:$0x4] =	wrdreg $0xA  }
0xb1: {  	_ =	task.clear_ibuf [dreg:s7], $0x5FFFF;
	_ =	strace $0x90000046  }
0xb2: {  	s29 =	simm.s32 $0xA;
	_ =	strace $0x80000048  }
0xb3: {  	_ =	swait.ge [sflag:s29], $0x1  }
0xb4: {  	[sflag:s29] =	ssyncadd.s32 $0xFFFFFFFF  }
0xb5: {  	_ =	strace $0x90000048  }
0xb6: {  	_ =	sfence  }
0xb7: {  	s30 =	sld [smem:$0x0];
	_ =	sdelay $0x2  }
0xb8: {  	s31 =	sshll.u32 s1, $0xD;
	s1 =	sshrl.u32 s1, $0x2  }
0xb9: {  	s3 =	sand.u32 $0x4000, s31;
	s1 =	sadd.s32 s1, s30  }
0xba: {  	s0 =	sor.u32 s3, s0;
	s1 =	sshll.u32 s1, $0x11  }
0xbb: {  	s0 =	sor.u32 s1, s0  }
0xbc: {  	s0 =	sadd.s32 $0x8F2B, s0  }
0xbd: {  	[sflag:s0] =	ssyncadd.remote.s32 $0x1  }
0xbe: {  	_ =	sfence.sel $0xFFFF  }
0xbf: {  	[dreg:$0x0] =	wrdreg $0xFFFFFFFF;
	(pc) =	sbr.abs _section_cstart, $3  }
0xc0: {  	[dreg:$0x1] =	wrdreg $0xFFFFFFFF  }
0xc1: {  	_ =	task.clear_ibuf [dreg:s7], $0x2FFFF;
	_ =	strace $0x9FFFFFFF  }
0xc2: {  	(tm) =	ssettm $0x7FFFFFFF  }
0xc3: {  	_ =	shalt  }
tec
execute0_lowered:
.L_overlay_start_1:
0x0: {  	(tag) =	ssettag $0x1  }
0x1: {  	s1 =	rddreg [dreg:$0x0]  }
0x2: {  	s4 =	rddreg [dreg:$0x1]  }
0x3: {  	s0 =	rddreg [dreg:$0x2];
	s3 =	simm.s32 $0x0;
	s5 =	srdreg.scid  }
0x4: {  	s2 =	stileid.u32;
	s11 =	simm.s32 $0x5400;
	s12 =	simm.s32 $0x100  }
0x5: {  	s13 =	simm.s32 $0x6800;
	s14 =	simm.s32 $0x180;
	s15 =	simm.s32 $0x7C00  }
0x6: {  	s16 =	simm.s32 $0x200;
	s17 =	simm.s32 $0x9000;
	s18 =	simm.s32 $0x1  }
0x7: {  	s19 =	simm.s32 $0x2;
	s20 =	simm.s32 $0x0;
	[smem:$0x7FF] =	sst s3  }
0x8: {  	s5 =	sand.u32 $0x1, s5;
	s6 =	sshll.u32 s2, $0xC;
	s8 =	smul.u32 $0x27100, s2  }
0x9: {  	_ =	strace $0x80000047;
	s7 =	sshll.u32 s5, $0xB;
	s10 =	smul.u32 $0x13880, s5  }
.Ltmp0:
0xa: {  	s9 =	ssub.s32 $0x2, s5;
	s6 =	sor.u32 s7, s6;
	(pc) =	sbr.rel .LBB2_1-.Ltmp0, $4  }
0xb: {  	s29 =	sshrl.u32 s9, $0x1;
	s31 =	sadd.s32 s8, s4;
	s8 =	simm.s32 $0x28  }
0xc: {  	s30 =	sadd.s32 s6, s4;
	s7 =	ssub.s32 s9, s29;
	s6 =	sadd.s32 s10, s31  }
0xd: {  	s9 =	simm.s32 $0x4000;
	s10 =	simm.s32 $0x80;
	s4 =	sadd.s32 $0x6800, s30  }
0xe: {  	s5 =	smax.u32 s7, $0x1;
	s6 =	sadd.s32 $0x16800, s6;
	s7 =	simm.s32 $0x3  }
.LBB2_7:
0xf: {  	s20 =	sadd.s32 $0x1, s20  }
0x10: {  	_ =	swait.ge [sflag:s19], $0x6400;
	p0 =	sne.s32 s20, s5  }
.Ltmp1:
0x11: {  	[sflag:s19] =	ssyncset.done $0x0;
	(pc) =	sbr.rel @!p0 .LBB2_8-.Ltmp1, $4  }
0x12: {  	[sflag:s19] =	ssyncadd.s32 $0xFFFF9C00  }
0x13: {  	_ =	swait.ge [sflag:s19], $0x6400  }
0x14: {  	[sflag:s19] =	ssyncset.done $0x0  }
0x15: {  	[sflag:s19] =	ssyncadd.s32 $0xFFFF9C00  }
.LBB2_1:
0x16: {  	[tilespmem:s3], [sflag:$0x3] =	stream.linear.gather [hbm4b:s4+s3], $0x3E80, $0x38;
	[tilespmem:$0x10800] =	vst v63  }
0x17: {  	_ =	swait.ge [sflag:s7], $0x3E80  }
0x18: {  	[sflag:s7] =	ssyncset.done $0x0  }
0x19: {  	[sflag:s7] =	ssyncadd.s32 $0xFFFFC180  }
0x1a: {  	[tilespmem:s9], [sflag:$0x1] =	stream.indirect.gather [hbm4b:s1+s8], $0x80, s3, s8, $0xb8;
	[tilespmem:$0x10800] =	vst v63  }
0x1b: {  	_ = 	snop  }
0x1c: {  	[tilespmem:s11], [sflag:$0x1] =	stream.indirect.gather [hbm4b:s1+s8], $0x80, s10, s8, $0xb8;
	[tilespmem:$0x10800] =	vst v63  }
0x1d: {  	_ = 	snop  }
0x1e: {  	[tilespmem:s13], [sflag:$0x1] =	stream.indirect.gather [hbm4b:s1+s8], $0x80, s12, s8, $0xb8;
	[tilespmem:$0x10800] =	vst v63  }
.Ltmp2:
0x1f: {  	_ = 	snop;
	(pc) =	sbr.rel .LBB2_2-.Ltmp2, $4  }
0x20: {  	_ = 	snop  }
0x21: {  	[tilespmem:s15], [sflag:$0x1] =	stream.indirect.gather [hbm4b:s1+s8], $0x80, s14, s8, $0xb8;
	[tilespmem:$0x10800] =	vst v63  }
0x22: {  	s21 =	smov.u32 s6;
	s22 =	simm.s32 $0x0;
	s23 =	simm.s32 $0x0  }
0x23: {  	[tilespmem:s17], [sflag:$0x1] =	stream.indirect.gather [hbm4b:s1+s8], $0x80, s16, s8, $0xb8;
	[tilespmem:$0x10800] =	vst v63  }
.LBB2_5:
0x24: {  	s25 =	sxor.u32 $0x1, s24  }
0x25: {  	s25 =	smul.u32 $0x19000, s25;
	_ =	sdelay $0x1  }
0x26: {  	s26 =	sshra.s32 s22, $0x2;
	s25 =	sshrl.u32 s25, $0x2  }
0x27: {  	s29 =	sadd.s32 $0x280, s26;
	s28 =	sadd.s32 $0x4000, s25  }
0x28: {  	[tilespmem:s28], [sflag:$0x1] =	stream.indirect.gather [hbm4b:s1+s8], $0x80, s29, s8, $0xb8;
	[tilespmem:$0x10800] =	vst v63  }
0x29: {  	s31 =	sadd.s32 $0x300, s26;
	s30 =	sadd.s32 $0x5400, s25  }
0x2a: {  	[tilespmem:s30], [sflag:$0x1] =	stream.indirect.gather [hbm4b:s1+s8], $0x80, s31, s8, $0xb8;
	[tilespmem:$0x10800] =	vst v63  }
0x2b: {  	s30 =	sadd.s32 $0x6800, s25;
	s31 =	sadd.s32 $0x380, s26  }
0x2c: {  	[tilespmem:s30], [sflag:$0x1] =	stream.indirect.gather [hbm4b:s1+s8], $0x80, s31, s8, $0xb8;
	[tilespmem:$0x10800] =	vst v63  }
0x2d: {  	s30 =	sadd.s32 $0x7C00, s25;
	s31 =	sadd.s32 $0x400, s26  }
0x2e: {  	[tilespmem:s30], [sflag:$0x1] =	stream.indirect.gather [hbm4b:s1+s8], $0x80, s31, s8, $0xb8;
	[tilespmem:$0x10800] =	vst v63  }
0x2f: {  	s25 =	sadd.s32 $0x9000, s25;
	s26 =	sadd.s32 $0x480, s26  }
0x30: {  	[tilespmem:s25], [sflag:$0x1] =	stream.indirect.gather [hbm4b:s1+s8], $0x80, s26, s8, $0xb8;
	[tilespmem:$0x10800] =	vst v63  }
.LBB2_6:
0x31: {  	s22 =	sadd.s32 $0xA00, s22  }
0x32: {  	s24 =	smul.u32 $0x19000, s24;
	p0 =	sne.s32 s22, $0xFA00  }
.Ltmp3:
0x33: {  	_ = 	snop;
	(pc) =	sbr.rel @!p0 .LBB2_7-.Ltmp3, $4  }
0x34: {  	s24 =	sshrl.u32 s24, $0x2  }
0x35: {  	s24 =	sadd.s32 $0x4000, s24  }
0x36: {  	[hbm4b:s21+s3] =	stream.linear.scatter [tilespmem:s24], [sflag:$0x2], $0x6400, $0x38;
	[tilespmem:$0x10800] =	vst v63  }
0x37: {  	s23 =	sadd.s32 $0x1, s23;
	s21 =	sadd.s32 $0xC80, s21  }
.LBB2_2:
0x38: {  	_ =	swait.ge [sflag:s18], $0x1400  }
0x39: {  	[sflag:s18] =	ssyncset.done $0x0  }
0x3a: {  	[sflag:s18] =	ssyncadd.s32 $0xFFFFEC00  }
0x3b: {  	_ =	swait.ge [sflag:s18], $0x1400  }
0x3c: {  	[sflag:s18] =	ssyncset.done $0x0  }
0x3d: {  	[sflag:s18] =	ssyncadd.s32 $0xFFFFEC00  }
0x3e: {  	_ =	swait.ge [sflag:s18], $0x1400  }
0x3f: {  	[sflag:s18] =	ssyncset.done $0x0  }
0x40: {  	[sflag:s18] =	ssyncadd.s32 $0xFFFFEC00  }
0x41: {  	p0 =	seq.s32 s23, $0x0;
	_ =	swait.ge [sflag:s18], $0x1400  }
.Ltmp4:
0x42: {  	[sflag:s18] =	ssyncset.done $0x0;
	(pc) =	sbr.rel @p0 .LBB2_5-.Ltmp4, $4  }
0x43: {  	[sflag:s18] =	ssyncadd.s32 $0xFFFFEC00  }
0x44: {  	_ =	swait.ge [sflag:s18], $0x1400  }
0x45: {  	[sflag:s18] =	ssyncset.done $0x0  }
0x46: {  	s24 =	sand.u32 $0x1, s23;
	[sflag:s18] =	ssyncadd.s32 $0xFFFFEC00  }
0x47: {  	p0 =	seq.s32 s23, $0x18  }
.Ltmp5:
0x48: {  	_ = 	snop;
	(pc) =	sbr.rel @p0 .LBB2_6-.Ltmp5, $1  }
0x49: {  	_ =	sdelay $0x3  }
.Ltmp6:
0x4a: {  	(pc) =	sbr.rel .LBB2_5-.Ltmp6, $4  }
0x4b: {  	_ = 	snop  }
0x4c: {  	_ =	swait.ge [sflag:s19], $0x6400  }
0x4d: {  	[sflag:s19] =	ssyncset.done $0x0  }
0x4e: {  	[sflag:s19] =	ssyncadd.s32 $0xFFFF9C00  }
.LBB2_8:
0x4f: {  	_ =	sfence.sel $0x180000  }
0x50: {  	[bflag:$0x0] =	sbarrier.arrive $0xFFFF  }
0x51: {  	p0 =	sne.s32 s2, $0x0;
	_ =	strace $0x90000047  }
0x52: {  	s0 =	sadd.s32 @!p0 $0x100000, s0;
	[bflag:$0x2] =	sbarrier.arrive $0xFFFF  }
0x53: {  	[sflag:s0] =	ssyncadd.tile.s32 @!p0 $0x1;
	_ =	shalt  }
.Lfunc_end2:
_tile_overlayer_lowered:
.L_overlay_start_2:
0x54: {  	(tag) =	ssettag $0x2  }
0x55: {  	s0 =	rddreg [dreg:$0x0];
	s2 =	stileid.u32  }
0x56: {  	s1 =	rddreg [dreg:$0x1];
	p0 =	sne.s32 s2, $0x0  }
0x57: {  	s3 =	rddreg [dreg:$0x2];
	[bflag:$0x3] =	sbarrier.arrive $0xFFFF;
	s2 =	simm.s32 @!p0 $0x1C03  }
0x58: {  	[timem:s3], [sflag:s2] =	dma.local @!p0 [hbm:s0], s1  }
0x59: {  	s0 =	simm.s32 @!p0 $0x3  }
0x5a: {  	_ =	swait.ge @!p0 [sflag:s0], s1  }
0x5b: {  	s1 =	ssub.s32 @!p0 $0x0, s1;
	[sflag:s0] =	ssyncset.done @!p0 $0x0  }
0x5c: {  	[sflag:s0] =	ssyncadd.s32 @!p0 s1  }
0x5d: {  	[bflag:$0x3] =	sbarrier.arrive $0xFFFF  }
0x5e: {  	_ =	shalt  }

// kernel: kernel.13.cloned.1.call-start
scs
__scs_entry_jumppad:
0x0: {  	(pc) =	sbr.rel $0x88, $3  }
0x1: {  	(tag) =	ssettag $0x0;
	lr =	simm.s32 $0x1  }
0x2: {  	[smem:$0x3F9A] =	sst lr;
	_ =	strace $0xD0000000  }
0x3: {  	_ = 	snop  }
0x4: {  	_ = 	snop  }
0x5: {  	_ = 	snop  }
0x6: {  	_ = 	snop  }
0x7: {  	_ = 	snop  }
__scs_overlays_trampoline_lowered:
0x8: {  	[smem:$0x3FA9] =	sst s0  }
0x9: {  	[smem:$0x3FAA] =	sst s1  }
0xa: {  	[smem:$0x3FAB] =	sst s2  }
0xb: {  	[smem:$0x3FAC] =	sst s3  }
0xc: {  	[smem:$0x3FAD] =	sst s4  }
0xd: {  	[smem:$0x3FAE] =	sst s5  }
0xe: {  	[smem:$0x3FAF] =	sst s6  }
0xf: {  	[smem:$0x3FB0] =	sst s7  }
0x10: {  	[smem:$0x3FB1] =	sst s8  }
0x11: {  	[smem:$0x3FB2] =	sst s9;
	s0 =	simm.s32 @!p0 $0x0  }
0x12: {  	s1 =	sld [smem:$0x3F98];
	s0 =	simm.s32 @p0 $0x1  }
0x13: {  	[smem:$0x3FB3] =	sst s0;
	s0 =	simm.s32 @!p1 $0x0  }
0x14: {  	s2 =	sld [smem:$0x3F97];
	s0 =	simm.s32 @p1 $0x1  }
0x15: {  	[smem:$0x3FB4] =	sst s0;
	s0 =	simm.s32 @!p2 $0x0  }
0x16: {  	s3 =	sld [smem:$0x3FDB];
	s0 =	simm.s32 @p2 $0x1  }
0x17: {  	s4 =	simm.s32 $0x1BF5;
	[smem:$0x3FB6] =	sst s0  }
0x18: {  	s0 =	sld [smem:$0x3F99];
	_ =	swait.ge [sflag:s4], $0x0  }
0x19: {  	s7 =	sld [smem:$0x3F9A]  }
0x1a: {  	s8 =	sadd.s32 $0xFFFFE003, lr  }
0x1b: {  	s9 =	sadd.s32 $0xFFFFFEF7, lr;
	s5 =	simm.s32 $0xFFFFFFFF;
	p2 =	slt.u32 s8, $0xFFFFF086  }
0x1c: {  	p1 =	slt.u32 s9, $0xF7A;
	s5 =	simm.s32 @!p2 $0x0  }
0x1d: {  	s5 =	simm.s32 @p1 $0x1;
	p0 =	seq.s32 s7, s2  }
0x1e: {  	s7 =	smul.u32 @!p0 $0xF7A, s2;
	p2 =	seq.s32 @!p0 s5, $0x0  }
0x1f: {  	s9 =	smul.u32 $0xF7A, s1;
	s8 =	simm.s32 @!p0 $0x1BF5;
	p2 =	por !p2, p0  }
0x20: {  	[sflag:s8] =	ssyncset.s32 @!p0 $0xFFFFF086;
	s6 =	sadd.s32 @!p0 s3, s7;
	s7 =	simm.s32 @!p0 $0x108  }
0x21: {  	s3 =	sadd.s32 s3, s9;
	s6 =	sadd.s32 @!p0 $0x88, s6;
	s7 =	simm.s32 @p2 $0x1082  }
0x22: {  	[simem:s7], [sflag:s8] =	dma.local @!p0 [hbm:s6], $0xF7A  }
0x23: {  	s9 =	sor.u32 $0xD0000000, s2;
	s6 =	simm.s32 $0x108;
	_ =	swait.ge @!p0 [sflag:s8], $0x0  }
0x24: {  	s3 =	sadd.s32 $0x88, s3;
	s6 =	simm.s32 @!p1 $0x1082;
	[sflag:s4] =	ssyncset.s32 $0xFFFFF086  }
0x25: {  	[simem:s6], [sflag:s4] =	dma.local [hbm:s3], $0xF7A  }
0x26: {  	[smem:$0x3F9A] =	sst s1;
	(tag) =	ssettag s2;
	_ =	strace s9  }
0x27: {  	s1 =	sld [smem:$0x3FAA]  }
0x28: {  	s2 =	sld [smem:$0x3FAB]  }
0x29: {  	s4 =	sld [smem:$0x3FAD]  }
0x2a: {  	p0 =	seq.s32 s5, $0x0;
	s5 =	sld [smem:$0x3FAE]  }
0x2b: {  	s6 =	sld [smem:$0x3FAF]  }
0x2c: {  	s7 =	sld [smem:$0x3FB0]  }
0x2d: {  	s3 =	simm.s32 $0x108;
	s8 =	sld [smem:$0x3FB1]  }
0x2e: {  	s3 =	simm.s32 @!p0 $0x1082;
	s9 =	sld [smem:$0x3FB2]  }
0x2f: {  	lr =	sadd.s32 s0, s3;
	s0 =	sld [smem:$0x3FA9]  }
0x30: {  	s3 =	sld [smem:$0x3FAC]  }
0x31: {  	[smem:$0x3FB5] =	sst s10  }
0x32: {  	s10 =	sld [smem:$0x3FB3];
	_ =	sdelay $0x3  }
0x33: {  	p0 =	seq.s32 s10, $0x1;
	s10 =	sld [smem:$0x3FB5];
	_ =	sdelay $0x3  }
0x34: {  	[smem:$0x3FB5] =	sst s10  }
0x35: {  	s10 =	sld [smem:$0x3FB4];
	_ =	sdelay $0x3  }
0x36: {  	p1 =	seq.s32 s10, $0x1;
	s10 =	sld [smem:$0x3FB5];
	_ =	sdelay $0x3  }
0x37: {  	[smem:$0x3FB5] =	sst s10  }
0x38: {  	s10 =	sld [smem:$0x3FB6]  }
0x39: {  	_ = 	snop;
	(pc) =	sbr.ind lr, $3  }
0x3a: {  	_ = 	snop  }
0x3b: {  	_ = 	snop  }
0x3c: {  	p2 =	seq.s32 s10, $0x1;
	s10 =	sld [smem:$0x3FB5]  }
0x3d: {  	_ =	shalt  }
0x3e: {  	_ =	shalt  }
0x3f: {  	_ =	shalt  }
0x40: {  	_ =	shalt  }
0x41: {  	_ =	shalt  }
0x42: {  	_ =	shalt  }
0x43: {  	_ =	shalt  }
0x44: {  	_ =	shalt  }
0x45: {  	_ =	shalt  }
0x46: {  	_ =	shalt  }
0x47: {  	_ =	shalt  }
0x48: {  	_ =	shalt  }
0x49: {  	_ =	shalt  }
0x4a: {  	_ =	shalt  }
0x4b: {  	_ =	shalt  }
0x4c: {  	_ =	shalt  }
0x4d: {  	_ =	shalt  }
0x4e: {  	_ =	shalt  }
0x4f: {  	_ =	shalt  }
0x50: {  	_ =	shalt  }
0x51: {  	_ =	shalt  }
0x52: {  	_ =	shalt  }
0x53: {  	_ =	shalt  }
0x54: {  	_ =	shalt  }
0x55: {  	_ =	shalt  }
0x56: {  	_ =	shalt  }
0x57: {  	_ =	shalt  }
0x58: {  	_ =	shalt  }
0x59: {  	_ =	shalt  }
0x5a: {  	_ =	shalt  }
0x5b: {  	_ =	shalt  }
0x5c: {  	_ =	shalt  }
0x5d: {  	_ =	shalt  }
0x5e: {  	_ =	shalt  }
0x5f: {  	_ =	shalt  }
0x60: {  	_ =	shalt  }
0x61: {  	_ =	shalt  }
0x62: {  	_ =	shalt  }
0x63: {  	_ =	shalt  }
0x64: {  	_ =	shalt  }
0x65: {  	_ =	shalt  }
0x66: {  	_ =	shalt  }
0x67: {  	_ =	shalt  }
0x68: {  	_ =	shalt  }
0x69: {  	_ =	shalt  }
0x6a: {  	_ =	shalt  }
0x6b: {  	_ =	shalt  }
0x6c: {  	_ =	shalt  }
0x6d: {  	_ =	shalt  }
0x6e: {  	_ =	shalt  }
0x6f: {  	_ =	shalt  }
0x70: {  	_ =	shalt  }
0x71: {  	_ =	shalt  }
0x72: {  	_ =	shalt  }
0x73: {  	_ =	shalt  }
0x74: {  	_ =	shalt  }
0x75: {  	_ =	shalt  }
0x76: {  	_ =	shalt  }
0x77: {  	_ =	shalt  }
0x78: {  	_ =	shalt  }
0x79: {  	_ =	shalt  }
0x7a: {  	_ =	shalt  }
0x7b: {  	_ =	shalt  }
0x7c: {  	_ =	shalt  }
0x7d: {  	_ =	shalt  }
0x7e: {  	_ =	shalt  }
0x7f: {  	_ =	shalt  }
0x80: {  	_ =	shalt  }
0x81: {  	_ =	shalt  }
0x82: {  	_ =	shalt  }
0x83: {  	_ =	shalt  }
0x84: {  	_ =	shalt  }
0x85: {  	_ =	shalt  }
0x86: {  	_ =	shalt  }
0x87: {  	_ =	shalt  }
.Lfunc_end0:
.L_simem_size_0:
called_computation.1_lowered:
.L_overlay_start_0:
0x88: {  	s2 =	sld [smem:$0x3FD9]  }
0x89: {  	s3 =	sld [smem:$0x3FFE];
	_ =	sdelay $0x1  }
0x8a: {  	s1 =	srdreg.scid  }
0x8b: {  	s0 =	sand.u32 $0x1, s1  }
0x8c: {  	s17 =	sshll.u32 s0, $0xA;
	s2 =	sadd.s32 s3, s2  }
0x8d: {  	s2 =	sadd.s32 s2, s17  }
0x8e: {  	[smem:$0x3FC1] =	sst s2  }
0x8f: {  	_ = 	snop  }
0x90: {  	s18 =	sld [smem:$0x3FD0];
	(tm) =	ssettm $0x1  }
0x91: {  	s19 =	sld [smem:$0x3FFB];
	_ =	sdelay $0x3  }
0x92: {  	_ =	strace s19  }
0x93: {  	s2 =	sld [smem:$0x3FFC];
	_ =	sdelay $0x3  }
0x94: {  	_ =	strace s2  }
0x95: {  	s2 =	sld [smem:$0x3FFD];
	_ =	sdelay $0x3  }
0x96: {  	_ =	strace s2  }
0x97: {  	_ =	strace $0x8FFFFFFF  }
0x98: {  	s20 =	sld [smem:$0x3FDB];
	_ =	sdelay $0x1  }
0x99: {  	s4 =	simm.s32 $_scs_section_size  }
0x9a: {  	s5 =	simm.s32 $_size__tile_overlayer_lowered;
	s6 =	simm.s32 $_tile_overlayer_lowered  }
0x9b: {  	s7 =	simm.s32 $0x1BFF;
	s21 =	sshll.u32 s6, $0x1;
	s4 =	sadd.s32 s4, s20  }
0x9c: {  	s22 =	simm.s32 $0x0;
	s5 =	sshll.u32 s5, $0x1;
	s6 =	sadd.s32 s21, s4  }
0x9d: {  	[timem:s22], [sflag:s7] =	dma.local [hbm:s6], s5  }
0x9e: {  	_ =	swait.ge [sflag:s7], s5  }
0x9f: {  	s5 =	ssub.s32 $0x0, s5;
	[sflag:s7] =	ssyncset.done $0x0  }
0xa0: {  	[sflag:s7] =	ssyncadd.s32 s5;
	_ =	sdelay $0x1  }
0xa1: {  	s23 =	simm.s32 $0x1B8B  }
0xa2: {  	_ =	swait.ge [sflag:s23], $0x1  }
0xa3: {  	[sflag:s23] =	ssyncset.done $0x0  }
0xa4: {  	[sflag:s23] =	ssyncadd.s32 $0xFFFFFFFF  }
0xa5: {  	s5 =	sld [smem:$0x0]  }
0xa6: {  	s6 =	sand.u32 $0xFFFFFFFE, s1  }
0xa7: {  	p0 =	sne.s32 s1, s6  }
0xa8: {  	s6 =	sshll.u32 @p0 s6, $0xE  }
0xa9: {  	s6 =	sadd.s32 @p0 $0x11B8D, s6;
	s7 =	sshll.u32 @p0 s5, $0x11  }
0xaa: {  	s6 =	sor.u32 @p0 s7, s6  }
0xab: {  	[sflag:s6] =	ssyncadd.remote.s32 @p0 $0x1;
	_ =	sdelay $0x1  }
0xac: {  	s6 =	simm.s32 @p0 $0x1B8D  }
0xad: {  	_ =	swait.eq @p0 [sflag:s6], $0x1  }
0xae: {  	[sflag:s6] =	ssyncadd.s32 @p0 $0xFFFFFFFF  }
0xaf: {  	s7 =	sshll.u32 @!p0 s1, $0xE  }
0xb0: {  	s7 =	sor.u32 @!p0 $0x4000, s7;
	s6 =	simm.s32 @!p0 $0x1B8D  }
0xb1: {  	s5 =	sshll.u32 @!p0 s5, $0x11;
	s7 =	sadd.s32 @!p0 $0x11B8D, s7;
	_ =	swait.eq @!p0 [sflag:s6], $0x1  }
0xb2: {  	s5 =	sor.u32 @!p0 s5, s7;
	[sflag:s6] =	ssyncadd.s32 @!p0 $0xFFFFFFFF  }
0xb3: {  	s25 =	simm.s32 $0x1B8E;
	s24 =	sld [smem:$0x3FFE];
	[sflag:s5] =	ssyncadd.remote.s32 @!p0 $0x1  }
0xb4: {  	s26 =	simm.s32 $execute0_lowered;
	[smem:$0x3FD2] =	sst s25  }
0xb5: {  	s6 =	sshll.u32 s26, $0x1;
	_ =	strace $0x80000049;
	[dreg:$0x1] =	wrdreg $0xFFFFFFFF  }
0xb6: {  	s28 =	simm.s32 $_size_execute0_lowered;
	s4 =	sadd.s32 s4, s6;
	[dreg:$0x0] =	wrdreg $0x0  }
0xb7: {  	s6 =	sshll.u32 s28, $0x1;
	[dreg:$0x2] =	wrdreg s4  }
0xb8: {  	[dreg:$0x3] =	wrdreg s6  }
0xb9: {  	[dreg:$0x4] =	wrdreg $0xC0  }
0xba: {  	_ =	task [dreg:s22], $0x5FFFF  }
0xbb: {  	[dreg:$0x1] =	wrdreg $0xFFFFFFFF  }
0xbc: {  	[dreg:$0x0] =	wrdreg $0x60  }
0xbd: {  	[dreg:$0x2] =	wrdreg s18  }
0xbe: {  	[dreg:$0x3] =	wrdreg s24  }
0xbf: {  	[dreg:$0x4] =	wrdreg $0x9  }
0xc0: {  	_ =	task.clear_ibuf [dreg:s22], $0x5FFFF;
	_ =	strace $0x90000049  }
0xc1: {  	s29 =	simm.s32 $0x9;
	_ =	strace $0x8000004B  }
0xc2: {  	_ =	swait.ge [sflag:s29], $0x1  }
0xc3: {  	[sflag:s29] =	ssyncadd.s32 $0xFFFFFFFF  }
0xc4: {  	_ =	strace $0x9000004B  }
0xc5: {  	_ =	sfence  }
0xc6: {  	s30 =	sld [smem:$0x0];
	_ =	sdelay $0x2  }
0xc7: {  	s31 =	sshll.u32 s1, $0xD;
	s1 =	sshrl.u32 s1, $0x2  }
0xc8: {  	s4 =	sand.u32 $0x4000, s31;
	s1 =	sadd.s32 s1, s30  }
0xc9: {  	s0 =	sor.u32 s4, s0;
	s1 =	sshll.u32 s1, $0x11  }
0xca: {  	s0 =	sor.u32 s1, s0  }
0xcb: {  	s0 =	sadd.s32 $0x8F2B, s0  }
0xcc: {  	[sflag:s0] =	ssyncadd.remote.s32 $0x1  }
0xcd: {  	_ =	sfence.sel $0xFFFF  }
0xce: {  	[dreg:$0x0] =	wrdreg $0xFFFFFFFF;
	(pc) =	sbr.abs _section_cstart, $3  }
0xcf: {  	[dreg:$0x1] =	wrdreg $0xFFFFFFFF  }
0xd0: {  	_ =	task.clear_ibuf [dreg:s22], $0x2FFFF;
	_ =	strace $0x9FFFFFFF  }
0xd1: {  	(tm) =	ssettm $0x7FFFFFFF  }
tec
execute0_lowered:
.L_overlay_start_1:
0x0: {  	(tag) =	ssettag $0x1  }
0x1: {  	s1 =	rddreg [dreg:$0x0]  }
0x2: {  	s4 =	rddreg [dreg:$0x1]  }
0x3: {  	s0 =	rddreg [dreg:$0x2];
	s3 =	simm.s32 $0x0;
	s5 =	srdreg.scid  }
0x4: {  	s2 =	stileid.u32;
	s11 =	simm.s32 $0x5400;
	s12 =	simm.s32 $0x100  }
0x5: {  	s13 =	simm.s32 $0x6800;
	s14 =	simm.s32 $0x180;
	s15 =	simm.s32 $0x7C00  }
0x6: {  	s16 =	simm.s32 $0x200;
	s17 =	simm.s32 $0x9000;
	s18 =	simm.s32 $0x1  }
0x7: {  	s19 =	simm.s32 $0x2;
	s20 =	simm.s32 $0x0;
	[smem:$0x7FF] =	sst s3  }
0x8: {  	s5 =	sand.u32 $0x1, s5;
	s6 =	sshll.u32 s2, $0xC;
	s8 =	smul.u32 $0x27100, s2  }
0x9: {  	_ =	strace $0x8000004A;
	s7 =	sshll.u32 s5, $0xB;
	s10 =	smul.u32 $0x13880, s5  }
.Ltmp0:
0xa: {  	s9 =	ssub.s32 $0x2, s5;
	s6 =	sor.u32 s7, s6;
	(pc) =	sbr.rel .LBB2_1-.Ltmp0, $4  }
0xb: {  	s29 =	sshrl.u32 s9, $0x1;
	s31 =	sadd.s32 s8, s4;
	s8 =	simm.s32 $0x28  }
0xc: {  	s30 =	sadd.s32 s6, s4;
	s7 =	ssub.s32 s9, s29;
	s6 =	sadd.s32 s10, s31  }
0xd: {  	s9 =	simm.s32 $0x4000;
	s10 =	simm.s32 $0x80;
	s4 =	sadd.s32 $0x291600, s30  }
0xe: {  	s5 =	smax.u32 s7, $0x1;
	s6 =	sadd.s32 $0x2A1600, s6;
	s7 =	simm.s32 $0x3  }
.LBB2_7:
0xf: {  	s20 =	sadd.s32 $0x1, s20  }
0x10: {  	_ =	swait.ge [sflag:s19], $0x6400;
	p0 =	sne.s32 s20, s5  }
.Ltmp1:
0x11: {  	[sflag:s19] =	ssyncset.done $0x0;
	(pc) =	sbr.rel @!p0 .LBB2_8-.Ltmp1, $4  }
0x12: {  	[sflag:s19] =	ssyncadd.s32 $0xFFFF9C00  }
0x13: {  	_ =	swait.ge [sflag:s19], $0x6400  }
0x14: {  	[sflag:s19] =	ssyncset.done $0x0  }
0x15: {  	[sflag:s19] =	ssyncadd.s32 $0xFFFF9C00  }
.LBB2_1:
0x16: {  	[tilespmem:s3], [sflag:$0x3] =	stream.linear.gather [hbm4b:s4+s3], $0x3E80, $0x38;
	[tilespmem:$0x10800] =	vst v63  }
0x17: {  	_ =	swait.ge [sflag:s7], $0x3E80  }
0x18: {  	[sflag:s7] =	ssyncset.done $0x0  }
0x19: {  	[sflag:s7] =	ssyncadd.s32 $0xFFFFC180  }
0x1a: {  	[tilespmem:s9], [sflag:$0x1] =	stream.indirect.gather [hbm4b:s1+s8], $0x80, s3, s8, $0xb8;
	[tilespmem:$0x10800] =	vst v63  }
0x1b: {  	_ = 	snop  }
0x1c: {  	[tilespmem:s11], [sflag:$0x1] =	stream.indirect.gather [hbm4b:s1+s8], $0x80, s10, s8, $0xb8;
	[tilespmem:$0x10800] =	vst v63  }
0x1d: {  	_ = 	snop  }
0x1e: {  	[tilespmem:s13], [sflag:$0x1] =	stream.indirect.gather [hbm4b:s1+s8], $0x80, s12, s8, $0xb8;
	[tilespmem:$0x10800] =	vst v63  }
.Ltmp2:
0x1f: {  	_ = 	snop;
	(pc) =	sbr.rel .LBB2_2-.Ltmp2, $4  }
0x20: {  	_ = 	snop  }
0x21: {  	[tilespmem:s15], [sflag:$0x1] =	stream.indirect.gather [hbm4b:s1+s8], $0x80, s14, s8, $0xb8;
	[tilespmem:$0x10800] =	vst v63  }
0x22: {  	s21 =	smov.u32 s6;
	s22 =	simm.s32 $0x0;
	s23 =	simm.s32 $0x0  }
0x23: {  	[tilespmem:s17], [sflag:$0x1] =	stream.indirect.gather [hbm4b:s1+s8], $0x80, s16, s8, $0xb8;
	[tilespmem:$0x10800] =	vst v63  }
.LBB2_5:
0x24: {  	s25 =	sxor.u32 $0x1, s24  }
0x25: {  	s25 =	smul.u32 $0x19000, s25;
	_ =	sdelay $0x1  }
0x26: {  	s26 =	sshra.s32 s22, $0x2;
	s25 =	sshrl.u32 s25, $0x2  }
0x27: {  	s29 =	sadd.s32 $0x280, s26;
	s28 =	sadd.s32 $0x4000, s25  }
0x28: {  	[tilespmem:s28], [sflag:$0x1] =	stream.indirect.gather [hbm4b:s1+s8], $0x80, s29, s8, $0xb8;
	[tilespmem:$0x10800] =	vst v63  }
0x29: {  	s31 =	sadd.s32 $0x300, s26;
	s30 =	sadd.s32 $0x5400, s25  }
0x2a: {  	[tilespmem:s30], [sflag:$0x1] =	stream.indirect.gather [hbm4b:s1+s8], $0x80, s31, s8, $0xb8;
	[tilespmem:$0x10800] =	vst v63  }
0x2b: {  	s30 =	sadd.s32 $0x6800, s25;
	s31 =	sadd.s32 $0x380, s26  }
0x2c: {  	[tilespmem:s30], [sflag:$0x1] =	stream.indirect.gather [hbm4b:s1+s8], $0x80, s31, s8, $0xb8;
	[tilespmem:$0x10800] =	vst v63  }
0x2d: {  	s30 =	sadd.s32 $0x7C00, s25;
	s31 =	sadd.s32 $0x400, s26  }
0x2e: {  	[tilespmem:s30], [sflag:$0x1] =	stream.indirect.gather [hbm4b:s1+s8], $0x80, s31, s8, $0xb8;
	[tilespmem:$0x10800] =	vst v63  }
0x2f: {  	s25 =	sadd.s32 $0x9000, s25;
	s26 =	sadd.s32 $0x480, s26  }
0x30: {  	[tilespmem:s25], [sflag:$0x1] =	stream.indirect.gather [hbm4b:s1+s8], $0x80, s26, s8, $0xb8;
	[tilespmem:$0x10800] =	vst v63  }
.LBB2_6:
0x31: {  	s22 =	sadd.s32 $0xA00, s22  }
0x32: {  	s24 =	smul.u32 $0x19000, s24;
	p0 =	sne.s32 s22, $0xFA00  }
.Ltmp3:
0x33: {  	_ = 	snop;
	(pc) =	sbr.rel @!p0 .LBB2_7-.Ltmp3, $4  }
0x34: {  	s24 =	sshrl.u32 s24, $0x2  }
0x35: {  	s24 =	sadd.s32 $0x4000, s24  }
0x36: {  	[hbm4b:s21+s3] =	stream.linear.scatter [tilespmem:s24], [sflag:$0x2], $0x6400, $0x38;
	[tilespmem:$0x10800] =	vst v63  }
0x37: {  	s23 =	sadd.s32 $0x1, s23;
	s21 =	sadd.s32 $0xC80, s21  }
.LBB2_2:
0x38: {  	_ =	swait.ge [sflag:s18], $0x1400  }
0x39: {  	[sflag:s18] =	ssyncset.done $0x0  }
0x3a: {  	[sflag:s18] =	ssyncadd.s32 $0xFFFFEC00  }
0x3b: {  	_ =	swait.ge [sflag:s18], $0x1400  }
0x3c: {  	[sflag:s18] =	ssyncset.done $0x0  }
0x3d: {  	[sflag:s18] =	ssyncadd.s32 $0xFFFFEC00  }
0x3e: {  	_ =	swait.ge [sflag:s18], $0x1400  }
0x3f: {  	[sflag:s18] =	ssyncset.done $0x0  }
0x40: {  	[sflag:s18] =	ssyncadd.s32 $0xFFFFEC00  }
0x41: {  	p0 =	seq.s32 s23, $0x0;
	_ =	swait.ge [sflag:s18], $0x1400  }
.Ltmp4:
0x42: {  	[sflag:s18] =	ssyncset.done $0x0;
	(pc) =	sbr.rel @p0 .LBB2_5-.Ltmp4, $4  }
0x43: {  	[sflag:s18] =	ssyncadd.s32 $0xFFFFEC00  }
0x44: {  	_ =	swait.ge [sflag:s18], $0x1400  }
0x45: {  	[sflag:s18] =	ssyncset.done $0x0  }
0x46: {  	s24 =	sand.u32 $0x1, s23;
	[sflag:s18] =	ssyncadd.s32 $0xFFFFEC00  }
0x47: {  	p0 =	seq.s32 s23, $0x18  }
.Ltmp5:
0x48: {  	_ = 	snop;
	(pc) =	sbr.rel @p0 .LBB2_6-.Ltmp5, $1  }
0x49: {  	_ =	sdelay $0x3  }
.Ltmp6:
0x4a: {  	(pc) =	sbr.rel .LBB2_5-.Ltmp6, $4  }
0x4b: {  	_ = 	snop  }
0x4c: {  	_ =	swait.ge [sflag:s19], $0x6400  }
0x4d: {  	[sflag:s19] =	ssyncset.done $0x0  }
0x4e: {  	[sflag:s19] =	ssyncadd.s32 $0xFFFF9C00  }
.LBB2_8:
0x4f: {  	_ =	sfence.sel $0x180000  }
0x50: {  	[bflag:$0x0] =	sbarrier.arrive $0xFFFF  }
0x51: {  	p0 =	sne.s32 s2, $0x0;
	_ =	strace $0x9000004A  }
0x52: {  	s0 =	sadd.s32 @!p0 $0x100000, s0;
	[bflag:$0x2] =	sbarrier.arrive $0xFFFF  }
0x53: {  	[sflag:s0] =	ssyncadd.tile.s32 @!p0 $0x1;
	_ =	shalt  }
.Lfunc_end2:
_tile_overlayer_lowered:
.L_overlay_start_2:
0x54: {  	(tag) =	ssettag $0x2  }
0x55: {  	s0 =	rddreg [dreg:$0x0];
	s2 =	stileid.u32  }
0x56: {  	s1 =	rddreg [dreg:$0x1];
	p0 =	sne.s32 s2, $0x0  }
0x57: {  	s3 =	rddreg [dreg:$0x2];
	[bflag:$0x3] =	sbarrier.arrive $0xFFFF;
	s2 =	simm.s32 @!p0 $0x1C03  }
0x58: {  	[timem:s3], [sflag:s2] =	dma.local @!p0 [hbm:s0], s1  }
0x59: {  	s0 =	simm.s32 @!p0 $0x3  }
0x5a: {  	_ =	swait.ge @!p0 [sflag:s0], s1  }
0x5b: {  	s1 =	ssub.s32 @!p0 $0x0, s1;
	[sflag:s0] =	ssyncset.done @!p0 $0x0  }
0x5c: {  	[sflag:s0] =	ssyncadd.s32 @!p0 s1  }
0x5d: {  	[bflag:$0x3] =	sbarrier.arrive $0xFFFF  }
0x5e: {  	_ =	shalt  }

// kernel: kernel.16.cloned.1.call-start
scs
__scs_entry_jumppad:
0x0: {  	(pc) =	sbr.rel $0x88, $3  }
0x1: {  	(tag) =	ssettag $0x0;
	lr =	simm.s32 $0x1  }
0x2: {  	[smem:$0x3F9A] =	sst lr;
	_ =	strace $0xD0000000  }
0x3: {  	_ = 	snop  }
0x4: {  	_ = 	snop  }
0x5: {  	_ = 	snop  }
0x6: {  	_ = 	snop  }
0x7: {  	_ = 	snop  }
__scs_overlays_trampoline_lowered:
0x8: {  	[smem:$0x3FA9] =	sst s0  }
0x9: {  	[smem:$0x3FAA] =	sst s1  }
0xa: {  	[smem:$0x3FAB] =	sst s2  }
0xb: {  	[smem:$0x3FAC] =	sst s3  }
0xc: {  	[smem:$0x3FAD] =	sst s4  }
0xd: {  	[smem:$0x3FAE] =	sst s5  }
0xe: {  	[smem:$0x3FAF] =	sst s6  }
0xf: {  	[smem:$0x3FB0] =	sst s7  }
0x10: {  	[smem:$0x3FB1] =	sst s8  }
0x11: {  	[smem:$0x3FB2] =	sst s9;
	s0 =	simm.s32 @!p0 $0x0  }
0x12: {  	s1 =	sld [smem:$0x3F98];
	s0 =	simm.s32 @p0 $0x1  }
0x13: {  	[smem:$0x3FB3] =	sst s0;
	s0 =	simm.s32 @!p1 $0x0  }
0x14: {  	s2 =	sld [smem:$0x3F97];
	s0 =	simm.s32 @p1 $0x1  }
0x15: {  	[smem:$0x3FB4] =	sst s0;
	s0 =	simm.s32 @!p2 $0x0  }
0x16: {  	s3 =	sld [smem:$0x3FDB];
	s0 =	simm.s32 @p2 $0x1  }
0x17: {  	s4 =	simm.s32 $0x1BF5;
	[smem:$0x3FB6] =	sst s0  }
0x18: {  	s0 =	sld [smem:$0x3F99];
	_ =	swait.ge [sflag:s4], $0x0  }
0x19: {  	s7 =	sld [smem:$0x3F9A]  }
0x1a: {  	s8 =	sadd.s32 $0xFFFFE003, lr  }
0x1b: {  	s9 =	sadd.s32 $0xFFFFFEF7, lr;
	s5 =	simm.s32 $0xFFFFFFFF;
	p2 =	slt.u32 s8, $0xFFFFF086  }
0x1c: {  	p1 =	slt.u32 s9, $0xF7A;
	s5 =	simm.s32 @!p2 $0x0  }
0x1d: {  	s5 =	simm.s32 @p1 $0x1;
	p0 =	seq.s32 s7, s2  }
0x1e: {  	s7 =	smul.u32 @!p0 $0xF7A, s2;
	p2 =	seq.s32 @!p0 s5, $0x0  }
0x1f: {  	s9 =	smul.u32 $0xF7A, s1;
	s8 =	simm.s32 @!p0 $0x1BF5;
	p2 =	por !p2, p0  }
0x20: {  	[sflag:s8] =	ssyncset.s32 @!p0 $0xFFFFF086;
	s6 =	sadd.s32 @!p0 s3, s7;
	s7 =	simm.s32 @!p0 $0x108  }
0x21: {  	s3 =	sadd.s32 s3, s9;
	s6 =	sadd.s32 @!p0 $0x88, s6;
	s7 =	simm.s32 @p2 $0x1082  }
0x22: {  	[simem:s7], [sflag:s8] =	dma.local @!p0 [hbm:s6], $0xF7A  }
0x23: {  	s9 =	sor.u32 $0xD0000000, s2;
	s6 =	simm.s32 $0x108;
	_ =	swait.ge @!p0 [sflag:s8], $0x0  }
0x24: {  	s3 =	sadd.s32 $0x88, s3;
	s6 =	simm.s32 @!p1 $0x1082;
	[sflag:s4] =	ssyncset.s32 $0xFFFFF086  }
0x25: {  	[simem:s6], [sflag:s4] =	dma.local [hbm:s3], $0xF7A  }
0x26: {  	[smem:$0x3F9A] =	sst s1;
	(tag) =	ssettag s2;
	_ =	strace s9  }
0x27: {  	s1 =	sld [smem:$0x3FAA]  }
0x28: {  	s2 =	sld [smem:$0x3FAB]  }
0x29: {  	s4 =	sld [smem:$0x3FAD]  }
0x2a: {  	p0 =	seq.s32 s5, $0x0;
	s5 =	sld [smem:$0x3FAE]  }
0x2b: {  	s6 =	sld [smem:$0x3FAF]  }
0x2c: {  	s7 =	sld [smem:$0x3FB0]  }
0x2d: {  	s3 =	simm.s32 $0x108;
	s8 =	sld [smem:$0x3FB1]  }
0x2e: {  	s3 =	simm.s32 @!p0 $0x1082;
	s9 =	sld [smem:$0x3FB2]  }
0x2f: {  	lr =	sadd.s32 s0, s3;
	s0 =	sld [smem:$0x3FA9]  }
0x30: {  	s3 =	sld [smem:$0x3FAC]  }
0x31: {  	[smem:$0x3FB5] =	sst s10  }
0x32: {  	s10 =	sld [smem:$0x3FB3];
	_ =	sdelay $0x3  }
0x33: {  	p0 =	seq.s32 s10, $0x1;
	s10 =	sld [smem:$0x3FB5];
	_ =	sdelay $0x3  }
0x34: {  	[smem:$0x3FB5] =	sst s10  }
0x35: {  	s10 =	sld [smem:$0x3FB4];
	_ =	sdelay $0x3  }
0x36: {  	p1 =	seq.s32 s10, $0x1;
	s10 =	sld [smem:$0x3FB5];
	_ =	sdelay $0x3  }
0x37: {  	[smem:$0x3FB5] =	sst s10  }
0x38: {  	s10 =	sld [smem:$0x3FB6]  }
0x39: {  	_ = 	snop;
	(pc) =	sbr.ind lr, $3  }
0x3a: {  	_ = 	snop  }
0x3b: {  	_ = 	snop  }
0x3c: {  	p2 =	seq.s32 s10, $0x1;
	s10 =	sld [smem:$0x3FB5]  }
0x3d: {  	_ =	shalt  }
0x3e: {  	_ =	shalt  }
0x3f: {  	_ =	shalt  }
0x40: {  	_ =	shalt  }
0x41: {  	_ =	shalt  }
0x42: {  	_ =	shalt  }
0x43: {  	_ =	shalt  }
0x44: {  	_ =	shalt  }
0x45: {  	_ =	shalt  }
0x46: {  	_ =	shalt  }
0x47: {  	_ =	shalt  }
0x48: {  	_ =	shalt  }
0x49: {  	_ =	shalt  }
0x4a: {  	_ =	shalt  }
0x4b: {  	_ =	shalt  }
0x4c: {  	_ =	shalt  }
0x4d: {  	_ =	shalt  }
0x4e: {  	_ =	shalt  }
0x4f: {  	_ =	shalt  }
0x50: {  	_ =	shalt  }
0x51: {  	_ =	shalt  }
0x52: {  	_ =	shalt  }
0x53: {  	_ =	shalt  }
0x54: {  	_ =	shalt  }
0x55: {  	_ =	shalt  }
0x56: {  	_ =	shalt  }
0x57: {  	_ =	shalt  }
0x58: {  	_ =	shalt  }
0x59: {  	_ =	shalt  }
0x5a: {  	_ =	shalt  }
0x5b: {  	_ =	shalt  }
0x5c: {  	_ =	shalt  }
0x5d: {  	_ =	shalt  }
0x5e: {  	_ =	shalt  }
0x5f: {  	_ =	shalt  }
0x60: {  	_ =	shalt  }
0x61: {  	_ =	shalt  }
0x62: {  	_ =	shalt  }
0x63: {  	_ =	shalt  }
0x64: {  	_ =	shalt  }
0x65: {  	_ =	shalt  }
0x66: {  	_ =	shalt  }
0x67: {  	_ =	shalt  }
0x68: {  	_ =	shalt  }
0x69: {  	_ =	shalt  }
0x6a: {  	_ =	shalt  }
0x6b: {  	_ =	shalt  }
0x6c: {  	_ =	shalt  }
0x6d: {  	_ =	shalt  }
0x6e: {  	_ =	shalt  }
0x6f: {  	_ =	shalt  }
0x70: {  	_ =	shalt  }
0x71: {  	_ =	shalt  }
0x72: {  	_ =	shalt  }
0x73: {  	_ =	shalt  }
0x74: {  	_ =	shalt  }
0x75: {  	_ =	shalt  }
0x76: {  	_ =	shalt  }
0x77: {  	_ =	shalt  }
0x78: {  	_ =	shalt  }
0x79: {  	_ =	shalt  }
0x7a: {  	_ =	shalt  }
0x7b: {  	_ =	shalt  }
0x7c: {  	_ =	shalt  }
0x7d: {  	_ =	shalt  }
0x7e: {  	_ =	shalt  }
0x7f: {  	_ =	shalt  }
0x80: {  	_ =	shalt  }
0x81: {  	_ =	shalt  }
0x82: {  	_ =	shalt  }
0x83: {  	_ =	shalt  }
0x84: {  	_ =	shalt  }
0x85: {  	_ =	shalt  }
0x86: {  	_ =	shalt  }
0x87: {  	_ =	shalt  }
.Lfunc_end0:
.L_simem_size_0:
called_computation.2_lowered:
.L_overlay_start_0:
0x88: {  	s2 =	sld [smem:$0x3FD9]  }
0x89: {  	s3 =	sld [smem:$0x3FFE];
	_ =	sdelay $0x1  }
0x8a: {  	s1 =	srdreg.scid  }
0x8b: {  	s0 =	sand.u32 $0x1, s1  }
0x8c: {  	s17 =	sshll.u32 s0, $0xA;
	s2 =	sadd.s32 s3, s2  }
0x8d: {  	s2 =	sadd.s32 s2, s17  }
0x8e: {  	[smem:$0x3FC1] =	sst s2  }
0x8f: {  	_ = 	snop  }
0x90: {  	(tm) =	ssettm $0x1  }
0x91: {  	s18 =	sld [smem:$0x3FFB];
	_ =	sdelay $0x3  }
0x92: {  	_ =	strace s18  }
0x93: {  	s2 =	sld [smem:$0x3FFC];
	_ =	sdelay $0x3  }
0x94: {  	_ =	strace s2  }
0x95: {  	s2 =	sld [smem:$0x3FFD];
	_ =	sdelay $0x3  }
0x96: {  	_ =	strace s2  }
0x97: {  	_ =	strace $0x8FFFFFFF  }
0x98: {  	s19 =	sld [smem:$0x3FDB];
	_ =	sdelay $0x1  }
0x99: {  	s20 =	simm.s32 $_scs_section_size  }
0x9a: {  	s4 =	simm.s32 $_size__tile_overlayer_lowered;
	s5 =	simm.s32 $_tile_overlayer_lowered  }
0x9b: {  	s6 =	simm.s32 $0x1BFF;
	s21 =	sshll.u32 s5, $0x1;
	s3 =	sadd.s32 s20, s19  }
0x9c: {  	s22 =	simm.s32 $0x0;
	s4 =	sshll.u32 s4, $0x1;
	s5 =	sadd.s32 s21, s3  }
0x9d: {  	[timem:s22], [sflag:s6] =	dma.local [hbm:s5], s4  }
0x9e: {  	_ =	swait.ge [sflag:s6], s4  }
0x9f: {  	s4 =	ssub.s32 $0x0, s4;
	[sflag:s6] =	ssyncset.done $0x0  }
0xa0: {  	[sflag:s6] =	ssyncadd.s32 s4;
	_ =	sdelay $0x1  }
0xa1: {  	s23 =	simm.s32 $0x1B8B  }
0xa2: {  	_ =	swait.ge [sflag:s23], $0x1  }
0xa3: {  	[sflag:s23] =	ssyncset.done $0x0  }
0xa4: {  	[sflag:s23] =	ssyncadd.s32 $0xFFFFFFFF  }
0xa5: {  	s4 =	sld [smem:$0x0]  }
0xa6: {  	s5 =	sand.u32 $0xFFFFFFFE, s1  }
0xa7: {  	p0 =	sne.s32 s1, s5  }
0xa8: {  	s5 =	sshll.u32 @p0 s5, $0xE  }
0xa9: {  	s5 =	sadd.s32 @p0 $0x11B8D, s5;
	s6 =	sshll.u32 @p0 s4, $0x11  }
0xaa: {  	s5 =	sor.u32 @p0 s6, s5  }
0xab: {  	[sflag:s5] =	ssyncadd.remote.s32 @p0 $0x1;
	_ =	sdelay $0x1  }
0xac: {  	s5 =	simm.s32 @p0 $0x1B8D  }
0xad: {  	_ =	swait.eq @p0 [sflag:s5], $0x1  }
0xae: {  	[sflag:s5] =	ssyncadd.s32 @p0 $0xFFFFFFFF  }
0xaf: {  	s6 =	sshll.u32 @!p0 s1, $0xE  }
0xb0: {  	s6 =	sor.u32 @!p0 $0x4000, s6;
	s5 =	simm.s32 @!p0 $0x1B8D  }
0xb1: {  	s4 =	sshll.u32 @!p0 s4, $0x11;
	s6 =	sadd.s32 @!p0 $0x11B8D, s6;
	_ =	swait.eq @!p0 [sflag:s5], $0x1  }
0xb2: {  	s4 =	sor.u32 @!p0 s4, s6;
	[sflag:s5] =	ssyncadd.s32 @!p0 $0xFFFFFFFF  }
0xb3: {  	s25 =	simm.s32 $0x1B8E;
	s24 =	sld [smem:$0x3FFE];
	[sflag:s4] =	ssyncadd.remote.s32 @!p0 $0x1  }
0xb4: {  	s26 =	simm.s32 $execute0_lowered;
	[smem:$0x3FD2] =	sst s25  }
0xb5: {  	s5 =	sshll.u32 s26, $0x1;
	_ =	strace $0x8000004C;
	[dreg:$0x1] =	wrdreg $0xFFFFFFFF  }
0xb6: {  	s28 =	simm.s32 $_size_execute0_lowered;
	s3 =	sadd.s32 s3, s5;
	[dreg:$0x0] =	wrdreg $0x0  }
0xb7: {  	s5 =	sshll.u32 s28, $0x1;
	[dreg:$0x2] =	wrdreg s3  }
0xb8: {  	[dreg:$0x3] =	wrdreg s5  }
0xb9: {  	[dreg:$0x4] =	wrdreg $0xC0  }
0xba: {  	_ =	task [dreg:s22], $0x5FFFF  }
0xbb: {  	[dreg:$0x1] =	wrdreg $0xFFFFFFFF  }
0xbc: {  	[dreg:$0x0] =	wrdreg $0x60  }
0xbd: {  	[dreg:$0x2] =	wrdreg s24  }
0xbe: {  	[dreg:$0x3] =	wrdreg $0xE6000  }
0xbf: {  	[dreg:$0x4] =	wrdreg $0xA  }
0xc0: {  	_ =	task.clear_ibuf [dreg:s22], $0x5FFFF;
	_ =	strace $0x9000004C  }
0xc1: {  	s29 =	simm.s32 $0xA;
	_ =	strace $0x8000004E  }
0xc2: {  	_ =	swait.ge [sflag:s29], $0x1  }
0xc3: {  	[sflag:s29] =	ssyncadd.s32 $0xFFFFFFFF  }
0xc4: {  	_ =	strace $0x9000004E  }
0xc5: {  	_ =	sfence  }
0xc6: {  	s30 =	sld [smem:$0x0];
	_ =	sdelay $0x2  }
0xc7: {  	s31 =	sshll.u32 s1, $0xD;
	s1 =	sshrl.u32 s1, $0x2  }
0xc8: {  	s4 =	sand.u32 $0x4000, s31;
	s1 =	sadd.s32 s1, s30  }
0xc9: {  	s0 =	sor.u32 s4, s0;
	s1 =	sshll.u32 s1, $0x11  }
0xca: {  	s0 =	sor.u32 s1, s0  }
0xcb: {  	s0 =	sadd.s32 $0x8F2B, s0  }
0xcc: {  	[sflag:s0] =	ssyncadd.remote.s32 $0x1  }
0xcd: {  	_ =	sfence.sel $0xFFFF  }
0xce: {  	[dreg:$0x0] =	wrdreg $0xFFFFFFFF;
	(pc) =	sbr.abs _section_cstart, $3  }
0xcf: {  	[dreg:$0x1] =	wrdreg $0xFFFFFFFF  }
0xd0: {  	_ =	task.clear_ibuf [dreg:s22], $0x2FFFF;
	_ =	strace $0x9FFFFFFF  }
0xd1: {  	(tm) =	ssettm $0x7FFFFFFF  }
tec
execute0_lowered:
.L_overlay_start_1:
0x0: {  	(tag) =	ssettag $0x1  }
0x1: {  	s0 =	rddreg [dreg:$0x0]  }
0x2: {  	s2 =	rddreg [dreg:$0x1];
	s3 =	simm.s32 $0x0  }
0x3: {  	s16 =	stileid.u32;
	s4 =	srdreg.scid;
	s31 =	simm.s32 $0xA600  }
0x4: {  	[smem:$0x7FF] =	sst s3;
	s1 =	sshll.u32 s16, $0xB;
	s6 =	sand.u32 $0x1, s4  }
0x5: {  	s25 =	sshrl.u32 s16, $0x2;
	s4 =	sadd.s32 $0xC6D600, s0;
	s10 =	smul.u32 $0xA800, s16  }
0x6: {  	s5 =	sshll.u32 s16, $0x8;
	_ =	strace $0x8000004D;
	s7 =	smul.u32 $0x14000, s25  }
0x7: {  	s5 =	sand.u32 $0x300, s5;
	s8 =	sshll.u32 s6, $0x7;
	s1 =	sadd.s32 s1, s0  }
0x8: {  	s9 =	ssub.s32 $0x2, s6;
	s12 =	smul.u32 $0xA8000, s6;
	s5 =	sor.u32 s8, s5  }
0x9: {  	s8 =	sadd.s32 $0xA06600, s0;
	s11 =	sshrl.u32 s9, $0x1;
	s19 =	sadd.s32 $0x1800, s10  }
0xa: {  	s20 =	sadd.s32 $0x3000, s10;
	s21 =	sadd.s32 $0x4800, s10;
	s22 =	sadd.s32 $0x6000, s10  }
0xb: {  	s25 =	sadd.s32 $0x7800, s10;
	s7 =	sor.u32 s5, s7;
	s5 =	smul.u32 $0x2710, s16  }
0xc: {  	s9 =	ssub.s32 s9, s11;
	s11 =	smul.u32 $0x27100, s16;
	s13 =	sadd.s32 s12, s10  }
0xd: {  	s10 =	sadd.s32 $0x9000, s10;
	s26 =	sadd.s32 s12, s19;
	s14 =	sadd.s32 s12, s20  }
0xe: {  	s15 =	sadd.s32 s12, s21;
	s23 =	sadd.s32 s12, s22;
	s24 =	sadd.s32 s12, s25  }
0xf: {  	s19 =	sadd.s32 s19, s2;
	s20 =	sadd.s32 s20, s2;
	s21 =	sadd.s32 s21, s2  }
0x10: {  	s22 =	sadd.s32 s22, s2;
	s25 =	sadd.s32 s25, s2;
	s7 =	sshrl.u32 s7, $0x3  }
0x11: {  	s13 =	sshrl.u32 s13, $0x3;
	s14 =	sshrl.u32 s14, $0x3;
	s17 =	sshrl.u32 s15, $0x3  }
0x12: {  	s12 =	sadd.s32 s12, s10;
	s15 =	smul.u32 $0x1400, s6;
	s29 =	sadd.s32 s10, s2  }
0x13: {  	s6 =	simm.s32 $0x1;
	s7 =	sadd.s32 s7, s0;
	s13 =	sadd.s32 s8, s13  }
0x14: {  	s18 =	sadd.s32 s8, s17;
	[dreg:$0x3] =	wrdreg s13;
	s13 =	sshrl.u32 s26, $0x3  }
0x15: {  	[dreg:$0x6] =	wrdreg s18;
	s26 =	sshrl.u32 s24, $0x3;
	s24 =	sadd.s32 $0x9FC600, s7  }
0x16: {  	s10 =	simm.s32 $0x0;
	s13 =	sadd.s32 s8, s13;
	[dreg:$0xd] =	wrdreg s24  }
0x17: {  	s12 =	sshrl.u32 s12, $0x3;
	[dreg:$0x4] =	wrdreg s13;
	s13 =	sadd.s32 s8, s14  }
0x18: {  	[dreg:$0x5] =	wrdreg s13;
	s13 =	sshrl.u32 s23, $0x3;
	s23 =	smax.u32 s9, $0x1  }
0x19: {  	s18 =	sshrl.u32 s5, $0x3;
	s13 =	sadd.s32 s8, s13;
	[dreg:$0xc] =	wrdreg s23  }
0x1a: {  	s28 =	sadd.s32 $0x9FDE00, s7;
	[dreg:$0x7] =	wrdreg s13;
	s13 =	sadd.s32 s8, s26  }
0x1b: {  	s30 =	sadd.s32 $0x9FE600, s7;
	s8 =	sadd.s32 s8, s12;
	[dreg:$0x8] =	wrdreg s13  }
0x1c: {  	s12 =	smul.u32 $0x2A000, s16;
	s16 =	sadd.s32 s4, s11;
	[dreg:$0x9] =	wrdreg s8  }
0x1d: {  	s14 =	sadd.s32 $0x9F4600, s1;
	s26 =	sadd.s32 $0x9FCE00, s7;
	[dreg:$0xa] =	wrdreg s16  }
0x1e: {  	s9 =	simm.s32 $0x80;
	s13 =	sadd.s32 $0x1800, s0;
	[dreg:$0xe] =	wrdreg s26  }
0x1f: {  	s26 =	sadd.s32 $0x9FD600, s7;
	s0 =	simm.s32 $0x2;
	s7 =	simm.s32 $0xBE00  }
0x20: {  	s8 =	simm.s32 $0x50;
	s17 =	sshrl.u32 s12, $0x2;
	s1 =	sadd.s32 s13, s18  }
0x21: {  	v1 =	vimm.f32 $0.0e+00;
	v0 =	vmov s15;
	[dreg:$0xb] =	wrdreg s1;
	s18 =	sadd.s32 s17, s2;
	s1 =	simm.s32 $0x400  }
.LBB2_1:
0x22: {  	s11 =	simm.s32 $0x70;
	s12 =	simm.s32 $0x3C0  }
.LBB2_2:
0x23: {  	p0 =	sne.s32 s12, $0x5FC0;
	[tilespmem:s11+$0xA600] =	vst v1  }
0x24: {  	[tilespmem:s11+$0xA590] =	vst v1  }
0x25: {  	[tilespmem:s11+$0xA5A0] =	vst v1  }
.Ltmp0:
0x26: {  	[tilespmem:s11+$0xA5B0] =	vst v1;
	(pc) =	sbr.rel @p0 .LBB2_2-.Ltmp0, $4  }
0x27: {  	[tilespmem:s11+$0xA5C0] =	vst v1  }
0x28: {  	[tilespmem:s11+$0xA5D0] =	vst v1  }
0x29: {  	[tilespmem:s11+$0xA5E0] =	vst v1  }
0x2a: {  	[tilespmem:s11+$0xA5F0] =	vst v1;
	s11 =	sshra.s32 s12, $0x2;
	s12 =	sadd.s32 $0x200, s12  }
0x2b: {  	[tilespmem:s11+$0xA600] =	vst v1  }
0x2c: {  	[tilespmem:s11+$0xA590] =	vst v1  }
0x2d: {  	[tilespmem:s11+$0xA5A0] =	vst v1  }
0x2e: {  	[tilespmem:s11+$0xA5B0] =	vst v1  }
0x2f: {  	[tilespmem:s11+$0xA5C0] =	vst v1  }
0x30: {  	[tilespmem:s11+$0xA5D0] =	vst v1  }
0x31: {  	[tilespmem:s11+$0xA5E0] =	vst v1  }
0x32: {  	[tilespmem:s11+$0xA5F0] =	vst v1  }
0x33: {  	[spmem:s18] =	stream.linear.scatter [tilespmem:s31], [sflag:$0x2], $0x1800, $0x38;
	[tilespmem:$0x18E00] =	vst v63  }
0x34: {  	_ =	swait.ge [sflag:s0], $0x1800  }
0x35: {  	[sflag:s0] =	ssyncset.done $0x0  }
0x36: {  	[sflag:s0] =	ssyncadd.s32 $0xFFFFE800  }
0x37: {  	[spmem:s19] =	stream.linear.scatter [tilespmem:s31], [sflag:$0x2], $0x1800, $0x38;
	[tilespmem:$0x18E00] =	vst v63  }
0x38: {  	_ =	swait.ge [sflag:s0], $0x1800  }
0x39: {  	[sflag:s0] =	ssyncset.done $0x0  }
0x3a: {  	[sflag:s0] =	ssyncadd.s32 $0xFFFFE800  }
0x3b: {  	[spmem:s20] =	stream.linear.scatter [tilespmem:s31], [sflag:$0x2], $0x1800, $0x38;
	[tilespmem:$0x18E00] =	vst v63  }
0x3c: {  	_ =	swait.ge [sflag:s0], $0x1800  }
0x3d: {  	[sflag:s0] =	ssyncset.done $0x0  }
0x3e: {  	[sflag:s0] =	ssyncadd.s32 $0xFFFFE800  }
0x3f: {  	[spmem:s21] =	stream.linear.scatter [tilespmem:s31], [sflag:$0x2], $0x1800, $0x38;
	[tilespmem:$0x18E00] =	vst v63  }
0x40: {  	_ =	swait.ge [sflag:s0], $0x1800  }
0x41: {  	[sflag:s0] =	ssyncset.done $0x0  }
0x42: {  	[sflag:s0] =	ssyncadd.s32 $0xFFFFE800  }
0x43: {  	[spmem:s22] =	stream.linear.scatter [tilespmem:s31], [sflag:$0x2], $0x1800, $0x38;
	[tilespmem:$0x18E00] =	vst v63  }
0x44: {  	_ =	swait.ge [sflag:s0], $0x1800  }
0x45: {  	[sflag:s0] =	ssyncset.done $0x0  }
0x46: {  	[sflag:s0] =	ssyncadd.s32 $0xFFFFE800  }
0x47: {  	[spmem:s25] =	stream.linear.scatter [tilespmem:s31], [sflag:$0x2], $0x1800, $0x38;
	[tilespmem:$0x18E00] =	vst v63  }
0x48: {  	_ =	swait.ge [sflag:s0], $0x1800  }
0x49: {  	[sflag:s0] =	ssyncset.done $0x0  }
0x4a: {  	[sflag:s0] =	ssyncadd.s32 $0xFFFFE800  }
0x4b: {  	[spmem:s29] =	stream.linear.scatter [tilespmem:s31], [sflag:$0x2], $0x1800, $0x38;
	[tilespmem:$0x18E00] =	vst v63  }
0x4c: {  	_ =	swait.ge [sflag:s0], $0x1800  }
0x4d: {  	[sflag:s0] =	ssyncset.done $0x0  }
0x4e: {  	s11 =	simm.s32 $0x40;
	s12 =	simm.s32 $0x0;
	[sflag:s0] =	ssyncadd.s32 $0xFFFFE800  }
.LBB2_4:
0x4f: {  	p0 =	sne.s32 s11, $0x9FC0;
	[tilespmem:s12+$0xBE00] =	vst v1;
	s12 =	smov.u32 s11;
	s11 =	sadd.s32 $0x40, s11  }
.Ltmp1:
0x50: {  	(pc) =	sbr.rel @p0 .LBB2_4-.Ltmp1, $2  }
0x51: {  	_ =	sdelay $0x2  }
0x52: {  	s12 =	sshra.s32 s12, $0x2  }
0x53: {  	[tilespmem:s12+$0xBE00] =	vst v1  }
0x54: {  	s11 =	simm.s32 $0x0;
	[bflag:$0x0] =	sbarrier.arrive $0xFFFF  }
0x55: {  	[tilespmem:s11], [sflag:$0x1] =	stream.linear.gather [hbm4b:s14+s11], $0x80, $0x38;
	[tilespmem:$0x18E00] =	vst v63  }
0x56: {  	s23 =	rddreg [dreg:$0xa]  }
0x57: {  	[tilespmem:s1], [sflag:$0x1] =	stream.linear.gather [hbm4b:s23+s11], $0x2800, $0x38;
	[tilespmem:$0x18E00] =	vst v63  }
0x58: {  	s15 =	simm.s32 $0xA400;
	s24 =	rddreg [dreg:$0xb]  }
0x59: {  	[tilespmem:s15], [sflag:$0x1] =	stream.linear.gather [hbm4b:s24+s11], $0x50, $0x38;
	[tilespmem:$0x18E00] =	vst v63  }
.LBB2_6:
0x5a: {  	_ =	swait.ge [sflag:s6], $0x80  }
0x5b: {  	[sflag:s6] =	ssyncset.done $0x0  }
0x5c: {  	[sflag:s6] =	ssyncadd.s32 $0xFFFFFF80  }
0x5d: {  	p0 =	seq.s32 s11, $0x7C;
	_ =	swait.ge [sflag:s6], $0x2800  }
0x5e: {  	s12 =	sand.u32 $0x3, s11;
	s11 =	sadd.s32 @!p0 $0x1, s11;
	[sflag:s6] =	ssyncset.done $0x0  }
0x5f: {  	s15 =	sshll.u32 @!p0 s11, $0x4;
	s17 =	sand.u32 @!p0 $0x3, s11;
	[sflag:s6] =	ssyncadd.s32 $0xFFFFD800  }
0x60: {  	s16 =	sand.u32 @!p0 $0xF80, s15;
	s15 =	sand.u32 @!p0 $0x70, s15;
	_ =	swait.ge [sflag:s6], $0x50  }
0x61: {  	s23 =	sshll.u32 @!p0 s17, $0x7;
	s16 =	sadd.s32 @!p0 s16, s14;
	[sflag:s6] =	ssyncset.done $0x0  }
0x62: {  	s15 =	sadd.s32 @!p0 s15, s16;
	s16 =	simm.s32 @!p0 $0x0;
	[sflag:s6] =	ssyncadd.s32 $0xFFFFFFB0  }
0x63: {  	[tilespmem:s23], [sflag:$0x1] =	stream.linear.gather @!p0 [hbm4b:s15+s16], $0x80, $0x38;
	[tilespmem:$0x18E00] =	vst v63  }
0x64: {  	s15 =	smul.u32 @!p0 $0x50, s11  }
0x65: {  	s17 =	smul.u32 @!p0 $0xA000, s17  }
0x66: {  	s15 =	sadd.s32 @!p0 s5, s15  }
0x67: {  	s17 =	sshrl.u32 @!p0 s17, $0x2;
	s24 =	sshll.u32 @!p0 s15, $0x4  }
0x68: {  	s17 =	sor.u32 @!p0 $0x400, s17;
	s15 =	sshrl.u32 @!p0 s15, $0x3;
	s24 =	sadd.s32 @!p0 s4, s24  }
0x69: {  	[tilespmem:s17], [sflag:$0x1] =	stream.linear.gather @!p0 [hbm4b:s24+s16], $0x2800, $0x38;
	[tilespmem:$0x18E00] =	vst v63  }
0x6a: {  	s15 =	sadd.s32 @!p0 s13, s15;
	s17 =	sor.u32 @!p0 $0xA400, s23;
	s24 =	sshll.u32 s12, $0x7  }
0x6b: {  	[tilespmem:s17], [sflag:$0x1] =	stream.linear.gather @!p0 [hbm4b:s15+s16], $0x50, $0x38;
	[tilespmem:$0x18E00] =	vst v63  }
0x6c: {  	v2 =	vld [tilespmem:s24+$0x0];
	_ =	sdelay $0x1  }
0x6d: {  	v3 =	vld [tilespmem:s24+$0xA400];
	_ =	sdelay $0x2  }
0x6e: {  	v4 =	vsub.s32 v2, v0  }
0x6f: {  	vm0 =	vlt.u32 v4, $0x1400;
	v4 =	vmin.u32 v4, $0x1400  }
0x70: {  	[tilespmem:s24+$0x200] =	vst v4;
	v3 =	vnsel vm0, $0x0, v3  }
0x71: {  	[tilespmem:v2+s7+$0x0] =	vst.idx.add.f32.msk $0xffff, v3  }
0x72: {  	v2 =	vld [tilespmem:s24+$0x10];
	_ =	sdelay $0x1  }
0x73: {  	v3 =	vld [tilespmem:s24+$0xA410];
	_ =	sdelay $0x2  }
0x74: {  	v60 =	vsub.s32 v2, v0  }
0x75: {  	vm12 =	vlt.u32 v60, $0x1400;
	v4 =	vmin.u32 v60, $0x1400  }
0x76: {  	[tilespmem:s24+$0x210] =	vst v4;
	v3 =	vnsel vm12, $0x0, v3  }
0x77: {  	[tilespmem:v2+s7+$0x0] =	vst.idx.add.f32.msk $0xffff, v3  }
0x78: {  	v2 =	vld [tilespmem:s24+$0x20];
	_ =	sdelay $0x1  }
0x79: {  	v3 =	vld [tilespmem:s24+$0xA420];
	_ =	sdelay $0x2  }
0x7a: {  	v61 =	vsub.s32 v2, v0  }
0x7b: {  	vm13 =	vlt.u32 v61, $0x1400;
	v4 =	vmin.u32 v61, $0x1400  }
0x7c: {  	[tilespmem:s24+$0x220] =	vst v4;
	v3 =	vnsel vm13, $0x0, v3  }
0x7d: {  	[tilespmem:v2+s7+$0x0] =	vst.idx.add.f32.msk $0xffff, v3  }
0x7e: {  	v2 =	vld [tilespmem:s24+$0x30];
	_ =	sdelay $0x1  }
0x7f: {  	v3 =	vld [tilespmem:s24+$0xA430];
	_ =	sdelay $0x2  }
0x80: {  	v62 =	vsub.s32 v2, v0  }
0x81: {  	vm14 =	vlt.u32 v62, $0x1400;
	v4 =	vmin.u32 v62, $0x1400  }
0x82: {  	[tilespmem:s24+$0x230] =	vst v4;
	v3 =	vnsel vm14, $0x0, v3  }
0x83: {  	[tilespmem:v2+s7+$0x0] =	vst.idx.add.f32.msk $0xffff, v3  }
0x84: {  	v2 =	vld [tilespmem:s24+$0x40];
	_ =	sdelay $0x1  }
0x85: {  	v3 =	vld [tilespmem:s24+$0xA440];
	_ =	sdelay $0x2  }
0x86: {  	s12 =	smul.u32 $0xA000, s12;
	v63 =	vsub.s32 v2, v0  }
0x87: {  	s11 =	simm.s32 @p0 $0x7D;
	vm15 =	vlt.u32 v63, $0x1400;
	v4 =	vmin.u32 v63, $0x1400  }
0x88: {  	s12 =	sshrl.u32 s12, $0x2;
	p0 =	sne.s32 s11, $0x7D;
	[tilespmem:s24+$0x240] =	vst v4;
	v3 =	vnsel vm15, $0x0, v3  }
.Ltmp2:
0x89: {  	s15 =	sor.u32 $0x200, s24;
	s12 =	sor.u32 $0x400, s12;
	[tilespmem:v2+s7+$0x0] =	vst.idx.add.f32.msk $0xffff, v3;
	(pc) =	sbr.rel @p0 .LBB2_6-.Ltmp2, $4  }
0x8a: {  	[spmem:s2] =	stream.indirect.scatter.add.f32 [tilespmem:s12], [sflag:$0x2], $0x80, s15, s8, $0xb8;
	[tilespmem:$0x18E00] =	vst v63  }
0x8b: {  	_ =	swait.ge [sflag:s0], $0x2800  }
0x8c: {  	[sflag:s0] =	ssyncset.done $0x0  }
0x8d: {  	[sflag:s0] =	ssyncadd.s32 $0xFFFFD800  }
0x8e: {  	[bflag:$0x0] =	sbarrier.arrive $0xFFFF  }
0x8f: {  	[tilespmem:s31], [sflag:$0x2] =	stream.linear.gather [spmem:s18], $0x1800, $0x38;
	[tilespmem:$0x18E00] =	vst v63  }
0x90: {  	_ =	swait.ge [sflag:s0], $0x1800  }
0x91: {  	[sflag:s0] =	ssyncset.done $0x0  }
0x92: {  	s11 =	rddreg [dreg:$0x3];
	[sflag:s0] =	ssyncadd.s32 $0xFFFFE800  }
0x93: {  	[hbm4b:s11+s3] =	stream.linear.scatter [tilespmem:s31], [sflag:$0x2], $0x1800, $0x38;
	[tilespmem:$0x18E00] =	vst v63  }
0x94: {  	_ =	swait.ge [sflag:s0], $0x1800  }
0x95: {  	[sflag:s0] =	ssyncset.done $0x0  }
0x96: {  	[sflag:s0] =	ssyncadd.s32 $0xFFFFE800  }
0x97: {  	[tilespmem:s31], [sflag:$0x2] =	stream.linear.gather [spmem:s19], $0x1800, $0x38;
	[tilespmem:$0x18E00] =	vst v63  }
0x98: {  	_ =	swait.ge [sflag:s0], $0x1800  }
0x99: {  	[sflag:s0] =	ssyncset.done $0x0  }
0x9a: {  	s12 =	rddreg [dreg:$0x4];
	[sflag:s0] =	ssyncadd.s32 $0xFFFFE800  }
0x9b: {  	[hbm4b:s12+s3] =	stream.linear.scatter [tilespmem:s31], [sflag:$0x2], $0x1800, $0x38;
	[tilespmem:$0x18E00] =	vst v63  }
0x9c: {  	_ =	swait.ge [sflag:s0], $0x1800  }
0x9d: {  	[sflag:s0] =	ssyncset.done $0x0  }
0x9e: {  	[sflag:s0] =	ssyncadd.s32 $0xFFFFE800  }
0x9f: {  	[tilespmem:s31], [sflag:$0x2] =	stream.linear.gather [spmem:s20], $0x1800, $0x38;
	[tilespmem:$0x18E00] =	vst v63  }
0xa0: {  	_ =	swait.ge [sflag:s0], $0x1800  }
0xa1: {  	[sflag:s0] =	ssyncset.done $0x0  }
0xa2: {  	s15 =	rddreg [dreg:$0x5];
	[sflag:s0] =	ssyncadd.s32 $0xFFFFE800  }
0xa3: {  	[hbm4b:s15+s3] =	stream.linear.scatter [tilespmem:s31], [sflag:$0x2], $0x1800, $0x38;
	[tilespmem:$0x18E00] =	vst v63  }
0xa4: {  	_ =	swait.ge [sflag:s0], $0x1800  }
0xa5: {  	[sflag:s0] =	ssyncset.done $0x0  }
0xa6: {  	[sflag:s0] =	ssyncadd.s32 $0xFFFFE800  }
0xa7: {  	[tilespmem:s31], [sflag:$0x2] =	stream.linear.gather [spmem:s21], $0x1800, $0x38;
	[tilespmem:$0x18E00] =	vst v63  }
0xa8: {  	_ =	swait.ge [sflag:s0], $0x1800  }
0xa9: {  	[sflag:s0] =	ssyncset.done $0x0  }
0xaa: {  	s16 =	rddreg [dreg:$0x6];
	[sflag:s0] =	ssyncadd.s32 $0xFFFFE800  }
0xab: {  	[hbm4b:s16+s3] =	stream.linear.scatter [tilespmem:s31], [sflag:$0x2], $0x1800, $0x38;
	[tilespmem:$0x18E00] =	vst v63  }
0xac: {  	_ =	swait.ge [sflag:s0], $0x1800  }
0xad: {  	[sflag:s0] =	ssyncset.done $0x0  }
0xae: {  	[sflag:s0] =	ssyncadd.s32 $0xFFFFE800  }
0xaf: {  	[tilespmem:s31], [sflag:$0x2] =	stream.linear.gather [spmem:s22], $0x1800, $0x38;
	[tilespmem:$0x18E00] =	vst v63  }
0xb0: {  	_ =	swait.ge [sflag:s0], $0x1800  }
0xb1: {  	[sflag:s0] =	ssyncset.done $0x0  }
0xb2: {  	s17 =	rddreg [dreg:$0x7];
	[sflag:s0] =	ssyncadd.s32 $0xFFFFE800  }
0xb3: {  	[hbm4b:s17+s3] =	stream.linear.scatter [tilespmem:s31], [sflag:$0x2], $0x1800, $0x38;
	[tilespmem:$0x18E00] =	vst v63  }
0xb4: {  	_ =	swait.ge [sflag:s0], $0x1800  }
0xb5: {  	[sflag:s0] =	ssyncset.done $0x0  }
0xb6: {  	[sflag:s0] =	ssyncadd.s32 $0xFFFFE800  }
0xb7: {  	[tilespmem:s31], [sflag:$0x2] =	stream.linear.gather [spmem:s25], $0x1800, $0x38;
	[tilespmem:$0x18E00] =	vst v63  }
0xb8: {  	_ =	swait.ge [sflag:s0], $0x1800  }
0xb9: {  	[sflag:s0] =	ssyncset.done $0x0  }
0xba: {  	s23 =	rddreg [dreg:$0x8];
	[sflag:s0] =	ssyncadd.s32 $0xFFFFE800  }
0xbb: {  	[hbm4b:s23+s3] =	stream.linear.scatter [tilespmem:s31], [sflag:$0x2], $0x1800, $0x38;
	[tilespmem:$0x18E00] =	vst v63  }
0xbc: {  	_ =	swait.ge [sflag:s0], $0x1800  }
0xbd: {  	[sflag:s0] =	ssyncset.done $0x0  }
0xbe: {  	[sflag:s0] =	ssyncadd.s32 $0xFFFFE800  }
0xbf: {  	[tilespmem:s31], [sflag:$0x2] =	stream.linear.gather [spmem:s29], $0x1800, $0x38;
	[tilespmem:$0x18E00] =	vst v63  }
0xc0: {  	_ =	swait.ge [sflag:s0], $0x1800  }
0xc1: {  	[sflag:s0] =	ssyncset.done $0x0  }
0xc2: {  	s24 =	rddreg [dreg:$0x9];
	[sflag:s0] =	ssyncadd.s32 $0xFFFFE800  }
0xc3: {  	[hbm4b:s24+s3] =	stream.linear.scatter [tilespmem:s31], [sflag:$0x2], $0x1800, $0x38;
	[tilespmem:$0x18E00] =	vst v63  }
0xc4: {  	_ =	swait.ge [sflag:s0], $0x1800  }
0xc5: {  	[sflag:s0] =	ssyncset.done $0x0  }
0xc6: {  	s12 =	rddreg [dreg:$0xd];
	[sflag:s0] =	ssyncadd.s32 $0xFFFFE800  }
0xc7: {  	[hbm4b:s12+s9] =	stream.strided.scatter [tilespmem:s7], [sflag:$0x2], $0x800, s1, s9, $0x38;
	[tilespmem:$0x18E00] =	vst v63  }
0xc8: {  	_ =	swait.ge [sflag:s0], $0x800  }
0xc9: {  	[sflag:s0] =	ssyncset.done $0x0  }
0xca: {  	s12 =	simm.s32 $0xC600;
	s15 =	rddreg [dreg:$0xe];
	[sflag:s0] =	ssyncadd.s32 $0xFFFFF800  }
0xcb: {  	[hbm4b:s15+s9] =	stream.strided.scatter [tilespmem:s12], [sflag:$0x2], $0x800, s1, s9, $0x38;
	[tilespmem:$0x18E00] =	vst v63  }
0xcc: {  	_ =	swait.ge [sflag:s0], $0x800  }
0xcd: {  	[sflag:s0] =	ssyncset.done $0x0  }
0xce: {  	s16 =	simm.s32 $0xCE00;
	[sflag:s0] =	ssyncadd.s32 $0xFFFFF800  }
0xcf: {  	[hbm4b:s26+s9] =	stream.strided.scatter [tilespmem:s16], [sflag:$0x2], $0x800, s1, s9, $0x38;
	[tilespmem:$0x18E00] =	vst v63  }
0xd0: {  	_ =	swait.ge [sflag:s0], $0x800  }
0xd1: {  	[sflag:s0] =	ssyncset.done $0x0  }
0xd2: {  	s17 =	simm.s32 $0xD600;
	[sflag:s0] =	ssyncadd.s32 $0xFFFFF800  }
0xd3: {  	[hbm4b:s28+s9] =	stream.strided.scatter [tilespmem:s17], [sflag:$0x2], $0x800, s1, s9, $0x38;
	[tilespmem:$0x18E00] =	vst v63  }
0xd4: {  	_ =	swait.ge [sflag:s0], $0x800  }
0xd5: {  	[sflag:s0] =	ssyncset.done $0x0  }
0xd6: {  	s23 =	simm.s32 $0xDE00;
	[sflag:s0] =	ssyncadd.s32 $0xFFFFF800  }
0xd7: {  	[hbm4b:s30+s9] =	stream.strided.scatter [tilespmem:s23], [sflag:$0x2], $0x800, s1, s9, $0x38;
	[tilespmem:$0x18E00] =	vst v63  }
0xd8: {  	_ =	swait.ge [sflag:s0], $0x800  }
0xd9: {  	s10 =	sadd.s32 $0x1, s10;
	s24 =	rddreg [dreg:$0xc]  }
0xda: {  	p0 =	sne.s32 s10, s24  }
.Ltmp3:
0xdb: {  	_ = 	snop;
	(pc) =	sbr.rel @p0 .LBB2_1-.Ltmp3, $3  }
0xdc: {  	_ =	sdelay $0x1  }
0xdd: {  	[sflag:s0] =	ssyncset.done $0x0  }
0xde: {  	[sflag:s0] =	ssyncadd.s32 $0xFFFFF800  }
0xdf: {  	_ =	sfence.sel $0x180000  }
0xe0: {  	[bflag:$0x0] =	sbarrier.arrive $0xFFFF  }
0xe1: {  	_ =	strace $0x9000004D  }
0xe2: {  	s0 =	stileid.u32;
	[bflag:$0x2] =	sbarrier.arrive $0xFFFF  }
0xe3: {  	p0 =	sne.s32 s0, $0x0;
	s0 =	rddreg [dreg:$0x2]  }
0xe4: {  	s0 =	sadd.s32 @!p0 $0x100000, s0  }
0xe5: {  	[sflag:s0] =	ssyncadd.tile.s32 @!p0 $0x1;
	_ =	shalt  }
.Lfunc_end2:
_tile_overlayer_lowered:
.L_overlay_start_2:
0xe6: {  	(tag) =	ssettag $0x2  }
0xe7: {  	s0 =	rddreg [dreg:$0x0];
	s2 =	stileid.u32  }
0xe8: {  	s1 =	rddreg [dreg:$0x1];
	p0 =	sne.s32 s2, $0x0  }
0xe9: {  	s3 =	rddreg [dreg:$0x2];
	[bflag:$0x3] =	sbarrier.arrive $0xFFFF;
	s2 =	simm.s32 @!p0 $0x1C02  }
0xea: {  	[timem:s3], [sflag:s2] =	dma.local @!p0 [hbm:s0], s1  }
0xeb: {  	s0 =	simm.s32 @!p0 $0x2  }
0xec: {  	_ =	swait.ge @!p0 [sflag:s0], s1  }
0xed: {  	s1 =	ssub.s32 @!p0 $0x0, s1;
	[sflag:s0] =	ssyncset.done @!p0 $0x0  }
0xee: {  	[sflag:s0] =	ssyncadd.s32 @!p0 s1  }
0xef: {  	[bflag:$0x3] =	sbarrier.arrive $0xFFFF  }
0xf0: {  	_ =	shalt  }

// kernel: kernel.19.cloned.1.call-start
scs
__scs_entry_jumppad:
0x0: {  	(pc) =	sbr.rel $0x88, $3  }
0x1: {  	(tag) =	ssettag $0x0;
	lr =	simm.s32 $0x1  }
0x2: {  	[smem:$0x3F9A] =	sst lr;
	_ =	strace $0xD0000000  }
0x3: {  	_ = 	snop  }
0x4: {  	_ = 	snop  }
0x5: {  	_ = 	snop  }
0x6: {  	_ = 	snop  }
0x7: {  	_ = 	snop  }
__scs_overlays_trampoline_lowered:
0x8: {  	[smem:$0x3FA9] =	sst s0  }
0x9: {  	[smem:$0x3FAA] =	sst s1  }
0xa: {  	[smem:$0x3FAB] =	sst s2  }
0xb: {  	[smem:$0x3FAC] =	sst s3  }
0xc: {  	[smem:$0x3FAD] =	sst s4  }
0xd: {  	[smem:$0x3FAE] =	sst s5  }
0xe: {  	[smem:$0x3FAF] =	sst s6  }
0xf: {  	[smem:$0x3FB0] =	sst s7  }
0x10: {  	[smem:$0x3FB1] =	sst s8  }
0x11: {  	[smem:$0x3FB2] =	sst s9;
	s0 =	simm.s32 @!p0 $0x0  }
0x12: {  	s1 =	sld [smem:$0x3F98];
	s0 =	simm.s32 @p0 $0x1  }
0x13: {  	[smem:$0x3FB3] =	sst s0;
	s0 =	simm.s32 @!p1 $0x0  }
0x14: {  	s2 =	sld [smem:$0x3F97];
	s0 =	simm.s32 @p1 $0x1  }
0x15: {  	[smem:$0x3FB4] =	sst s0;
	s0 =	simm.s32 @!p2 $0x0  }
0x16: {  	s3 =	sld [smem:$0x3FDB];
	s0 =	simm.s32 @p2 $0x1  }
0x17: {  	s4 =	simm.s32 $0x1BF5;
	[smem:$0x3FB6] =	sst s0  }
0x18: {  	s0 =	sld [smem:$0x3F99];
	_ =	swait.ge [sflag:s4], $0x0  }
0x19: {  	s7 =	sld [smem:$0x3F9A]  }
0x1a: {  	s8 =	sadd.s32 $0xFFFFE003, lr  }
0x1b: {  	s9 =	sadd.s32 $0xFFFFFEF7, lr;
	s5 =	simm.s32 $0xFFFFFFFF;
	p2 =	slt.u32 s8, $0xFFFFF086  }
0x1c: {  	p1 =	slt.u32 s9, $0xF7A;
	s5 =	simm.s32 @!p2 $0x0  }
0x1d: {  	s5 =	simm.s32 @p1 $0x1;
	p0 =	seq.s32 s7, s2  }
0x1e: {  	s7 =	smul.u32 @!p0 $0xF7A, s2;
	p2 =	seq.s32 @!p0 s5, $0x0  }
0x1f: {  	s9 =	smul.u32 $0xF7A, s1;
	s8 =	simm.s32 @!p0 $0x1BF5;
	p2 =	por !p2, p0  }
0x20: {  	[sflag:s8] =	ssyncset.s32 @!p0 $0xFFFFF086;
	s6 =	sadd.s32 @!p0 s3, s7;
	s7 =	simm.s32 @!p0 $0x108  }
0x21: {  	s3 =	sadd.s32 s3, s9;
	s6 =	sadd.s32 @!p0 $0x88, s6;
	s7 =	simm.s32 @p2 $0x1082  }
0x22: {  	[simem:s7], [sflag:s8] =	dma.local @!p0 [hbm:s6], $0xF7A  }
0x23: {  	s9 =	sor.u32 $0xD0000000, s2;
	s6 =	simm.s32 $0x108;
	_ =	swait.ge @!p0 [sflag:s8], $0x0  }
0x24: {  	s3 =	sadd.s32 $0x88, s3;
	s6 =	simm.s32 @!p1 $0x1082;
	[sflag:s4] =	ssyncset.s32 $0xFFFFF086  }
0x25: {  	[simem:s6], [sflag:s4] =	dma.local [hbm:s3], $0xF7A  }
0x26: {  	[smem:$0x3F9A] =	sst s1;
	(tag) =	ssettag s2;
	_ =	strace s9  }
0x27: {  	s1 =	sld [smem:$0x3FAA]  }
0x28: {  	s2 =	sld [smem:$0x3FAB]  }
0x29: {  	s4 =	sld [smem:$0x3FAD]  }
0x2a: {  	p0 =	seq.s32 s5, $0x0;
	s5 =	sld [smem:$0x3FAE]  }
0x2b: {  	s6 =	sld [smem:$0x3FAF]  }
0x2c: {  	s7 =	sld [smem:$0x3FB0]  }
0x2d: {  	s3 =	simm.s32 $0x108;
	s8 =	sld [smem:$0x3FB1]  }
0x2e: {  	s3 =	simm.s32 @!p0 $0x1082;
	s9 =	sld [smem:$0x3FB2]  }
0x2f: {  	lr =	sadd.s32 s0, s3;
	s0 =	sld [smem:$0x3FA9]  }
0x30: {  	s3 =	sld [smem:$0x3FAC]  }
0x31: {  	[smem:$0x3FB5] =	sst s10  }
0x32: {  	s10 =	sld [smem:$0x3FB3];
	_ =	sdelay $0x3  }
0x33: {  	p0 =	seq.s32 s10, $0x1;
	s10 =	sld [smem:$0x3FB5];
	_ =	sdelay $0x3  }
0x34: {  	[smem:$0x3FB5] =	sst s10  }
0x35: {  	s10 =	sld [smem:$0x3FB4];
	_ =	sdelay $0x3  }
0x36: {  	p1 =	seq.s32 s10, $0x1;
	s10 =	sld [smem:$0x3FB5];
	_ =	sdelay $0x3  }
0x37: {  	[smem:$0x3FB5] =	sst s10  }
0x38: {  	s10 =	sld [smem:$0x3FB6]  }
0x39: {  	_ = 	snop;
	(pc) =	sbr.ind lr, $3  }
0x3a: {  	_ = 	snop  }
0x3b: {  	_ = 	snop  }
0x3c: {  	p2 =	seq.s32 s10, $0x1;
	s10 =	sld [smem:$0x3FB5]  }
0x3d: {  	_ =	shalt  }
0x3e: {  	_ =	shalt  }
0x3f: {  	_ =	shalt  }
0x40: {  	_ =	shalt  }
0x41: {  	_ =	shalt  }
0x42: {  	_ =	shalt  }
0x43: {  	_ =	shalt  }
0x44: {  	_ =	shalt  }
0x45: {  	_ =	shalt  }
0x46: {  	_ =	shalt  }
0x47: {  	_ =	shalt  }
0x48: {  	_ =	shalt  }
0x49: {  	_ =	shalt  }
0x4a: {  	_ =	shalt  }
0x4b: {  	_ =	shalt  }
0x4c: {  	_ =	shalt  }
0x4d: {  	_ =	shalt  }
0x4e: {  	_ =	shalt  }
0x4f: {  	_ =	shalt  }
0x50: {  	_ =	shalt  }
0x51: {  	_ =	shalt  }
0x52: {  	_ =	shalt  }
0x53: {  	_ =	shalt  }
0x54: {  	_ =	shalt  }
0x55: {  	_ =	shalt  }
0x56: {  	_ =	shalt  }
0x57: {  	_ =	shalt  }
0x58: {  	_ =	shalt  }
0x59: {  	_ =	shalt  }
0x5a: {  	_ =	shalt  }
0x5b: {  	_ =	shalt  }
0x5c: {  	_ =	shalt  }
0x5d: {  	_ =	shalt  }
0x5e: {  	_ =	shalt  }
0x5f: {  	_ =	shalt  }
0x60: {  	_ =	shalt  }
0x61: {  	_ =	shalt  }
0x62: {  	_ =	shalt  }
0x63: {  	_ =	shalt  }
0x64: {  	_ =	shalt  }
0x65: {  	_ =	shalt  }
0x66: {  	_ =	shalt  }
0x67: {  	_ =	shalt  }
0x68: {  	_ =	shalt  }
0x69: {  	_ =	shalt  }
0x6a: {  	_ =	shalt  }
0x6b: {  	_ =	shalt  }
0x6c: {  	_ =	shalt  }
0x6d: {  	_ =	shalt  }
0x6e: {  	_ =	shalt  }
0x6f: {  	_ =	shalt  }
0x70: {  	_ =	shalt  }
0x71: {  	_ =	shalt  }
0x72: {  	_ =	shalt  }
0x73: {  	_ =	shalt  }
0x74: {  	_ =	shalt  }
0x75: {  	_ =	shalt  }
0x76: {  	_ =	shalt  }
0x77: {  	_ =	shalt  }
0x78: {  	_ =	shalt  }
0x79: {  	_ =	shalt  }
0x7a: {  	_ =	shalt  }
0x7b: {  	_ =	shalt  }
0x7c: {  	_ =	shalt  }
0x7d: {  	_ =	shalt  }
0x7e: {  	_ =	shalt  }
0x7f: {  	_ =	shalt  }
0x80: {  	_ =	shalt  }
0x81: {  	_ =	shalt  }
0x82: {  	_ =	shalt  }
0x83: {  	_ =	shalt  }
0x84: {  	_ =	shalt  }
0x85: {  	_ =	shalt  }
0x86: {  	_ =	shalt  }
0x87: {  	_ =	shalt  }
.Lfunc_end0:
.L_simem_size_0:
called_computation.3_lowered:
.L_overlay_start_0:
0x88: {  	s2 =	sld [smem:$0x3FD9]  }
0x89: {  	s3 =	sld [smem:$0x3FFE];
	_ =	sdelay $0x1  }
0x8a: {  	s1 =	srdreg.scid  }
0x8b: {  	s0 =	sand.u32 $0x1, s1  }
0x8c: {  	s17 =	sshll.u32 s0, $0xA;
	s2 =	sadd.s32 s3, s2  }
0x8d: {  	s2 =	sadd.s32 s2, s17  }
0x8e: {  	[smem:$0x3FC1] =	sst s2  }
0x8f: {  	_ = 	snop  }
0x90: {  	s18 =	sld [smem:$0x3FD0];
	(tm) =	ssettm $0x1  }
0x91: {  	s19 =	sld [smem:$0x3FFB];
	_ =	sdelay $0x3  }
0x92: {  	_ =	strace s19  }
0x93: {  	s2 =	sld [smem:$0x3FFC];
	_ =	sdelay $0x3  }
0x94: {  	_ =	strace s2  }
0x95: {  	s2 =	sld [smem:$0x3FFD];
	_ =	sdelay $0x3  }
0x96: {  	_ =	strace s2  }
0x97: {  	_ =	strace $0x8FFFFFFF  }
0x98: {  	s20 =	sld [smem:$0x3FDB];
	_ =	sdelay $0x1  }
0x99: {  	s4 =	simm.s32 $_scs_section_size  }
0x9a: {  	s5 =	simm.s32 $_size__tile_overlayer_lowered;
	s6 =	simm.s32 $_tile_overlayer_lowered  }
0x9b: {  	s7 =	simm.s32 $0x1BFF;
	s21 =	sshll.u32 s6, $0x1;
	s4 =	sadd.s32 s4, s20  }
0x9c: {  	s22 =	simm.s32 $0x0;
	s5 =	sshll.u32 s5, $0x1;
	s6 =	sadd.s32 s21, s4  }
0x9d: {  	[timem:s22], [sflag:s7] =	dma.local [hbm:s6], s5  }
0x9e: {  	_ =	swait.ge [sflag:s7], s5  }
0x9f: {  	s5 =	ssub.s32 $0x0, s5;
	[sflag:s7] =	ssyncset.done $0x0  }
0xa0: {  	[sflag:s7] =	ssyncadd.s32 s5;
	_ =	sdelay $0x1  }
0xa1: {  	s23 =	simm.s32 $0x1B8B  }
0xa2: {  	_ =	swait.ge [sflag:s23], $0x1  }
0xa3: {  	[sflag:s23] =	ssyncset.done $0x0  }
0xa4: {  	[sflag:s23] =	ssyncadd.s32 $0xFFFFFFFF  }
0xa5: {  	s5 =	sld [smem:$0x0]  }
0xa6: {  	s6 =	sand.u32 $0xFFFFFFFE, s1  }
0xa7: {  	p0 =	sne.s32 s1, s6  }
0xa8: {  	s6 =	sshll.u32 @p0 s6, $0xE  }
0xa9: {  	s6 =	sadd.s32 @p0 $0x11B8D, s6;
	s7 =	sshll.u32 @p0 s5, $0x11  }
0xaa: {  	s6 =	sor.u32 @p0 s7, s6  }
0xab: {  	[sflag:s6] =	ssyncadd.remote.s32 @p0 $0x1;
	_ =	sdelay $0x1  }
0xac: {  	s6 =	simm.s32 @p0 $0x1B8D  }
0xad: {  	_ =	swait.eq @p0 [sflag:s6], $0x1  }
0xae: {  	[sflag:s6] =	ssyncadd.s32 @p0 $0xFFFFFFFF  }
0xaf: {  	s7 =	sshll.u32 @!p0 s1, $0xE  }
0xb0: {  	s7 =	sor.u32 @!p0 $0x4000, s7;
	s6 =	simm.s32 @!p0 $0x1B8D  }
0xb1: {  	s5 =	sshll.u32 @!p0 s5, $0x11;
	s7 =	sadd.s32 @!p0 $0x11B8D, s7;
	_ =	swait.eq @!p0 [sflag:s6], $0x1  }
0xb2: {  	s5 =	sor.u32 @!p0 s5, s7;
	[sflag:s6] =	ssyncadd.s32 @!p0 $0xFFFFFFFF  }
0xb3: {  	s25 =	simm.s32 $0x1B8E;
	s24 =	sld [smem:$0x3FFE];
	[sflag:s5] =	ssyncadd.remote.s32 @!p0 $0x1  }
0xb4: {  	s26 =	simm.s32 $execute0_lowered;
	[smem:$0x3FD2] =	sst s25  }
0xb5: {  	s6 =	sshll.u32 s26, $0x1;
	_ =	strace $0x8000004F;
	[dreg:$0x1] =	wrdreg $0xFFFFFFFF  }
0xb6: {  	s28 =	simm.s32 $_size_execute0_lowered;
	s4 =	sadd.s32 s4, s6;
	[dreg:$0x0] =	wrdreg $0x0  }
0xb7: {  	s6 =	sshll.u32 s28, $0x1;
	[dreg:$0x2] =	wrdreg s4  }
0xb8: {  	[dreg:$0x3] =	wrdreg s6  }
0xb9: {  	[dreg:$0x4] =	wrdreg $0xC0  }
0xba: {  	_ =	task [dreg:s22], $0x5FFFF  }
0xbb: {  	[dreg:$0x1] =	wrdreg $0xFFFFFFFF  }
0xbc: {  	[dreg:$0x0] =	wrdreg $0x60  }
0xbd: {  	[dreg:$0x2] =	wrdreg s24  }
0xbe: {  	[dreg:$0x3] =	wrdreg s18  }
0xbf: {  	[dreg:$0x4] =	wrdreg $0xE6000  }
0xc0: {  	[dreg:$0x5] =	wrdreg $0x9  }
0xc1: {  	_ =	task.clear_ibuf [dreg:s22], $0x6FFFF;
	_ =	strace $0x9000004F  }
0xc2: {  	s29 =	simm.s32 $0x9;
	_ =	strace $0x80000051  }
0xc3: {  	_ =	swait.ge [sflag:s29], $0x1  }
0xc4: {  	[sflag:s29] =	ssyncadd.s32 $0xFFFFFFFF  }
0xc5: {  	_ =	strace $0x90000051  }
0xc6: {  	_ =	sfence  }
0xc7: {  	s30 =	sld [smem:$0x0];
	_ =	sdelay $0x2  }
0xc8: {  	s31 =	sshll.u32 s1, $0xD;
	s1 =	sshrl.u32 s1, $0x2  }
0xc9: {  	s4 =	sand.u32 $0x4000, s31;
	s1 =	sadd.s32 s1, s30  }
0xca: {  	s0 =	sor.u32 s4, s0;
	s1 =	sshll.u32 s1, $0x11  }
0xcb: {  	s0 =	sor.u32 s1, s0  }
0xcc: {  	s0 =	sadd.s32 $0x8F2B, s0  }
0xcd: {  	[sflag:s0] =	ssyncadd.remote.s32 $0x1  }
0xce: {  	_ =	sfence.sel $0xFFFF  }
0xcf: {  	[dreg:$0x0] =	wrdreg $0xFFFFFFFF;
	(pc) =	sbr.abs _section_cstart, $3  }
0xd0: {  	[dreg:$0x1] =	wrdreg $0xFFFFFFFF  }
0xd1: {  	_ =	task.clear_ibuf [dreg:s22], $0x2FFFF;
	_ =	strace $0x9FFFFFFF  }
0xd2: {  	(tm) =	ssettm $0x7FFFFFFF  }
0xd3: {  	_ =	shalt  }
tec
execute0_lowered:
.L_overlay_start_1:
0x0: {  	(tag) =	ssettag $0x1  }
0x1: {  	s0 =	rddreg [dreg:$0x0]  }
0x2: {  	s2 =	rddreg [dreg:$0x1]  }
0x3: {  	s1 =	rddreg [dreg:$0x2];
	s3 =	simm.s32 $0x0  }
0x4: {  	s18 =	stileid.u32;
	s31 =	simm.s32 $0xA600;
	[smem:$0x7FF] =	sst s3  }
0x5: {  	s7 =	srdreg.scid;
	s4 =	sadd.s32 $0xEDE600, s0;
	s5 =	sadd.s32 $0xA38600, s0  }
0x6: {  	s6 =	sshll.u32 s18, $0xB;
	s7 =	sand.u32 $0x1, s7;
	s19 =	sshrl.u32 s18, $0x2  }
0x7: {  	s9 =	sshll.u32 s18, $0x8;
	s21 =	smul.u32 $0xA800, s18;
	_ =	strace $0x80000050  }
0x8: {  	s8 =	sadd.s32 s6, s0;
	s0 =	sadd.s32 $0xA3D600, s0;
	s12 =	smul.u32 $0x1400, s7  }
0x9: {  	s10 =	smul.u32 $0x14000, s19;
	s9 =	sand.u32 $0x300, s9;
	s11 =	sshll.u32 s7, $0x7  }
0xa: {  	s13 =	ssub.s32 $0x2, s7;
	s6 =	smul.u32 $0x2710, s18;
	s9 =	sor.u32 s11, s9  }
0xb: {  	s20 =	sshrl.u32 s13, $0x1;
	s14 =	sadd.s32 $0x3000, s21;
	s22 =	sadd.s32 $0x4800, s21  }
0xc: {  	s23 =	sadd.s32 $0x6000, s21;
	s24 =	sadd.s32 $0x7800, s21;
	s9 =	sor.u32 s9, s10  }
0xd: {  	s11 =	ssub.s32 s13, s20;
	s13 =	smul.u32 $0xA8000, s7;
	s10 =	sadd.s32 $0x9000, s21  }
0xe: {  	v0 =	vmov s12;
	s12 =	simm.s32 $0x0;
	s25 =	sshrl.u32 s9, $0x3;
	s9 =	smul.u32 $0x27100, s18  }
0xf: {  	s7 =	sadd.s32 s2, s25;
	s2 =	sadd.s32 $0x1800, s21;
	s15 =	sadd.s32 s13, s21  }
0x10: {  	s16 =	sadd.s32 s13, s14;
	s17 =	sadd.s32 s13, s22;
	s20 =	sadd.s32 s13, s23  }
0x11: {  	s21 =	sadd.s32 s13, s24;
	s22 =	sadd.s32 s22, s1;
	s23 =	sadd.s32 s23, s1  }
0x12: {  	s24 =	sadd.s32 s24, s1;
	s15 =	sshrl.u32 s15, $0x3;
	s26 =	sadd.s32 s13, s2  }
0x13: {  	s16 =	sshrl.u32 s16, $0x3;
	s17 =	sshrl.u32 s17, $0x3;
	s13 =	sadd.s32 s13, s10  }
0x14: {  	s25 =	sshrl.u32 s21, $0x3;
	s21 =	sadd.s32 s14, s1;
	s29 =	sadd.s32 $0x1800, s7  }
0x15: {  	s28 =	smov.u32 s7;
	s30 =	sadd.s32 $0x2000, s7;
	s15 =	sadd.s32 s0, s15  }
0x16: {  	s19 =	sadd.s32 s0, s17;
	s13 =	sshrl.u32 s13, $0x3;
	[dreg:$0x4] =	wrdreg s15  }
0x17: {  	s17 =	smax.u32 s11, $0x1;
	s15 =	sshrl.u32 s26, $0x3;
	[dreg:$0x7] =	wrdreg s19  }
0x18: {  	s11 =	simm.s32 $0x80;
	[dreg:$0xd] =	wrdreg s17;
	s15 =	sadd.s32 s0, s15  }
0x19: {  	s26 =	smul.u32 $0x2A000, s18;
	[dreg:$0x5] =	wrdreg s15;
	s15 =	sadd.s32 s0, s16  }
0x1a: {  	s18 =	sadd.s32 $0x800, s7;
	[dreg:$0x6] =	wrdreg s15;
	s15 =	sshrl.u32 s20, $0x3  }
0x1b: {  	[dreg:$0xe] =	wrdreg s18;
	s16 =	sshrl.u32 s6, $0x3;
	s15 =	sadd.s32 s0, s15  }
0x1c: {  	s20 =	sadd.s32 s2, s1;
	s2 =	simm.s32 $0x400;
	[dreg:$0x8] =	wrdreg s15  }
0x1d: {  	s15 =	sadd.s32 s0, s25;
	s0 =	sadd.s32 s0, s13;
	s13 =	sadd.s32 s4, s9  }
0x1e: {  	s25 =	sadd.s32 s10, s1;
	s9 =	simm.s32 $0xBE00;
	[dreg:$0x9] =	wrdreg s15  }
0x1f: {  	s10 =	simm.s32 $0x50;
	[dreg:$0xa] =	wrdreg s0;
	s15 =	sadd.s32 $0xA30600, s8  }
0x20: {  	[dreg:$0xb] =	wrdreg s13;
	s8 =	sadd.s32 s5, s16;
	s0 =	sshrl.u32 s26, $0x2  }
0x21: {  	s26 =	sadd.s32 $0x1000, s7;
	[dreg:$0xc] =	wrdreg s8;
	s19 =	sadd.s32 s0, s1  }
0x22: {  	v1 =	vimm.f32 $0.0e+00;
	[dreg:$0xf] =	wrdreg s26;
	s0 =	simm.s32 $0x2;
	s8 =	simm.s32 $0x1  }
.LBB2_1:
0x23: {  	s13 =	simm.s32 $0x70;
	s14 =	simm.s32 $0x3C0  }
.LBB2_2:
0x24: {  	p0 =	sne.s32 s14, $0x5FC0;
	[tilespmem:s13+$0xA600] =	vst v1  }
0x25: {  	[tilespmem:s13+$0xA590] =	vst v1  }
0x26: {  	[tilespmem:s13+$0xA5A0] =	vst v1  }
.Ltmp0:
0x27: {  	[tilespmem:s13+$0xA5B0] =	vst v1;
	(pc) =	sbr.rel @p0 .LBB2_2-.Ltmp0, $4  }
0x28: {  	[tilespmem:s13+$0xA5C0] =	vst v1  }
0x29: {  	[tilespmem:s13+$0xA5D0] =	vst v1  }
0x2a: {  	[tilespmem:s13+$0xA5E0] =	vst v1  }
0x2b: {  	[tilespmem:s13+$0xA5F0] =	vst v1;
	s13 =	sshra.s32 s14, $0x2;
	s14 =	sadd.s32 $0x200, s14  }
0x2c: {  	[tilespmem:s13+$0xA600] =	vst v1  }
0x2d: {  	[tilespmem:s13+$0xA590] =	vst v1  }
0x2e: {  	[tilespmem:s13+$0xA5A0] =	vst v1  }
0x2f: {  	[tilespmem:s13+$0xA5B0] =	vst v1  }
0x30: {  	[tilespmem:s13+$0xA5C0] =	vst v1  }
0x31: {  	[tilespmem:s13+$0xA5D0] =	vst v1  }
0x32: {  	[tilespmem:s13+$0xA5E0] =	vst v1  }
0x33: {  	[tilespmem:s13+$0xA5F0] =	vst v1  }
0x34: {  	[spmem:s19] =	stream.linear.scatter [tilespmem:s31], [sflag:$0x2], $0x1800, $0x38;
	[tilespmem:$0x18E00] =	vst v63  }
0x35: {  	_ =	swait.ge [sflag:s0], $0x1800  }
0x36: {  	[sflag:s0] =	ssyncset.done $0x0  }
0x37: {  	[sflag:s0] =	ssyncadd.s32 $0xFFFFE800  }
0x38: {  	[spmem:s20] =	stream.linear.scatter [tilespmem:s31], [sflag:$0x2], $0x1800, $0x38;
	[tilespmem:$0x18E00] =	vst v63  }
0x39: {  	_ =	swait.ge [sflag:s0], $0x1800  }
0x3a: {  	[sflag:s0] =	ssyncset.done $0x0  }
0x3b: {  	[sflag:s0] =	ssyncadd.s32 $0xFFFFE800  }
0x3c: {  	[spmem:s21] =	stream.linear.scatter [tilespmem:s31], [sflag:$0x2], $0x1800, $0x38;
	[tilespmem:$0x18E00] =	vst v63  }
0x3d: {  	_ =	swait.ge [sflag:s0], $0x1800  }
0x3e: {  	[sflag:s0] =	ssyncset.done $0x0  }
0x3f: {  	[sflag:s0] =	ssyncadd.s32 $0xFFFFE800  }
0x40: {  	[spmem:s22] =	stream.linear.scatter [tilespmem:s31], [sflag:$0x2], $0x1800, $0x38;
	[tilespmem:$0x18E00] =	vst v63  }
0x41: {  	_ =	swait.ge [sflag:s0], $0x1800  }
0x42: {  	[sflag:s0] =	ssyncset.done $0x0  }
0x43: {  	[sflag:s0] =	ssyncadd.s32 $0xFFFFE800  }
0x44: {  	[spmem:s23] =	stream.linear.scatter [tilespmem:s31], [sflag:$0x2], $0x1800, $0x38;
	[tilespmem:$0x18E00] =	vst v63  }
0x45: {  	_ =	swait.ge [sflag:s0], $0x1800  }
0x46: {  	[sflag:s0] =	ssyncset.done $0x0  }
0x47: {  	[sflag:s0] =	ssyncadd.s32 $0xFFFFE800  }
0x48: {  	[spmem:s24] =	stream.linear.scatter [tilespmem:s31], [sflag:$0x2], $0x1800, $0x38;
	[tilespmem:$0x18E00] =	vst v63  }
0x49: {  	_ =	swait.ge [sflag:s0], $0x1800  }
0x4a: {  	[sflag:s0] =	ssyncset.done $0x0  }
0x4b: {  	[sflag:s0] =	ssyncadd.s32 $0xFFFFE800  }
0x4c: {  	[spmem:s25] =	stream.linear.scatter [tilespmem:s31], [sflag:$0x2], $0x1800, $0x38;
	[tilespmem:$0x18E00] =	vst v63  }
0x4d: {  	_ =	swait.ge [sflag:s0], $0x1800  }
0x4e: {  	[sflag:s0] =	ssyncset.done $0x0  }
0x4f: {  	s13 =	simm.s32 $0x40;
	s14 =	simm.s32 $0x0;
	[sflag:s0] =	ssyncadd.s32 $0xFFFFE800  }
.LBB2_4:
0x50: {  	p0 =	sne.s32 s13, $0x9FC0;
	[tilespmem:s14+$0xBE00] =	vst v1;
	s14 =	smov.u32 s13;
	s13 =	sadd.s32 $0x40, s13  }
.Ltmp1:
0x51: {  	(pc) =	sbr.rel @p0 .LBB2_4-.Ltmp1, $2  }
0x52: {  	_ =	sdelay $0x2  }
0x53: {  	s14 =	sshra.s32 s14, $0x2  }
0x54: {  	[tilespmem:s14+$0xBE00] =	vst v1  }
0x55: {  	s13 =	simm.s32 $0x0;
	[bflag:$0x0] =	sbarrier.arrive $0xFFFF  }
0x56: {  	[tilespmem:s13], [sflag:$0x1] =	stream.linear.gather [hbm4b:s15+s13], $0x80, $0x38;
	[tilespmem:$0x18E00] =	vst v63  }
0x57: {  	s7 =	rddreg [dreg:$0xb]  }
0x58: {  	[tilespmem:s2], [sflag:$0x1] =	stream.linear.gather [hbm4b:s7+s13], $0x2800, $0x38;
	[tilespmem:$0x18E00] =	vst v63  }
0x59: {  	s26 =	simm.s32 $0xA400;
	s18 =	rddreg [dreg:$0xc]  }
0x5a: {  	[tilespmem:s26], [sflag:$0x1] =	stream.linear.gather [hbm4b:s18+s13], $0x50, $0x38;
	[tilespmem:$0x18E00] =	vst v63  }
.LBB2_6:
0x5b: {  	_ =	swait.ge [sflag:s8], $0x80  }
0x5c: {  	[sflag:s8] =	ssyncset.done $0x0  }
0x5d: {  	[sflag:s8] =	ssyncadd.s32 $0xFFFFFF80  }
0x5e: {  	p0 =	seq.s32 s13, $0x7C;
	_ =	swait.ge [sflag:s8], $0x2800  }
0x5f: {  	s14 =	sand.u32 $0x3, s13;
	s13 =	sadd.s32 @!p0 $0x1, s13;
	[sflag:s8] =	ssyncset.done $0x0  }
0x60: {  	s16 =	sshll.u32 @!p0 s13, $0x4;
	s18 =	sand.u32 @!p0 $0x3, s13;
	[sflag:s8] =	ssyncadd.s32 $0xFFFFD800  }
0x61: {  	s17 =	sand.u32 @!p0 $0xF80, s16;
	s16 =	sand.u32 @!p0 $0x70, s16;
	_ =	swait.ge [sflag:s8], $0x50  }
0x62: {  	s7 =	sshll.u32 @!p0 s18, $0x7;
	s17 =	sadd.s32 @!p0 s17, s15;
	[sflag:s8] =	ssyncset.done $0x0  }
0x63: {  	s16 =	sadd.s32 @!p0 s16, s17;
	s17 =	simm.s32 @!p0 $0x0;
	[sflag:s8] =	ssyncadd.s32 $0xFFFFFFB0  }
0x64: {  	[tilespmem:s7], [sflag:$0x1] =	stream.linear.gather @!p0 [hbm4b:s16+s17], $0x80, $0x38;
	[tilespmem:$0x18E00] =	vst v63  }
0x65: {  	s16 =	smul.u32 @!p0 $0x50, s13  }
0x66: {  	s18 =	smul.u32 @!p0 $0xA000, s18  }
0x67: {  	s16 =	sadd.s32 @!p0 s6, s16  }
0x68: {  	s18 =	sshrl.u32 @!p0 s18, $0x2;
	s26 =	sshll.u32 @!p0 s16, $0x4  }
0x69: {  	s18 =	sor.u32 @!p0 $0x400, s18;
	s16 =	sshrl.u32 @!p0 s16, $0x3;
	s26 =	sadd.s32 @!p0 s4, s26  }
0x6a: {  	[tilespmem:s18], [sflag:$0x1] =	stream.linear.gather @!p0 [hbm4b:s26+s17], $0x2800, $0x38;
	[tilespmem:$0x18E00] =	vst v63  }
0x6b: {  	s7 =	sor.u32 @!p0 $0xA400, s7;
	s16 =	sadd.s32 @!p0 s5, s16;
	s26 =	sshll.u32 s14, $0x7  }
0x6c: {  	[tilespmem:s7], [sflag:$0x1] =	stream.linear.gather @!p0 [hbm4b:s16+s17], $0x50, $0x38;
	[tilespmem:$0x18E00] =	vst v63  }
0x6d: {  	v2 =	vld [tilespmem:s26+$0x0];
	_ =	sdelay $0x1  }
0x6e: {  	v3 =	vld [tilespmem:s26+$0xA400];
	_ =	sdelay $0x2  }
0x6f: {  	v4 =	vsub.s32 v2, v0  }
0x70: {  	vm0 =	vlt.u32 v4, $0x1400;
	v4 =	vmin.u32 v4, $0x1400  }
0x71: {  	[tilespmem:s26+$0x200] =	vst v4;
	v3 =	vnsel vm0, $0x0, v3  }
0x72: {  	[tilespmem:v2+s9+$0x0] =	vst.idx.add.f32.msk $0xffff, v3  }
0x73: {  	v2 =	vld [tilespmem:s26+$0x10];
	_ =	sdelay $0x1  }
0x74: {  	v3 =	vld [tilespmem:s26+$0xA410];
	_ =	sdelay $0x2  }
0x75: {  	v60 =	vsub.s32 v2, v0  }
0x76: {  	vm12 =	vlt.u32 v60, $0x1400;
	v4 =	vmin.u32 v60, $0x1400  }
0x77: {  	[tilespmem:s26+$0x210] =	vst v4;
	v3 =	vnsel vm12, $0x0, v3  }
0x78: {  	[tilespmem:v2+s9+$0x0] =	vst.idx.add.f32.msk $0xffff, v3  }
0x79: {  	v2 =	vld [tilespmem:s26+$0x20];
	_ =	sdelay $0x1  }
0x7a: {  	v3 =	vld [tilespmem:s26+$0xA420];
	_ =	sdelay $0x2  }
0x7b: {  	v61 =	vsub.s32 v2, v0  }
0x7c: {  	vm13 =	vlt.u32 v61, $0x1400;
	v4 =	vmin.u32 v61, $0x1400  }
0x7d: {  	[tilespmem:s26+$0x220] =	vst v4;
	v3 =	vnsel vm13, $0x0, v3  }
0x7e: {  	[tilespmem:v2+s9+$0x0] =	vst.idx.add.f32.msk $0xffff, v3  }
0x7f: {  	v2 =	vld [tilespmem:s26+$0x30];
	_ =	sdelay $0x1  }
0x80: {  	v3 =	vld [tilespmem:s26+$0xA430];
	_ =	sdelay $0x2  }
0x81: {  	v62 =	vsub.s32 v2, v0  }
0x82: {  	vm14 =	vlt.u32 v62, $0x1400;
	v4 =	vmin.u32 v62, $0x1400  }
0x83: {  	[tilespmem:s26+$0x230] =	vst v4;
	v3 =	vnsel vm14, $0x0, v3  }
0x84: {  	[tilespmem:v2+s9+$0x0] =	vst.idx.add.f32.msk $0xffff, v3  }
0x85: {  	v2 =	vld [tilespmem:s26+$0x40];
	_ =	sdelay $0x1  }
0x86: {  	v3 =	vld [tilespmem:s26+$0xA440];
	_ =	sdelay $0x2  }
0x87: {  	s14 =	smul.u32 $0xA000, s14;
	v63 =	vsub.s32 v2, v0  }
0x88: {  	s13 =	simm.s32 @p0 $0x7D;
	vm15 =	vlt.u32 v63, $0x1400;
	v4 =	vmin.u32 v63, $0x1400  }
0x89: {  	s14 =	sshrl.u32 s14, $0x2;
	p0 =	sne.s32 s13, $0x7D;
	[tilespmem:s26+$0x240] =	vst v4;
	v3 =	vnsel vm15, $0x0, v3  }
.Ltmp2:
0x8a: {  	s7 =	sor.u32 $0x200, s26;
	s14 =	sor.u32 $0x400, s14;
	[tilespmem:v2+s9+$0x0] =	vst.idx.add.f32.msk $0xffff, v3;
	(pc) =	sbr.rel @p0 .LBB2_6-.Ltmp2, $4  }
0x8b: {  	[spmem:s1] =	stream.indirect.scatter.add.f32 [tilespmem:s14], [sflag:$0x2], $0x80, s7, s10, $0xb8;
	[tilespmem:$0x18E00] =	vst v63  }
0x8c: {  	_ =	swait.ge [sflag:s0], $0x2800  }
0x8d: {  	[sflag:s0] =	ssyncset.done $0x0  }
0x8e: {  	[sflag:s0] =	ssyncadd.s32 $0xFFFFD800  }
0x8f: {  	[bflag:$0x0] =	sbarrier.arrive $0xFFFF  }
0x90: {  	[tilespmem:s31], [sflag:$0x2] =	stream.linear.gather [spmem:s19], $0x1800, $0x38;
	[tilespmem:$0x18E00] =	vst v63  }
0x91: {  	_ =	swait.ge [sflag:s0], $0x1800  }
0x92: {  	[sflag:s0] =	ssyncset.done $0x0  }
0x93: {  	s7 =	rddreg [dreg:$0x4];
	[sflag:s0] =	ssyncadd.s32 $0xFFFFE800  }
0x94: {  	[hbm4b:s7+s3] =	stream.linear.scatter [tilespmem:s31], [sflag:$0x2], $0x1800, $0x38;
	[tilespmem:$0x18E00] =	vst v63  }
0x95: {  	_ =	swait.ge [sflag:s0], $0x1800  }
0x96: {  	[sflag:s0] =	ssyncset.done $0x0  }
0x97: {  	[sflag:s0] =	ssyncadd.s32 $0xFFFFE800  }
0x98: {  	[tilespmem:s31], [sflag:$0x2] =	stream.linear.gather [spmem:s20], $0x1800, $0x38;
	[tilespmem:$0x18E00] =	vst v63  }
0x99: {  	_ =	swait.ge [sflag:s0], $0x1800  }
0x9a: {  	[sflag:s0] =	ssyncset.done $0x0  }
0x9b: {  	s26 =	rddreg [dreg:$0x5];
	[sflag:s0] =	ssyncadd.s32 $0xFFFFE800  }
0x9c: {  	[hbm4b:s26+s3] =	stream.linear.scatter [tilespmem:s31], [sflag:$0x2], $0x1800, $0x38;
	[tilespmem:$0x18E00] =	vst v63  }
0x9d: {  	_ =	swait.ge [sflag:s0], $0x1800  }
0x9e: {  	[sflag:s0] =	ssyncset.done $0x0  }
0x9f: {  	[sflag:s0] =	ssyncadd.s32 $0xFFFFE800  }
0xa0: {  	[tilespmem:s31], [sflag:$0x2] =	stream.linear.gather [spmem:s21], $0x1800, $0x38;
	[tilespmem:$0x18E00] =	vst v63  }
0xa1: {  	_ =	swait.ge [sflag:s0], $0x1800  }
0xa2: {  	[sflag:s0] =	ssyncset.done $0x0  }
0xa3: {  	s13 =	rddreg [dreg:$0x6];
	[sflag:s0] =	ssyncadd.s32 $0xFFFFE800  }
0xa4: {  	[hbm4b:s13+s3] =	stream.linear.scatter [tilespmem:s31], [sflag:$0x2], $0x1800, $0x38;
	[tilespmem:$0x18E00] =	vst v63  }
0xa5: {  	_ =	swait.ge [sflag:s0], $0x1800  }
0xa6: {  	[sflag:s0] =	ssyncset.done $0x0  }
0xa7: {  	[sflag:s0] =	ssyncadd.s32 $0xFFFFE800  }
0xa8: {  	[tilespmem:s31], [sflag:$0x2] =	stream.linear.gather [spmem:s22], $0x1800, $0x38;
	[tilespmem:$0x18E00] =	vst v63  }
0xa9: {  	_ =	swait.ge [sflag:s0], $0x1800  }
0xaa: {  	[sflag:s0] =	ssyncset.done $0x0  }
0xab: {  	s14 =	rddreg [dreg:$0x7];
	[sflag:s0] =	ssyncadd.s32 $0xFFFFE800  }
0xac: {  	[hbm4b:s14+s3] =	stream.linear.scatter [tilespmem:s31], [sflag:$0x2], $0x1800, $0x38;
	[tilespmem:$0x18E00] =	vst v63  }
0xad: {  	_ =	swait.ge [sflag:s0], $0x1800  }
0xae: {  	[sflag:s0] =	ssyncset.done $0x0  }
0xaf: {  	[sflag:s0] =	ssyncadd.s32 $0xFFFFE800  }
0xb0: {  	[tilespmem:s31], [sflag:$0x2] =	stream.linear.gather [spmem:s23], $0x1800, $0x38;
	[tilespmem:$0x18E00] =	vst v63  }
0xb1: {  	_ =	swait.ge [sflag:s0], $0x1800  }
0xb2: {  	[sflag:s0] =	ssyncset.done $0x0  }
0xb3: {  	s16 =	rddreg [dreg:$0x8];
	[sflag:s0] =	ssyncadd.s32 $0xFFFFE800  }
0xb4: {  	[hbm4b:s16+s3] =	stream.linear.scatter [tilespmem:s31], [sflag:$0x2], $0x1800, $0x38;
	[tilespmem:$0x18E00] =	vst v63  }
0xb5: {  	_ =	swait.ge [sflag:s0], $0x1800  }
0xb6: {  	[sflag:s0] =	ssyncset.done $0x0  }
0xb7: {  	[sflag:s0] =	ssyncadd.s32 $0xFFFFE800  }
0xb8: {  	[tilespmem:s31], [sflag:$0x2] =	stream.linear.gather [spmem:s24], $0x1800, $0x38;
	[tilespmem:$0x18E00] =	vst v63  }
0xb9: {  	_ =	swait.ge [sflag:s0], $0x1800  }
0xba: {  	[sflag:s0] =	ssyncset.done $0x0  }
0xbb: {  	s17 =	rddreg [dreg:$0x9];
	[sflag:s0] =	ssyncadd.s32 $0xFFFFE800  }
0xbc: {  	[hbm4b:s17+s3] =	stream.linear.scatter [tilespmem:s31], [sflag:$0x2], $0x1800, $0x38;
	[tilespmem:$0x18E00] =	vst v63  }
0xbd: {  	_ =	swait.ge [sflag:s0], $0x1800  }
0xbe: {  	[sflag:s0] =	ssyncset.done $0x0  }
0xbf: {  	[sflag:s0] =	ssyncadd.s32 $0xFFFFE800  }
0xc0: {  	[tilespmem:s31], [sflag:$0x2] =	stream.linear.gather [spmem:s25], $0x1800, $0x38;
	[tilespmem:$0x18E00] =	vst v63  }
0xc1: {  	_ =	swait.ge [sflag:s0], $0x1800  }
0xc2: {  	[sflag:s0] =	ssyncset.done $0x0  }
0xc3: {  	s18 =	rddreg [dreg:$0xa];
	[sflag:s0] =	ssyncadd.s32 $0xFFFFE800  }
0xc4: {  	[hbm4b:s18+s3] =	stream.linear.scatter [tilespmem:s31], [sflag:$0x2], $0x1800, $0x38;
	[tilespmem:$0x18E00] =	vst v63  }
0xc5: {  	_ =	swait.ge [sflag:s0], $0x1800  }
0xc6: {  	[sflag:s0] =	ssyncset.done $0x0  }
0xc7: {  	[sflag:s0] =	ssyncadd.s32 $0xFFFFE800  }
0xc8: {  	[hbm4b:s28+s11] =	stream.strided.scatter [tilespmem:s9], [sflag:$0x2], $0x800, s2, s11, $0x38;
	[tilespmem:$0x18E00] =	vst v63  }
0xc9: {  	_ =	swait.ge [sflag:s0], $0x800  }
0xca: {  	[sflag:s0] =	ssyncset.done $0x0  }
0xcb: {  	s13 =	simm.s32 $0xC600;
	s26 =	rddreg [dreg:$0xe];
	[sflag:s0] =	ssyncadd.s32 $0xFFFFF800  }
0xcc: {  	[hbm4b:s26+s11] =	stream.strided.scatter [tilespmem:s13], [sflag:$0x2], $0x800, s2, s11, $0x38;
	[tilespmem:$0x18E00] =	vst v63  }
0xcd: {  	_ =	swait.ge [sflag:s0], $0x800  }
0xce: {  	[sflag:s0] =	ssyncset.done $0x0  }
0xcf: {  	s16 =	simm.s32 $0xCE00;
	s14 =	rddreg [dreg:$0xf];
	[sflag:s0] =	ssyncadd.s32 $0xFFFFF800  }
0xd0: {  	[hbm4b:s14+s11] =	stream.strided.scatter [tilespmem:s16], [sflag:$0x2], $0x800, s2, s11, $0x38;
	[tilespmem:$0x18E00] =	vst v63  }
0xd1: {  	_ =	swait.ge [sflag:s0], $0x800  }
0xd2: {  	[sflag:s0] =	ssyncset.done $0x0  }
0xd3: {  	s17 =	simm.s32 $0xD600;
	[sflag:s0] =	ssyncadd.s32 $0xFFFFF800  }
0xd4: {  	[hbm4b:s29+s11] =	stream.strided.scatter [tilespmem:s17], [sflag:$0x2], $0x800, s2, s11, $0x38;
	[tilespmem:$0x18E00] =	vst v63  }
0xd5: {  	_ =	swait.ge [sflag:s0], $0x800  }
0xd6: {  	[sflag:s0] =	ssyncset.done $0x0  }
0xd7: {  	s18 =	simm.s32 $0xDE00;
	[sflag:s0] =	ssyncadd.s32 $0xFFFFF800  }
0xd8: {  	[hbm4b:s30+s11] =	stream.strided.scatter [tilespmem:s18], [sflag:$0x2], $0x800, s2, s11, $0x38;
	[tilespmem:$0x18E00] =	vst v63  }
0xd9: {  	_ =	swait.ge [sflag:s0], $0x800  }
0xda: {  	s12 =	sadd.s32 $0x1, s12;
	s26 =	rddreg [dreg:$0xd]  }
0xdb: {  	p0 =	sne.s32 s12, s26  }
.Ltmp3:
0xdc: {  	_ = 	snop;
	(pc) =	sbr.rel @p0 .LBB2_1-.Ltmp3, $3  }
0xdd: {  	_ =	sdelay $0x1  }
0xde: {  	[sflag:s0] =	ssyncset.done $0x0  }
0xdf: {  	[sflag:s0] =	ssyncadd.s32 $0xFFFFF800  }
0xe0: {  	_ =	sfence.sel $0x180000  }
0xe1: {  	[bflag:$0x0] =	sbarrier.arrive $0xFFFF  }
0xe2: {  	_ =	strace $0x90000050  }
0xe3: {  	s0 =	stileid.u32;
	[bflag:$0x2] =	sbarrier.arrive $0xFFFF  }
0xe4: {  	p0 =	sne.s32 s0, $0x0;
	s0 =	rddreg [dreg:$0x3]  }
0xe5: {  	s0 =	sadd.s32 @!p0 $0x100000, s0  }
0xe6: {  	[sflag:s0] =	ssyncadd.tile.s32 @!p0 $0x1;
	_ =	shalt  }
.Lfunc_end2:
_tile_overlayer_lowered:
.L_overlay_start_2:
0xe7: {  	(tag) =	ssettag $0x2  }
0xe8: {  	s0 =	rddreg [dreg:$0x0];
	s2 =	stileid.u32  }
0xe9: {  	s1 =	rddreg [dreg:$0x1];
	p0 =	sne.s32 s2, $0x0  }
0xea: {  	s3 =	rddreg [dreg:$0x2];
	[bflag:$0x3] =	sbarrier.arrive $0xFFFF;
	s2 =	simm.s32 @!p0 $0x1C02  }
0xeb: {  	[timem:s3], [sflag:s2] =	dma.local @!p0 [hbm:s0], s1  }
0xec: {  	s0 =	simm.s32 @!p0 $0x2  }
0xed: {  	_ =	swait.ge @!p0 [sflag:s0], s1  }
0xee: {  	s1 =	ssub.s32 @!p0 $0x0, s1;
	[sflag:s0] =	ssyncset.done @!p0 $0x0  }
0xef: {  	[sflag:s0] =	ssyncadd.s32 @!p0 s1  }
0xf0: {  	[bflag:$0x3] =	sbarrier.arrive $0xFFFF  }
0xf1: {  	_ =	shalt  }

</sc_bundles>
